<compile_context>
chip_gen: v7x
topology: tpu7x:2x2x1
jax: 0.10.2.dev20260603
libtpu: 0.0.44.dev20260713+nightly
codegen_flags: <defaults>
</compile_context>

<pallas_src>
import functools

import jax
import jax.numpy as jnp
from jax import lax
from jax.experimental import pallas as pl
from jax.experimental.pallas import tpu as pltpu
from jax.experimental.pallas import tpu_sc as plsc

NTOKEN = 100000
D = 64
B = 16384
L = 50
N = B * L
NC = 2
NS = 16
NW = NC * NS
CHUNK = 128
PAIRS = CHUNK // 2
PER_W = N // NW
NSTEPS = PER_W // CHUNK
LANES = 16

_mesh = plsc.VectorSubcoreMesh(core_axis_name="c", subcore_axis_name="s")


@functools.partial(
    pl.kernel,
    out_type=(
        jax.ShapeDtypeStruct((N // 2, 128), jnp.float32),
        jax.ShapeDtypeStruct((N // 2, 128), jnp.float32),
        jax.ShapeDtypeStruct((NW * LANES,), jnp.float32),
    ),
    mesh=_mesh,
    compiler_params=pltpu.CompilerParams(use_tc_tiling_on_sc=False),
    scratch_types=[
        pltpu.VMEM((NSTEPS, CHUNK), jnp.int32),
        [pltpu.VMEM((CHUNK, D), jnp.float32)] * 2,
        [pltpu.VMEM((CHUNK, D), jnp.float32)] * 2,
        [pltpu.VMEM((PAIRS, 128), jnp.float32)] * 2,
        [pltpu.VMEM((PAIRS, 128), jnp.float32)] * 2,
        pltpu.VMEM((LANES,), jnp.float32),
        [pltpu.SemaphoreType.DMA] * 2,
        [pltpu.SemaphoreType.DMA] * 2,
    ],
)
def _sc_gather(idx_hbm, enc_hbm, glv_hbm, out_e, out_g, out_p,
               idx_v, e_slots, g_slots, es_slots, gs_slots, acc_v, gsems, wsems):
    wid = lax.axis_index("s") * NC + lax.axis_index("c")
    row0 = wid * PER_W
    q0 = row0 // 2
    pltpu.sync_copy(idx_hbm.at[pl.ds(wid * NSTEPS, NSTEPS)], idx_v)

    def fire_gather(k, s):
        pltpu.async_copy(enc_hbm.at[idx_v.at[k]], e_slots[s], gsems[s])
        pltpu.async_copy(glv_hbm.at[idx_v.at[k]], g_slots[s], gsems[s])

    def wait_gather(s):
        pltpu.make_async_copy(enc_hbm.at[idx_v.at[0]], e_slots[s], gsems[s]).wait()
        pltpu.make_async_copy(glv_hbm.at[idx_v.at[0]], g_slots[s], gsems[s]).wait()

    def fire_write(k, s):
        dst = pl.ds(q0 + k * PAIRS, PAIRS)
        pltpu.async_copy(es_slots[s], out_e.at[dst], wsems[s])
        pltpu.async_copy(gs_slots[s], out_g.at[dst], wsems[s])

    def wait_write(s):
        pltpu.make_async_copy(es_slots[s], out_e.at[pl.ds(0, PAIRS)], wsems[s]).wait()
        pltpu.make_async_copy(gs_slots[s], out_g.at[pl.ds(0, PAIRS)], wsems[s]).wait()

    def compute(s, accs):
        e_v, g_v = e_slots[s], g_slots[s]
        es_v, gs_v = es_slots[s], gs_slots[s]

        def pair_body(p, accs):
            a0, a1, a2, a3 = accs
            i0 = 2 * p
            i1 = i0 + 1
            for j in range(4):
                ve = e_v[i0, pl.ds(16 * j, LANES)]
                vg = g_v[i0, pl.ds(16 * j, LANES)]
                es_v[p, pl.ds(16 * j, LANES)] = ve
                gs_v[p, pl.ds(16 * j, LANES)] = vg
                d = ve - vg
                if j == 0:
                    a0 += d * d
                elif j == 1:
                    a1 += d * d
                elif j == 2:
                    a2 += d * d
                else:
                    a3 += d * d
            for j in range(4):
                ve = e_v[i1, pl.ds(16 * j, LANES)]
                vg = g_v[i1, pl.ds(16 * j, LANES)]
                es_v[p, pl.ds(64 + 16 * j, LANES)] = ve
                gs_v[p, pl.ds(64 + 16 * j, LANES)] = vg
                d = ve - vg
                if j == 0:
                    a0 += d * d
                elif j == 1:
                    a1 += d * d
                elif j == 2:
                    a2 += d * d
                else:
                    a3 += d * d
            return (a0, a1, a2, a3)

        return lax.fori_loop(0, PAIRS, pair_body, accs)

    def service(k, s, accs, *, first=False, last=False):
        wait_gather(s)
        if not first:
            wait_write(s)
        accs = compute(s, accs)
        fire_write(k, s)
        if not last:
            fire_gather(k + 2, s)
        return accs

    zero = jnp.zeros((LANES,), jnp.float32)
    accs = (zero, zero, zero, zero)

    fire_gather(0, 0)
    fire_gather(1, 1)
    accs = service(0, 0, accs, first=True)
    accs = service(1, 1, accs, first=True)

    def group_body(g, accs):
        k = 2 * g
        accs = service(k, 0, accs)
        accs = service(k + 1, 1, accs)
        return accs

    accs = lax.fori_loop(1, NSTEPS // 2 - 1, group_body, accs)

    k = NSTEPS - 2
    accs = service(k, 0, accs, last=True)
    accs = service(k + 1, 1, accs, last=True)
    wait_write(0)
    wait_write(1)

    a0, a1, a2, a3 = accs
    acc_v[...] = (a0 + a1) + (a2 + a3)
    pltpu.sync_copy(acc_v, out_p.at[pl.ds(wid * LANES, LANES)])


def _tc_sum_body(p_ref, o_ref):
    o_ref[0, 0] = jnp.sum(p_ref[...]) * jnp.float32(1.0 / (N * D))


_tc_sum = pl.pallas_call(
    _tc_sum_body,
    out_shape=jax.ShapeDtypeStruct((1, 1), jnp.float32),
    out_specs=pl.BlockSpec(memory_space=pltpu.SMEM),
)


def kernel(input, encoder_weight, glove_weight):
    idx = input.reshape(N // CHUNK, CHUNK).astype(jnp.int32)
    emb2, emb_glove2, parts = _sc_gather(idx, encoder_weight, glove_weight)
    glove_loss = _tc_sum(parts.reshape(4, 128))[0, 0]
    return (emb2.reshape(B, L, D), emb_glove2.reshape(B, L, D), glove_loss)

# --- scband reference (transcript-rebuilt; emitter-appended) ---
"""Pipeline reference for scband-glove-encoder-model-68710886802107 (READ-ONLY COPY).

The authoritative reference and input builder live on the scoring server;
editing this copy changes nothing except your own understanding.
"""

import jax, jax.numpy as jnp
import numpy as np

NTOKEN = 100000
NINP = 64
B = 16384
L = 50

def setup_inputs(seed: int = 0) -> dict:
    key = jax.random.key(seed)
    k1, k2, k3 = jax.random.split(key, 3)
    # forward arg
    inp = jax.random.randint(k1, (B, L), 0, NTOKEN, dtype=jnp.int64) if jax.config.jax_enable_x64 else jax.random.randint(k1, (B, L), 0, NTOKEN, dtype=jnp.int32)
    # learned embedding table (encoder), initialized uniform(-0.1, 0.1) like init_weights
    encoder_weight = jax.random.uniform(k2, (NTOKEN, NINP), dtype=jnp.float32, minval=-0.1, maxval=0.1)
    # frozen pretrained glove table passed at construction
    glove_weight = jax.random.normal(k3, (NTOKEN, NINP), dtype=jnp.float32)
    return {"input": inp, "encoder_weight": encoder_weight, "glove_weight": glove_weight}

def reference(input, encoder_weight, glove_weight):
    # emb = self.encoder(input)
    emb = jnp.take(encoder_weight, input, axis=0)
    # emb_glove = self.glove_encoder[input]
    emb_glove = jnp.take(glove_weight, input, axis=0)
    # torch.squeeze(emb, 0) is a no-op when batch dim != 1 (B=16384 here)
    # glove_loss = mean(mse_loss(emb, emb_glove)); F.mse_loss already reduces to scalar mean
    glove_loss = jnp.mean((emb - emb_glove) ** 2)
    return (emb, emb_glove, glove_loss)

if __name__ == "__main__":
    import jax
    _d = setup_inputs()
    print(jax.jit(kernel)(*tuple(_d.values())))

</pallas_src>

<mosaic_0001>
#map = affine_map<(d0, d1) -> (0, 0)>
#map1 = affine_map<(d0, d1) -> (0)>
module attributes {stable_mosaic.version = 14 : i64} {
  func.func @_sc_gather(%arg0: i32, %arg1: i32, %arg2: memref<6400x128xi32, #tpu.memory_space<hbm>>, %arg3: memref<100000x64xf32, #tpu.memory_space<hbm>>, %arg4: memref<100000x64xf32, #tpu.memory_space<hbm>>, %arg5: memref<409600x128xf32, #tpu.memory_space<hbm>>, %arg6: memref<409600x128xf32, #tpu.memory_space<hbm>>, %arg7: memref<512xf32, #tpu.memory_space<hbm>>, %arg8: memref<200x128xi32, #tpu.memory_space<vmem>>, %arg9: memref<128x64xf32, #tpu.memory_space<vmem>>, %arg10: memref<128x64xf32, #tpu.memory_space<vmem>>, %arg11: memref<128x64xf32, #tpu.memory_space<vmem>>, %arg12: memref<128x64xf32, #tpu.memory_space<vmem>>, %arg13: memref<64x128xf32, #tpu.memory_space<vmem>>, %arg14: memref<64x128xf32, #tpu.memory_space<vmem>>, %arg15: memref<64x128xf32, #tpu.memory_space<vmem>>, %arg16: memref<64x128xf32, #tpu.memory_space<vmem>>, %arg17: memref<16xf32, #tpu.memory_space<vmem>>, %arg18: memref<!tpu.dma_semaphore, #tpu.memory_space<semaphore_mem>>, %arg19: memref<!tpu.dma_semaphore, #tpu.memory_space<semaphore_mem>>, %arg20: memref<!tpu.dma_semaphore, #tpu.memory_space<semaphore_mem>>, %arg21: memref<!tpu.dma_semaphore, #tpu.memory_space<semaphore_mem>>) attributes {dimension_semantics = [#tpu.dimension_semantics<core_parallel>, #tpu.dimension_semantics<subcore_parallel>], iteration_bounds = array<i64: 2, 16>, scalar_prefetch = 0 : i64, scratch_operands = 14 : i64, tpu.core_type = #tpu.core_type<sc_vector_subcore>, window_params = [{transform_indices = #map}, {transform_indices = #map}, {transform_indices = #map}, {transform_indices = #map}, {transform_indices = #map}, {transform_indices = #map1}]} {
    %mul3A = arith.constant 2 : i32
    %mul3A_0 = arith.muli %arg1, %mul3A : i32
    %add3A = arith.addi %mul3A_0, %arg0 : i32
    %mul3A_1 = arith.constant 25600 : i32
    %mul3A_2 = arith.muli %add3A, %mul3A_1 : i32
    %jit3A = arith.constant 2 : i32
    %div3A = arith.divsi %mul3A_2, %jit3A : i32
    %sign3A = arith.constant 0 : i32
    %sign3A_3 = arith.cmpi sgt, %mul3A_2, %sign3A : i32
    %sign3A_4 = arith.extui %sign3A_3 : i1 to i32
    %sign3A_5 = arith.constant 0 : i32
    %sign3A_6 = arith.cmpi slt, %mul3A_2, %sign3A_5 : i32
    %sign3A_7 = arith.extui %sign3A_6 : i1 to i32
    %sign3A_8 = arith.subi %sign3A_4, %sign3A_7 : i32
    %sign3A_9 = arith.constant 0 : i32
    %sign3A_10 = arith.cmpi sgt, %jit3A, %sign3A_9 : i32
    %sign3A_11 = arith.extui %sign3A_10 : i1 to i32
    %sign3A_12 = arith.constant 0 : i32
    %sign3A_13 = arith.cmpi slt, %jit3A, %sign3A_12 : i32
    %sign3A_14 = arith.extui %sign3A_13 : i1 to i32
    %sign3A_15 = arith.subi %sign3A_11, %sign3A_14 : i32
    %ne3A = arith.cmpi ne, %sign3A_8, %sign3A_15 : i32
    %rem3A = arith.remsi %mul3A_2, %jit3A : i32
    %ne3A_16 = arith.constant 0 : i32
    %ne3A_17 = arith.cmpi ne, %rem3A, %ne3A_16 : i32
    %and3A = arith.andi %ne3A, %ne3A_17 : i1
    %sub3A = arith.constant 1 : i32
    %sub3A_18 = arith.subi %div3A, %sub3A : i32
    %select_n3A = arith.select %and3A, %sub3A_18, %div3A : i32
    %mul3A_19 = arith.constant 200 : i32
    %mul3A_20 = arith.muli %add3A, %mul3A_19 : i32
    "tpu.region"() ({
      %run_scoped3A = tpu.sem_alloc : memref<!tpu.dma_semaphore, #tpu.memory_space<semaphore_mem>>
      %dma_start3A_257 = arith.constant 0 : i32
      %dma_start3A_258 = tpu.memref_slice %arg2[%mul3A_20, %dma_start3A_257] : memref<6400x128xi32, #tpu.memory_space<hbm>> -> memref<200x128xi32, #tpu.memory_space<hbm>>
      %dma_start3A_259 = arith.constant 0 : i32
      %dma_start3A_260 = tpu.memref_slice %arg2[%mul3A_20, %dma_start3A_259] : memref<6400x128xi32, #tpu.memory_space<hbm>> -> memref<200x128xi32, #tpu.memory_space<hbm>>
      tpu.enqueue_dma source(%dma_start3A_260 : memref<200x128xi32, #tpu.memory_space<hbm>>) target(%arg8 : memref<200x128xi32, #tpu.memory_space<vmem>>) target_semaphore(%run_scoped3A : memref<!tpu.dma_semaphore, #tpu.memory_space<semaphore_mem>>)
      %dma_wait3A_261 = arith.constant 0 : i32
      %dma_wait3A_262 = tpu.memref_slice %arg2[%mul3A_20, %dma_wait3A_261] : memref<6400x128xi32, #tpu.memory_space<hbm>> -> memref<200x128xi32, #tpu.memory_space<hbm>>
      %dma_wait3A_263 = arith.constant 0 : i32
      %dma_wait3A_264 = tpu.memref_slice %arg2[%mul3A_20, %dma_wait3A_263] : memref<6400x128xi32, #tpu.memory_space<hbm>> -> memref<200x128xi32, #tpu.memory_space<hbm>>
      tpu.wait_dma2 semaphore(%run_scoped3A : memref<!tpu.dma_semaphore, #tpu.memory_space<semaphore_mem>>) src(%dma_wait3A_264 : memref<200x128xi32, #tpu.memory_space<hbm>>) dst(%arg8 : memref<200x128xi32, #tpu.memory_space<vmem>>)
      tpu.yield
    }) : () -> ()
    %broadcast_in_dim3A = arith.constant 0.000000e+00 : f32
    %broadcast_in_dim3A_21 = vector.broadcast %broadcast_in_dim3A : f32 to vector<16xf32>
    %dma_start3A = arith.constant 0 : i32
    %dma_start3A_22 = arith.constant 0 : i32
    %dma_start3A_23 = tpu.memref_slice %arg8[%dma_start3A, %dma_start3A_22] : memref<200x128xi32, #tpu.memory_space<vmem>> -> memref<1x128xi32, #tpu.memory_space<vmem>>
    %dma_start3A_24 = tpu.memref_squeeze %dma_start3A_23 : memref<1x128xi32, #tpu.memory_space<vmem>> -> memref<128xi32, #tpu.memory_space<vmem>>
    %dma_start3A_25 = arith.constant 0 : i32
    %dma_start3A_26 = arith.constant 0 : i32
    %dma_start3A_27 = tpu.memref_slice %arg3[%dma_start3A_25, %dma_start3A_26] : memref<100000x64xf32, #tpu.memory_space<hbm>> -> memref<100000x64xf32, #tpu.memory_space<hbm>>
    tpu.enqueue_indirect_dma source(%dma_start3A_27 : memref<100000x64xf32, #tpu.memory_space<hbm>>) target(%arg9 : memref<128x64xf32, #tpu.memory_space<vmem>>) offsets(%dma_start3A_24 : memref<128xi32, #tpu.memory_space<vmem>>) semaphore(%arg18 : memref<!tpu.dma_semaphore, #tpu.memory_space<semaphore_mem>>)
    %dma_start3A_28 = arith.constant 0 : i32
    %dma_start3A_29 = arith.constant 0 : i32
    %dma_start3A_30 = tpu.memref_slice %arg8[%dma_start3A_28, %dma_start3A_29] : memref<200x128xi32, #tpu.memory_space<vmem>> -> memref<1x128xi32, #tpu.memory_space<vmem>>
    %dma_start3A_31 = tpu.memref_squeeze %dma_start3A_30 : memref<1x128xi32, #tpu.memory_space<vmem>> -> memref<128xi32, #tpu.memory_space<vmem>>
    %dma_start3A_32 = arith.constant 0 : i32
    %dma_start3A_33 = arith.constant 0 : i32
    %dma_start3A_34 = tpu.memref_slice %arg4[%dma_start3A_32, %dma_start3A_33] : memref<100000x64xf32, #tpu.memory_space<hbm>> -> memref<100000x64xf32, #tpu.memory_space<hbm>>
    tpu.enqueue_indirect_dma source(%dma_start3A_34 : memref<100000x64xf32, #tpu.memory_space<hbm>>) target(%arg11 : memref<128x64xf32, #tpu.memory_space<vmem>>) offsets(%dma_start3A_31 : memref<128xi32, #tpu.memory_space<vmem>>) semaphore(%arg18 : memref<!tpu.dma_semaphore, #tpu.memory_space<semaphore_mem>>)
    %dma_start3A_35 = arith.constant 1 : i32
    %dma_start3A_36 = arith.constant 0 : i32
    %dma_start3A_37 = tpu.memref_slice %arg8[%dma_start3A_35, %dma_start3A_36] : memref<200x128xi32, #tpu.memory_space<vmem>> -> memref<1x128xi32, #tpu.memory_space<vmem>>
    %dma_start3A_38 = tpu.memref_squeeze %dma_start3A_37 : memref<1x128xi32, #tpu.memory_space<vmem>> -> memref<128xi32, #tpu.memory_space<vmem>>
    %dma_start3A_39 = arith.constant 0 : i32
    %dma_start3A_40 = arith.constant 0 : i32
    %dma_start3A_41 = tpu.memref_slice %arg3[%dma_start3A_39, %dma_start3A_40] : memref<100000x64xf32, #tpu.memory_space<hbm>> -> memref<100000x64xf32, #tpu.memory_space<hbm>>
    tpu.enqueue_indirect_dma source(%dma_start3A_41 : memref<100000x64xf32, #tpu.memory_space<hbm>>) target(%arg10 : memref<128x64xf32, #tpu.memory_space<vmem>>) offsets(%dma_start3A_38 : memref<128xi32, #tpu.memory_space<vmem>>) semaphore(%arg19 : memref<!tpu.dma_semaphore, #tpu.memory_space<semaphore_mem>>)
    %dma_start3A_42 = arith.constant 1 : i32
    %dma_start3A_43 = arith.constant 0 : i32
    %dma_start3A_44 = tpu.memref_slice %arg8[%dma_start3A_42, %dma_start3A_43] : memref<200x128xi32, #tpu.memory_space<vmem>> -> memref<1x128xi32, #tpu.memory_space<vmem>>
    %dma_start3A_45 = tpu.memref_squeeze %dma_start3A_44 : memref<1x128xi32, #tpu.memory_space<vmem>> -> memref<128xi32, #tpu.memory_space<vmem>>
    %dma_start3A_46 = arith.constant 0 : i32
    %dma_start3A_47 = arith.constant 0 : i32
    %dma_start3A_48 = tpu.memref_slice %arg4[%dma_start3A_46, %dma_start3A_47] : memref<100000x64xf32, #tpu.memory_space<hbm>> -> memref<100000x64xf32, #tpu.memory_space<hbm>>
    tpu.enqueue_indirect_dma source(%dma_start3A_48 : memref<100000x64xf32, #tpu.memory_space<hbm>>) target(%arg12 : memref<128x64xf32, #tpu.memory_space<vmem>>) offsets(%dma_start3A_45 : memref<128xi32, #tpu.memory_space<vmem>>) semaphore(%arg19 : memref<!tpu.dma_semaphore, #tpu.memory_space<semaphore_mem>>)
    %dma_wait3A = arith.constant 0 : i32
    %dma_wait3A_49 = arith.constant 0 : i32
    %dma_wait3A_50 = tpu.memref_slice %arg8[%dma_wait3A, %dma_wait3A_49] : memref<200x128xi32, #tpu.memory_space<vmem>> -> memref<1x128xi32, #tpu.memory_space<vmem>>
    %dma_wait3A_51 = tpu.memref_squeeze %dma_wait3A_50 : memref<1x128xi32, #tpu.memory_space<vmem>> -> memref<128xi32, #tpu.memory_space<vmem>>
    %dma_wait3A_52 = arith.constant 0 : i32
    %dma_wait3A_53 = arith.constant 0 : i32
    %dma_wait3A_54 = tpu.memref_slice %arg3[%dma_wait3A_52, %dma_wait3A_53] : memref<100000x64xf32, #tpu.memory_space<hbm>> -> memref<100000x64xf32, #tpu.memory_space<hbm>>
    tpu.wait_indirect_dma semaphore(%arg18 : memref<!tpu.dma_semaphore, #tpu.memory_space<semaphore_mem>>) src(%dma_wait3A_54 : memref<100000x64xf32, #tpu.memory_space<hbm>>) dst(%arg9 : memref<128x64xf32, #tpu.memory_space<vmem>>)
    %dma_wait3A_55 = arith.constant 0 : i32
    %dma_wait3A_56 = arith.constant 0 : i32
    %dma_wait3A_57 = tpu.memref_slice %arg8[%dma_wait3A_55, %dma_wait3A_56] : memref<200x128xi32, #tpu.memory_space<vmem>> -> memref<1x128xi32, #tpu.memory_space<vmem>>
    %dma_wait3A_58 = tpu.memref_squeeze %dma_wait3A_57 : memref<1x128xi32, #tpu.memory_space<vmem>> -> memref<128xi32, #tpu.memory_space<vmem>>
    %dma_wait3A_59 = arith.constant 0 : i32
    %dma_wait3A_60 = arith.constant 0 : i32
    %dma_wait3A_61 = tpu.memref_slice %arg4[%dma_wait3A_59, %dma_wait3A_60] : memref<100000x64xf32, #tpu.memory_space<hbm>> -> memref<100000x64xf32, #tpu.memory_space<hbm>>
    tpu.wait_indirect_dma semaphore(%arg18 : memref<!tpu.dma_semaphore, #tpu.memory_space<semaphore_mem>>) src(%dma_wait3A_61 : memref<100000x64xf32, #tpu.memory_space<hbm>>) dst(%arg11 : memref<128x64xf32, #tpu.memory_space<vmem>>)
    %scan3A = arith.constant 0 : i32
    %scan3A_62 = arith.constant 64 : i32
    %scan3A_63 = arith.addi %scan3A, %scan3A_62 : i32
    %scan3A_64 = arith.constant 1 : i32
    %scan3A_65:4 = scf.for %scan3A_257 = %scan3A to %scan3A_63 step %scan3A_64 iter_args(%scan3A_258 = %broadcast_in_dim3A_21, %scan3A_259 = %broadcast_in_dim3A_21, %scan3A_260 = %broadcast_in_dim3A_21, %scan3A_261 = %broadcast_in_dim3A_21) -> (vector<16xf32>, vector<16xf32>, vector<16xf32>, vector<16xf32>)  : i32 {
      %mul3A_262 = arith.constant 2 : i32
      %mul3A_263 = arith.muli %mul3A_262, %scan3A_257 : i32
      %add3A_264 = arith.constant 1 : i32
      %add3A_265 = arith.addi %mul3A_263, %add3A_264 : i32
      %get3A = arith.index_cast %mul3A_263 : i32 to index
      %get3A_266 = arith.constant 0 : index
      %get3A_267 = tpu.vector_load %arg9[%get3A, %get3A_266] {strides = array<i32>} : memref<128x64xf32, #tpu.memory_space<vmem>>, vector<1x16xf32>,
      %get3A_268 = vector.shape_cast %get3A_267 : vector<1x16xf32> to vector<16xf32>
      %get3A_269 = arith.index_cast %mul3A_263 : i32 to index
      %get3A_270 = arith.constant 0 : index
      %get3A_271 = tpu.vector_load %arg11[%get3A_269, %get3A_270] {strides = array<i32>} : memref<128x64xf32, #tpu.memory_space<vmem>>, vector<1x16xf32>,
      %get3A_272 = vector.shape_cast %get3A_271 : vector<1x16xf32> to vector<16xf32>
      %swap3A_273 = arith.index_cast %scan3A_257 : i32 to index
      %swap3A_274 = arith.constant 0 : index
      %swap3A_275 = tpu.vector_load %arg13[%swap3A_273, %swap3A_274] {strides = array<i32>} : memref<64x128xf32, #tpu.memory_space<vmem>>, vector<1x16xf32>,
      %swap3A_276 = vector.shape_cast %swap3A_275 : vector<1x16xf32> to vector<16xf32>
      %swap3A_277 = vector.shape_cast %get3A_268 : vector<16xf32> to vector<1x16xf32>
      tpu.vector_store %arg13[%swap3A_273, %swap3A_274], %swap3A_277 {strides = array<i32>} : memref<64x128xf32, #tpu.memory_space<vmem>>, vector<1x16xf32>,
      %swap3A_278 = arith.index_cast %scan3A_257 : i32 to index
      %swap3A_279 = arith.constant 0 : index
      %swap3A_280 = tpu.vector_load %arg15[%swap3A_278, %swap3A_279] {strides = array<i32>} : memref<64x128xf32, #tpu.memory_space<vmem>>, vector<1x16xf32>,
      %swap3A_281 = vector.shape_cast %swap3A_280 : vector<1x16xf32> to vector<16xf32>
      %swap3A_282 = vector.shape_cast %get3A_272 : vector<16xf32> to vector<1x16xf32>
      tpu.vector_store %arg15[%swap3A_278, %swap3A_279], %swap3A_282 {strides = array<i32>} : memref<64x128xf32, #tpu.memory_space<vmem>>, vector<1x16xf32>,
      %sub3A_283 = arith.subf %get3A_268, %get3A_272 : vector<16xf32>
      %mul3A_284 = arith.mulf %sub3A_283, %sub3A_283 : vector<16xf32>
      %add3A_285 = arith.addf %scan3A_258, %mul3A_284 : vector<16xf32>
      %get3A_286 = arith.index_cast %mul3A_263 : i32 to index
      %get3A_287 = arith.constant 16 : index
      %get3A_288 = tpu.vector_load %arg9[%get3A_286, %get3A_287] {strides = array<i32>} : memref<128x64xf32, #tpu.memory_space<vmem>>, vector<1x16xf32>,
      %get3A_289 = vector.shape_cast %get3A_288 : vector<1x16xf32> to vector<16xf32>
      %get3A_290 = arith.index_cast %mul3A_263 : i32 to index
      %get3A_291 = arith.constant 16 : index
      %get3A_292 = tpu.vector_load %arg11[%get3A_290, %get3A_291] {strides = array<i32>} : memref<128x64xf32, #tpu.memory_space<vmem>>, vector<1x16xf32>,
      %get3A_293 = vector.shape_cast %get3A_292 : vector<1x16xf32> to vector<16xf32>
      %swap3A_294 = arith.index_cast %scan3A_257 : i32 to index
      %swap3A_295 = arith.constant 16 : index
      %swap3A_296 = tpu.vector_load %arg13[%swap3A_294, %swap3A_295] {strides = array<i32>} : memref<64x128xf32, #tpu.memory_space<vmem>>, vector<1x16xf32>,
      %swap3A_297 = vector.shape_cast %swap3A_296 : vector<1x16xf32> to vector<16xf32>
      %swap3A_298 = vector.shape_cast %get3A_289 : vector<16xf32> to vector<1x16xf32>
      tpu.vector_store %arg13[%swap3A_294, %swap3A_295], %swap3A_298 {strides = array<i32>} : memref<64x128xf32, #tpu.memory_space<vmem>>, vector<1x16xf32>,
      %swap3A_299 = arith.index_cast %scan3A_257 : i32 to index
      %swap3A_300 = arith.constant 16 : index
      %swap3A_301 = tpu.vector_load %arg15[%swap3A_299, %swap3A_300] {strides = array<i32>} : memref<64x128xf32, #tpu.memory_space<vmem>>, vector<1x16xf32>,
      %swap3A_302 = vector.shape_cast %swap3A_301 : vector<1x16xf32> to vector<16xf32>
      %swap3A_303 = vector.shape_cast %get3A_293 : vector<16xf32> to vector<1x16xf32>
      tpu.vector_store %arg15[%swap3A_299, %swap3A_300], %swap3A_303 {strides = array<i32>} : memref<64x128xf32, #tpu.memory_space<vmem>>, vector<1x16xf32>,
      %sub3A_304 = arith.subf %get3A_289, %get3A_293 : vector<16xf32>
      %mul3A_305 = arith.mulf %sub3A_304, %sub3A_304 : vector<16xf32>
      %add3A_306 = arith.addf %scan3A_259, %mul3A_305 : vector<16xf32>
      %get3A_307 = arith.index_cast %mul3A_263 : i32 to index
      %get3A_308 = arith.constant 32 : index
      %get3A_309 = tpu.vector_load %arg9[%get3A_307, %get3A_308] {strides = array<i32>} : memref<128x64xf32, #tpu.memory_space<vmem>>, vector<1x16xf32>,
      %get3A_310 = vector.shape_cast %get3A_309 : vector<1x16xf32> to vector<16xf32>
      %get3A_311 = arith.index_cast %mul3A_263 : i32 to index
      %get3A_312 = arith.constant 32 : index
      %get3A_313 = tpu.vector_load %arg11[%get3A_311, %get3A_312] {strides = array<i32>} : memref<128x64xf32, #tpu.memory_space<vmem>>, vector<1x16xf32>,
      %get3A_314 = vector.shape_cast %get3A_313 : vector<1x16xf32> to vector<16xf32>
      %swap3A_315 = arith.index_cast %scan3A_257 : i32 to index
      %swap3A_316 = arith.constant 32 : index
      %swap3A_317 = tpu.vector_load %arg13[%swap3A_315, %swap3A_316] {strides = array<i32>} : memref<64x128xf32, #tpu.memory_space<vmem>>, vector<1x16xf32>,
      %swap3A_318 = vector.shape_cast %swap3A_317 : vector<1x16xf32> to vector<16xf32>
      %swap3A_319 = vector.shape_cast %get3A_310 : vector<16xf32> to vector<1x16xf32>
      tpu.vector_store %arg13[%swap3A_315, %swap3A_316], %swap3A_319 {strides = array<i32>} : memref<64x128xf32, #tpu.memory_space<vmem>>, vector<1x16xf32>,
      %swap3A_320 = arith.index_cast %scan3A_257 : i32 to index
      %swap3A_321 = arith.constant 32 : index
      %swap3A_322 = tpu.vector_load %arg15[%swap3A_320, %swap3A_321] {strides = array<i32>} : memref<64x128xf32, #tpu.memory_space<vmem>>, vector<1x16xf32>,
      %swap3A_323 = vector.shape_cast %swap3A_322 : vector<1x16xf32> to vector<16xf32>
      %swap3A_324 = vector.shape_cast %get3A_314 : vector<16xf32> to vector<1x16xf32>
      tpu.vector_store %arg15[%swap3A_320, %swap3A_321], %swap3A_324 {strides = array<i32>} : memref<64x128xf32, #tpu.memory_space<vmem>>, vector<1x16xf32>,
      %sub3A_325 = arith.subf %get3A_310, %get3A_314 : vector<16xf32>
      %mul3A_326 = arith.mulf %sub3A_325, %sub3A_325 : vector<16xf32>
      %add3A_327 = arith.addf %scan3A_260, %mul3A_326 : vector<16xf32>
      %get3A_328 = arith.index_cast %mul3A_263 : i32 to index
      %get3A_329 = arith.constant 48 : index
      %get3A_330 = tpu.vector_load %arg9[%get3A_328, %get3A_329] {strides = array<i32>} : memref<128x64xf32, #tpu.memory_space<vmem>>, vector<1x16xf32>,
      %get3A_331 = vector.shape_cast %get3A_330 : vector<1x16xf32> to vector<16xf32>
      %get3A_332 = arith.index_cast %mul3A_263 : i32 to index
      %get3A_333 = arith.constant 48 : index
      %get3A_334 = tpu.vector_load %arg11[%get3A_332, %get3A_333] {strides = array<i32>} : memref<128x64xf32, #tpu.memory_space<vmem>>, vector<1x16xf32>,
      %get3A_335 = vector.shape_cast %get3A_334 : vector<1x16xf32> to vector<16xf32>
      %swap3A_336 = arith.index_cast %scan3A_257 : i32 to index
      %swap3A_337 = arith.constant 48 : index
      %swap3A_338 = tpu.vector_load %arg13[%swap3A_336, %swap3A_337] {strides = array<i32>} : memref<64x128xf32, #tpu.memory_space<vmem>>, vector<1x16xf32>,
      %swap3A_339 = vector.shape_cast %swap3A_338 : vector<1x16xf32> to vector<16xf32>
      %swap3A_340 = vector.shape_cast %get3A_331 : vector<16xf32> to vector<1x16xf32>
      tpu.vector_store %arg13[%swap3A_336, %swap3A_337], %swap3A_340 {strides = array<i32>} : memref<64x128xf32, #tpu.memory_space<vmem>>, vector<1x16xf32>,
      %swap3A_341 = arith.index_cast %scan3A_257 : i32 to index
      %swap3A_342 = arith.constant 48 : index
      %swap3A_343 = tpu.vector_load %arg15[%swap3A_341, %swap3A_342] {strides = array<i32>} : memref<64x128xf32, #tpu.memory_space<vmem>>, vector<1x16xf32>,
      %swap3A_344 = vector.shape_cast %swap3A_343 : vector<1x16xf32> to vector<16xf32>
      %swap3A_345 = vector.shape_cast %get3A_335 : vector<16xf32> to vector<1x16xf32>
      tpu.vector_store %arg15[%swap3A_341, %swap3A_342], %swap3A_345 {strides = array<i32>} : memref<64x128xf32, #tpu.memory_space<vmem>>, vector<1x16xf32>,
      %sub3A_346 = arith.subf %get3A_331, %get3A_335 : vector<16xf32>
      %mul3A_347 = arith.mulf %sub3A_346, %sub3A_346 : vector<16xf32>
      %add3A_348 = arith.addf %scan3A_261, %mul3A_347 : vector<16xf32>
      %get3A_349 = arith.index_cast %add3A_265 : i32 to index
      %get3A_350 = arith.constant 0 : index
      %get3A_351 = tpu.vector_load %arg9[%get3A_349, %get3A_350] {strides = array<i32>} : memref<128x64xf32, #tpu.memory_space<vmem>>, vector<1x16xf32>,
      %get3A_352 = vector.shape_cast %get3A_351 : vector<1x16xf32> to vector<16xf32>
      %get3A_353 = arith.index_cast %add3A_265 : i32 to index
      %get3A_354 = arith.constant 0 : index
      %get3A_355 = tpu.vector_load %arg11[%get3A_353, %get3A_354] {strides = array<i32>} : memref<128x64xf32, #tpu.memory_space<vmem>>, vector<1x16xf32>,
      %get3A_356 = vector.shape_cast %get3A_355 : vector<1x16xf32> to vector<16xf32>
      %swap3A_357 = arith.index_cast %scan3A_257 : i32 to index
      %swap3A_358 = arith.constant 64 : index
      %swap3A_359 = tpu.vector_load %arg13[%swap3A_357, %swap3A_358] {strides = array<i32>} : memref<64x128xf32, #tpu.memory_space<vmem>>, vector<1x16xf32>,
      %swap3A_360 = vector.shape_cast %swap3A_359 : vector<1x16xf32> to vector<16xf32>
      %swap3A_361 = vector.shape_cast %get3A_352 : vector<16xf32> to vector<1x16xf32>
      tpu.vector_store %arg13[%swap3A_357, %swap3A_358], %swap3A_361 {strides = array<i32>} : memref<64x128xf32, #tpu.memory_space<vmem>>, vector<1x16xf32>,
      %swap3A_362 = arith.index_cast %scan3A_257 : i32 to index
      %swap3A_363 = arith.constant 64 : index
      %swap3A_364 = tpu.vector_load %arg15[%swap3A_362, %swap3A_363] {strides = array<i32>} : memref<64x128xf32, #tpu.memory_space<vmem>>, vector<1x16xf32>,
      %swap3A_365 = vector.shape_cast %swap3A_364 : vector<1x16xf32> to vector<16xf32>
      %swap3A_366 = vector.shape_cast %get3A_356 : vector<16xf32> to vector<1x16xf32>
      tpu.vector_store %arg15[%swap3A_362, %swap3A_363], %swap3A_366 {strides = array<i32>} : memref<64x128xf32, #tpu.memory_space<vmem>>, vector<1x16xf32>,
      %sub3A_367 = arith.subf %get3A_352, %get3A_356 : vector<16xf32>
      %mul3A_368 = arith.mulf %sub3A_367, %sub3A_367 : vector<16xf32>
      %add3A_369 = arith.addf %add3A_285, %mul3A_368 : vector<16xf32>
      %get3A_370 = arith.index_cast %add3A_265 : i32 to index
      %get3A_371 = arith.constant 16 : index
      %get3A_372 = tpu.vector_load %arg9[%get3A_370, %get3A_371] {strides = array<i32>} : memref<128x64xf32, #tpu.memory_space<vmem>>, vector<1x16xf32>,
      %get3A_373 = vector.shape_cast %get3A_372 : vector<1x16xf32> to vector<16xf32>
      %get3A_374 = arith.index_cast %add3A_265 : i32 to index
      %get3A_375 = arith.constant 16 : index
      %get3A_376 = tpu.vector_load %arg11[%get3A_374, %get3A_375] {strides = array<i32>} : memref<128x64xf32, #tpu.memory_space<vmem>>, vector<1x16xf32>,
      %get3A_377 = vector.shape_cast %get3A_376 : vector<1x16xf32> to vector<16xf32>
      %swap3A_378 = arith.index_cast %scan3A_257 : i32 to index
      %swap3A_379 = arith.constant 80 : index
      %swap3A_380 = tpu.vector_load %arg13[%swap3A_378, %swap3A_379] {strides = array<i32>} : memref<64x128xf32, #tpu.memory_space<vmem>>, vector<1x16xf32>,
      %swap3A_381 = vector.shape_cast %swap3A_380 : vector<1x16xf32> to vector<16xf32>
      %swap3A_382 = vector.shape_cast %get3A_373 : vector<16xf32> to vector<1x16xf32>
      tpu.vector_store %arg13[%swap3A_378, %swap3A_379], %swap3A_382 {strides = array<i32>} : memref<64x128xf32, #tpu.memory_space<vmem>>, vector<1x16xf32>,
      %swap3A_383 = arith.index_cast %scan3A_257 : i32 to index
      %swap3A_384 = arith.constant 80 : index
      %swap3A_385 = tpu.vector_load %arg15[%swap3A_383, %swap3A_384] {strides = array<i32>} : memref<64x128xf32, #tpu.memory_space<vmem>>, vector<1x16xf32>,
      %swap3A_386 = vector.shape_cast %swap3A_385 : vector<1x16xf32> to vector<16xf32>
      %swap3A_387 = vector.shape_cast %get3A_377 : vector<16xf32> to vector<1x16xf32>
      tpu.vector_store %arg15[%swap3A_383, %swap3A_384], %swap3A_387 {strides = array<i32>} : memref<64x128xf32, #tpu.memory_space<vmem>>, vector<1x16xf32>,
      %sub3A_388 = arith.subf %get3A_373, %get3A_377 : vector<16xf32>
      %mul3A_389 = arith.mulf %sub3A_388, %sub3A_388 : vector<16xf32>
      %add3A_390 = arith.addf %add3A_306, %mul3A_389 : vector<16xf32>
      %get3A_391 = arith.index_cast %add3A_265 : i32 to index
      %get3A_392 = arith.constant 32 : index
      %get3A_393 = tpu.vector_load %arg9[%get3A_391, %get3A_392] {strides = array<i32>} : memref<128x64xf32, #tpu.memory_space<vmem>>, vector<1x16xf32>,
      %get3A_394 = vector.shape_cast %get3A_393 : vector<1x16xf32> to vector<16xf32>
      %get3A_395 = arith.index_cast %add3A_265 : i32 to index
      %get3A_396 = arith.constant 32 : index
      %get3A_397 = tpu.vector_load %arg11[%get3A_395, %get3A_396] {strides = array<i32>} : memref<128x64xf32, #tpu.memory_space<vmem>>, vector<1x16xf32>,
      %get3A_398 = vector.shape_cast %get3A_397 : vector<1x16xf32> to vector<16xf32>
      %swap3A_399 = arith.index_cast %scan3A_257 : i32 to index
      %swap3A_400 = arith.constant 96 : index
      %swap3A_401 = tpu.vector_load %arg13[%swap3A_399, %swap3A_400] {strides = array<i32>} : memref<64x128xf32, #tpu.memory_space<vmem>>, vector<1x16xf32>,
      %swap3A_402 = vector.shape_cast %swap3A_401 : vector<1x16xf32> to vector<16xf32>
      %swap3A_403 = vector.shape_cast %get3A_394 : vector<16xf32> to vector<1x16xf32>
      tpu.vector_store %arg13[%swap3A_399, %swap3A_400], %swap3A_403 {strides = array<i32>} : memref<64x128xf32, #tpu.memory_space<vmem>>, vector<1x16xf32>,
      %swap3A_404 = arith.index_cast %scan3A_257 : i32 to index
      %swap3A_405 = arith.constant 96 : index
      %swap3A_406 = tpu.vector_load %arg15[%swap3A_404, %swap3A_405] {strides = array<i32>} : memref<64x128xf32, #tpu.memory_space<vmem>>, vector<1x16xf32>,
      %swap3A_407 = vector.shape_cast %swap3A_406 : vector<1x16xf32> to vector<16xf32>
      %swap3A_408 = vector.shape_cast %get3A_398 : vector<16xf32> to vector<1x16xf32>
      tpu.vector_store %arg15[%swap3A_404, %swap3A_405], %swap3A_408 {strides = array<i32>} : memref<64x128xf32, #tpu.memory_space<vmem>>, vector<1x16xf32>,
      %sub3A_409 = arith.subf %get3A_394, %get3A_398 : vector<16xf32>
      %mul3A_410 = arith.mulf %sub3A_409, %sub3A_409 : vector<16xf32>
      %add3A_411 = arith.addf %add3A_327, %mul3A_410 : vector<16xf32>
      %get3A_412 = arith.index_cast %add3A_265 : i32 to index
      %get3A_413 = arith.constant 48 : index
      %get3A_414 = tpu.vector_load %arg9[%get3A_412, %get3A_413] {strides = array<i32>} : memref<128x64xf32, #tpu.memory_space<vmem>>, vector<1x16xf32>,
      %get3A_415 = vector.shape_cast %get3A_414 : vector<1x16xf32> to vector<16xf32>
      %get3A_416 = arith.index_cast %add3A_265 : i32 to index
      %get3A_417 = arith.constant 48 : index
      %get3A_418 = tpu.vector_load %arg11[%get3A_416, %get3A_417] {strides = array<i32>} : memref<128x64xf32, #tpu.memory_space<vmem>>, vector<1x16xf32>,
      %get3A_419 = vector.shape_cast %get3A_418 : vector<1x16xf32> to vector<16xf32>
      %swap3A_420 = arith.index_cast %scan3A_257 : i32 to index
      %swap3A_421 = arith.constant 112 : index
      %swap3A_422 = tpu.vector_load %arg13[%swap3A_420, %swap3A_421] {strides = array<i32>} : memref<64x128xf32, #tpu.memory_space<vmem>>, vector<1x16xf32>,
      %swap3A_423 = vector.shape_cast %swap3A_422 : vector<1x16xf32> to vector<16xf32>
      %swap3A_424 = vector.shape_cast %get3A_415 : vector<16xf32> to vector<1x16xf32>
      tpu.vector_store %arg13[%swap3A_420, %swap3A_421], %swap3A_424 {strides = array<i32>} : memref<64x128xf32, #tpu.memory_space<vmem>>, vector<1x16xf32>,
      %swap3A_425 = arith.index_cast %scan3A_257 : i32 to index
      %swap3A_426 = arith.constant 112 : index
      %swap3A_427 = tpu.vector_load %arg15[%swap3A_425, %swap3A_426] {strides = array<i32>} : memref<64x128xf32, #tpu.memory_space<vmem>>, vector<1x16xf32>,
      %swap3A_428 = vector.shape_cast %swap3A_427 : vector<1x16xf32> to vector<16xf32>
      %swap3A_429 = vector.shape_cast %get3A_419 : vector<16xf32> to vector<1x16xf32>
      tpu.vector_store %arg15[%swap3A_425, %swap3A_426], %swap3A_429 {strides = array<i32>} : memref<64x128xf32, #tpu.memory_space<vmem>>, vector<1x16xf32>,
      %sub3A_430 = arith.subf %get3A_415, %get3A_419 : vector<16xf32>
      %mul3A_431 = arith.mulf %sub3A_430, %sub3A_430 : vector<16xf32>
      %add3A_432 = arith.addf %add3A_348, %mul3A_431 : vector<16xf32>
      scf.yield %add3A_369, %add3A_390, %add3A_411, %add3A_432 : vector<16xf32>, vector<16xf32>, vector<16xf32>, vector<16xf32>
    }
    %scan3A_66 = arith.constant 64 : i32
    %add3A_67 = arith.constant 0 : i32
    %add3A_68 = arith.addi %select_n3A, %add3A_67 : i32
    %dma_start3A_69 = arith.constant 0 : i32
    %dma_start3A_70 = tpu.memref_slice %arg5[%add3A_68, %dma_start3A_69] : memref<409600x128xf32, #tpu.memory_space<hbm>> -> memref<64x128xf32, #tpu.memory_space<hbm>>
    %dma_start3A_71 = arith.constant 0 : i32
    %dma_start3A_72 = tpu.memref_slice %arg5[%add3A_68, %dma_start3A_71] : memref<409600x128xf32, #tpu.memory_space<hbm>> -> memref<64x128xf32, #tpu.memory_space<hbm>>
    tpu.enqueue_dma source(%arg13 : memref<64x128xf32, #tpu.memory_space<vmem>>) target(%dma_start3A_72 : memref<64x128xf32, #tpu.memory_space<hbm>>) target_semaphore(%arg20 : memref<!tpu.dma_semaphore, #tpu.memory_space<semaphore_mem>>)
    %dma_start3A_73 = arith.constant 0 : i32
    %dma_start3A_74 = tpu.memref_slice %arg6[%add3A_68, %dma_start3A_73] : memref<409600x128xf32, #tpu.memory_space<hbm>> -> memref<64x128xf32, #tpu.memory_space<hbm>>
    %dma_start3A_75 = arith.constant 0 : i32
    %dma_start3A_76 = tpu.memref_slice %arg6[%add3A_68, %dma_start3A_75] : memref<409600x128xf32, #tpu.memory_space<hbm>> -> memref<64x128xf32, #tpu.memory_space<hbm>>
    tpu.enqueue_dma source(%arg15 : memref<64x128xf32, #tpu.memory_space<vmem>>) target(%dma_start3A_76 : memref<64x128xf32, #tpu.memory_space<hbm>>) target_semaphore(%arg20 : memref<!tpu.dma_semaphore, #tpu.memory_space<semaphore_mem>>)
    %dma_start3A_77 = arith.constant 2 : i32
    %dma_start3A_78 = arith.constant 0 : i32
    %dma_start3A_79 = tpu.memref_slice %arg8[%dma_start3A_77, %dma_start3A_78] : memref<200x128xi32, #tpu.memory_space<vmem>> -> memref<1x128xi32, #tpu.memory_space<vmem>>
    %dma_start3A_80 = tpu.memref_squeeze %dma_start3A_79 : memref<1x128xi32, #tpu.memory_space<vmem>> -> memref<128xi32, #tpu.memory_space<vmem>>
    %dma_start3A_81 = arith.constant 0 : i32
    %dma_start3A_82 = arith.constant 0 : i32
    %dma_start3A_83 = tpu.memref_slice %arg3[%dma_start3A_81, %dma_start3A_82] : memref<100000x64xf32, #tpu.memory_space<hbm>> -> memref<100000x64xf32, #tpu.memory_space<hbm>>
    tpu.enqueue_indirect_dma source(%dma_start3A_83 : memref<100000x64xf32, #tpu.memory_space<hbm>>) target(%arg9 : memref<128x64xf32, #tpu.memory_space<vmem>>) offsets(%dma_start3A_80 : memref<128xi32, #tpu.memory_space<vmem>>) semaphore(%arg18 : memref<!tpu.dma_semaphore, #tpu.memory_space<semaphore_mem>>)
    %dma_start3A_84 = arith.constant 2 : i32
    %dma_start3A_85 = arith.constant 0 : i32
    %dma_start3A_86 = tpu.memref_slice %arg8[%dma_start3A_84, %dma_start3A_85] : memref<200x128xi32, #tpu.memory_space<vmem>> -> memref<1x128xi32, #tpu.memory_space<vmem>>
    %dma_start3A_87 = tpu.memref_squeeze %dma_start3A_86 : memref<1x128xi32, #tpu.memory_space<vmem>> -> memref<128xi32, #tpu.memory_space<vmem>>
    %dma_start3A_88 = arith.constant 0 : i32
    %dma_start3A_89 = arith.constant 0 : i32
    %dma_start3A_90 = tpu.memref_slice %arg4[%dma_start3A_88, %dma_start3A_89] : memref<100000x64xf32, #tpu.memory_space<hbm>> -> memref<100000x64xf32, #tpu.memory_space<hbm>>
    tpu.enqueue_indirect_dma source(%dma_start3A_90 : memref<100000x64xf32, #tpu.memory_space<hbm>>) target(%arg11 : memref<128x64xf32, #tpu.memory_space<vmem>>) offsets(%dma_start3A_87 : memref<128xi32, #tpu.memory_space<vmem>>) semaphore(%arg18 : memref<!tpu.dma_semaphore, #tpu.memory_space<semaphore_mem>>)
    %dma_wait3A_91 = arith.constant 0 : i32
    %dma_wait3A_92 = arith.constant 0 : i32
    %dma_wait3A_93 = tpu.memref_slice %arg8[%dma_wait3A_91, %dma_wait3A_92] : memref<200x128xi32, #tpu.memory_space<vmem>> -> memref<1x128xi32, #tpu.memory_space<vmem>>
    %dma_wait3A_94 = tpu.memref_squeeze %dma_wait3A_93 : memref<1x128xi32, #tpu.memory_space<vmem>> -> memref<128xi32, #tpu.memory_space<vmem>>
    %dma_wait3A_95 = arith.constant 0 : i32
    %dma_wait3A_96 = arith.constant 0 : i32
    %dma_wait3A_97 = tpu.memref_slice %arg3[%dma_wait3A_95, %dma_wait3A_96] : memref<100000x64xf32, #tpu.memory_space<hbm>> -> memref<100000x64xf32, #tpu.memory_space<hbm>>
    tpu.wait_indirect_dma semaphore(%arg19 : memref<!tpu.dma_semaphore, #tpu.memory_space<semaphore_mem>>) src(%dma_wait3A_97 : memref<100000x64xf32, #tpu.memory_space<hbm>>) dst(%arg10 : memref<128x64xf32, #tpu.memory_space<vmem>>)
    %dma_wait3A_98 = arith.constant 0 : i32
    %dma_wait3A_99 = arith.constant 0 : i32
    %dma_wait3A_100 = tpu.memref_slice %arg8[%dma_wait3A_98, %dma_wait3A_99] : memref<200x128xi32, #tpu.memory_space<vmem>> -> memref<1x128xi32, #tpu.memory_space<vmem>>
    %dma_wait3A_101 = tpu.memref_squeeze %dma_wait3A_100 : memref<1x128xi32, #tpu.memory_space<vmem>> -> memref<128xi32, #tpu.memory_space<vmem>>
    %dma_wait3A_102 = arith.constant 0 : i32
    %dma_wait3A_103 = arith.constant 0 : i32
    %dma_wait3A_104 = tpu.memref_slice %arg4[%dma_wait3A_102, %dma_wait3A_103] : memref<100000x64xf32, #tpu.memory_space<hbm>> -> memref<100000x64xf32, #tpu.memory_space<hbm>>
    tpu.wait_indirect_dma semaphore(%arg19 : memref<!tpu.dma_semaphore, #tpu.memory_space<semaphore_mem>>) src(%dma_wait3A_104 : memref<100000x64xf32, #tpu.memory_space<hbm>>) dst(%arg12 : memref<128x64xf32, #tpu.memory_space<vmem>>)
    %scan3A_105 = arith.constant 0 : i32
    %scan3A_106 = arith.constant 64 : i32
    %scan3A_107 = arith.addi %scan3A_105, %scan3A_106 : i32
    %scan3A_108 = arith.constant 1 : i32
    %scan3A_109:4 = scf.for %scan3A_257 = %scan3A_105 to %scan3A_107 step %scan3A_108 iter_args(%scan3A_258 = %scan3A_65#0, %scan3A_259 = %scan3A_65#1, %scan3A_260 = %scan3A_65#2, %scan3A_261 = %scan3A_65#3) -> (vector<16xf32>, vector<16xf32>, vector<16xf32>, vector<16xf32>)  : i32 {
      %mul3A_262 = arith.constant 2 : i32
      %mul3A_263 = arith.muli %mul3A_262, %scan3A_257 : i32
      %add3A_264 = arith.constant 1 : i32
      %add3A_265 = arith.addi %mul3A_263, %add3A_264 : i32
      %get3A = arith.index_cast %mul3A_263 : i32 to index
      %get3A_266 = arith.constant 0 : index
      %get3A_267 = tpu.vector_load %arg10[%get3A, %get3A_266] {strides = array<i32>} : memref<128x64xf32, #tpu.memory_space<vmem>>, vector<1x16xf32>,
      %get3A_268 = vector.shape_cast %get3A_267 : vector<1x16xf32> to vector<16xf32>
      %get3A_269 = arith.index_cast %mul3A_263 : i32 to index
      %get3A_270 = arith.constant 0 : index
      %get3A_271 = tpu.vector_load %arg12[%get3A_269, %get3A_270] {strides = array<i32>} : memref<128x64xf32, #tpu.memory_space<vmem>>, vector<1x16xf32>,
      %get3A_272 = vector.shape_cast %get3A_271 : vector<1x16xf32> to vector<16xf32>
      %swap3A_273 = arith.index_cast %scan3A_257 : i32 to index
      %swap3A_274 = arith.constant 0 : index
      %swap3A_275 = tpu.vector_load %arg14[%swap3A_273, %swap3A_274] {strides = array<i32>} : memref<64x128xf32, #tpu.memory_space<vmem>>, vector<1x16xf32>,
      %swap3A_276 = vector.shape_cast %swap3A_275 : vector<1x16xf32> to vector<16xf32>
      %swap3A_277 = vector.shape_cast %get3A_268 : vector<16xf32> to vector<1x16xf32>
      tpu.vector_store %arg14[%swap3A_273, %swap3A_274], %swap3A_277 {strides = array<i32>} : memref<64x128xf32, #tpu.memory_space<vmem>>, vector<1x16xf32>,
      %swap3A_278 = arith.index_cast %scan3A_257 : i32 to index
      %swap3A_279 = arith.constant 0 : index
      %swap3A_280 = tpu.vector_load %arg16[%swap3A_278, %swap3A_279] {strides = array<i32>} : memref<64x128xf32, #tpu.memory_space<vmem>>, vector<1x16xf32>,
      %swap3A_281 = vector.shape_cast %swap3A_280 : vector<1x16xf32> to vector<16xf32>
      %swap3A_282 = vector.shape_cast %get3A_272 : vector<16xf32> to vector<1x16xf32>
      tpu.vector_store %arg16[%swap3A_278, %swap3A_279], %swap3A_282 {strides = array<i32>} : memref<64x128xf32, #tpu.memory_space<vmem>>, vector<1x16xf32>,
      %sub3A_283 = arith.subf %get3A_268, %get3A_272 : vector<16xf32>
      %mul3A_284 = arith.mulf %sub3A_283, %sub3A_283 : vector<16xf32>
      %add3A_285 = arith.addf %scan3A_258, %mul3A_284 : vector<16xf32>
      %get3A_286 = arith.index_cast %mul3A_263 : i32 to index
      %get3A_287 = arith.constant 16 : index
      %get3A_288 = tpu.vector_load %arg10[%get3A_286, %get3A_287] {strides = array<i32>} : memref<128x64xf32, #tpu.memory_space<vmem>>, vector<1x16xf32>,
      %get3A_289 = vector.shape_cast %get3A_288 : vector<1x16xf32> to vector<16xf32>
      %get3A_290 = arith.index_cast %mul3A_263 : i32 to index
      %get3A_291 = arith.constant 16 : index
      %get3A_292 = tpu.vector_load %arg12[%get3A_290, %get3A_291] {strides = array<i32>} : memref<128x64xf32, #tpu.memory_space<vmem>>, vector<1x16xf32>,
      %get3A_293 = vector.shape_cast %get3A_292 : vector<1x16xf32> to vector<16xf32>
      %swap3A_294 = arith.index_cast %scan3A_257 : i32 to index
      %swap3A_295 = arith.constant 16 : index
      %swap3A_296 = tpu.vector_load %arg14[%swap3A_294, %swap3A_295] {strides = array<i32>} : memref<64x128xf32, #tpu.memory_space<vmem>>, vector<1x16xf32>,
      %swap3A_297 = vector.shape_cast %swap3A_296 : vector<1x16xf32> to vector<16xf32>
      %swap3A_298 = vector.shape_cast %get3A_289 : vector<16xf32> to vector<1x16xf32>
      tpu.vector_store %arg14[%swap3A_294, %swap3A_295], %swap3A_298 {strides = array<i32>} : memref<64x128xf32, #tpu.memory_space<vmem>>, vector<1x16xf32>,
      %swap3A_299 = arith.index_cast %scan3A_257 : i32 to index
      %swap3A_300 = arith.constant 16 : index
      %swap3A_301 = tpu.vector_load %arg16[%swap3A_299, %swap3A_300] {strides = array<i32>} : memref<64x128xf32, #tpu.memory_space<vmem>>, vector<1x16xf32>,
      %swap3A_302 = vector.shape_cast %swap3A_301 : vector<1x16xf32> to vector<16xf32>
      %swap3A_303 = vector.shape_cast %get3A_293 : vector<16xf32> to vector<1x16xf32>
      tpu.vector_store %arg16[%swap3A_299, %swap3A_300], %swap3A_303 {strides = array<i32>} : memref<64x128xf32, #tpu.memory_space<vmem>>, vector<1x16xf32>,
      %sub3A_304 = arith.subf %get3A_289, %get3A_293 : vector<16xf32>
      %mul3A_305 = arith.mulf %sub3A_304, %sub3A_304 : vector<16xf32>
      %add3A_306 = arith.addf %scan3A_259, %mul3A_305 : vector<16xf32>
      %get3A_307 = arith.index_cast %mul3A_263 : i32 to index
      %get3A_308 = arith.constant 32 : index
      %get3A_309 = tpu.vector_load %arg10[%get3A_307, %get3A_308] {strides = array<i32>} : memref<128x64xf32, #tpu.memory_space<vmem>>, vector<1x16xf32>,
      %get3A_310 = vector.shape_cast %get3A_309 : vector<1x16xf32> to vector<16xf32>
      %get3A_311 = arith.index_cast %mul3A_263 : i32 to index
      %get3A_312 = arith.constant 32 : index
      %get3A_313 = tpu.vector_load %arg12[%get3A_311, %get3A_312] {strides = array<i32>} : memref<128x64xf32, #tpu.memory_space<vmem>>, vector<1x16xf32>,
      %get3A_314 = vector.shape_cast %get3A_313 : vector<1x16xf32> to vector<16xf32>
      %swap3A_315 = arith.index_cast %scan3A_257 : i32 to index
      %swap3A_316 = arith.constant 32 : index
      %swap3A_317 = tpu.vector_load %arg14[%swap3A_315, %swap3A_316] {strides = array<i32>} : memref<64x128xf32, #tpu.memory_space<vmem>>, vector<1x16xf32>,
      %swap3A_318 = vector.shape_cast %swap3A_317 : vector<1x16xf32> to vector<16xf32>
      %swap3A_319 = vector.shape_cast %get3A_310 : vector<16xf32> to vector<1x16xf32>
      tpu.vector_store %arg14[%swap3A_315, %swap3A_316], %swap3A_319 {strides = array<i32>} : memref<64x128xf32, #tpu.memory_space<vmem>>, vector<1x16xf32>,
      %swap3A_320 = arith.index_cast %scan3A_257 : i32 to index
      %swap3A_321 = arith.constant 32 : index
      %swap3A_322 = tpu.vector_load %arg16[%swap3A_320, %swap3A_321] {strides = array<i32>} : memref<64x128xf32, #tpu.memory_space<vmem>>, vector<1x16xf32>,
      %swap3A_323 = vector.shape_cast %swap3A_322 : vector<1x16xf32> to vector<16xf32>
      %swap3A_324 = vector.shape_cast %get3A_314 : vector<16xf32> to vector<1x16xf32>
      tpu.vector_store %arg16[%swap3A_320, %swap3A_321], %swap3A_324 {strides = array<i32>} : memref<64x128xf32, #tpu.memory_space<vmem>>, vector<1x16xf32>,
      %sub3A_325 = arith.subf %get3A_310, %get3A_314 : vector<16xf32>
      %mul3A_326 = arith.mulf %sub3A_325, %sub3A_325 : vector<16xf32>
      %add3A_327 = arith.addf %scan3A_260, %mul3A_326 : vector<16xf32>
      %get3A_328 = arith.index_cast %mul3A_263 : i32 to index
      %get3A_329 = arith.constant 48 : index
      %get3A_330 = tpu.vector_load %arg10[%get3A_328, %get3A_329] {strides = array<i32>} : memref<128x64xf32, #tpu.memory_space<vmem>>, vector<1x16xf32>,
      %get3A_331 = vector.shape_cast %get3A_330 : vector<1x16xf32> to vector<16xf32>
      %get3A_332 = arith.index_cast %mul3A_263 : i32 to index
      %get3A_333 = arith.constant 48 : index
      %get3A_334 = tpu.vector_load %arg12[%get3A_332, %get3A_333] {strides = array<i32>} : memref<128x64xf32, #tpu.memory_space<vmem>>, vector<1x16xf32>,
      %get3A_335 = vector.shape_cast %get3A_334 : vector<1x16xf32> to vector<16xf32>
      %swap3A_336 = arith.index_cast %scan3A_257 : i32 to index
      %swap3A_337 = arith.constant 48 : index
      %swap3A_338 = tpu.vector_load %arg14[%swap3A_336, %swap3A_337] {strides = array<i32>} : memref<64x128xf32, #tpu.memory_space<vmem>>, vector<1x16xf32>,
      %swap3A_339 = vector.shape_cast %swap3A_338 : vector<1x16xf32> to vector<16xf32>
      %swap3A_340 = vector.shape_cast %get3A_331 : vector<16xf32> to vector<1x16xf32>
      tpu.vector_store %arg14[%swap3A_336, %swap3A_337], %swap3A_340 {strides = array<i32>} : memref<64x128xf32, #tpu.memory_space<vmem>>, vector<1x16xf32>,
      %swap3A_341 = arith.index_cast %scan3A_257 : i32 to index
      %swap3A_342 = arith.constant 48 : index
      %swap3A_343 = tpu.vector_load %arg16[%swap3A_341, %swap3A_342] {strides = array<i32>} : memref<64x128xf32, #tpu.memory_space<vmem>>, vector<1x16xf32>,
      %swap3A_344 = vector.shape_cast %swap3A_343 : vector<1x16xf32> to vector<16xf32>
      %swap3A_345 = vector.shape_cast %get3A_335 : vector<16xf32> to vector<1x16xf32>
      tpu.vector_store %arg16[%swap3A_341, %swap3A_342], %swap3A_345 {strides = array<i32>} : memref<64x128xf32, #tpu.memory_space<vmem>>, vector<1x16xf32>,
      %sub3A_346 = arith.subf %get3A_331, %get3A_335 : vector<16xf32>
      %mul3A_347 = arith.mulf %sub3A_346, %sub3A_346 : vector<16xf32>
      %add3A_348 = arith.addf %scan3A_261, %mul3A_347 : vector<16xf32>
      %get3A_349 = arith.index_cast %add3A_265 : i32 to index
      %get3A_350 = arith.constant 0 : index
      %get3A_351 = tpu.vector_load %arg10[%get3A_349, %get3A_350] {strides = array<i32>} : memref<128x64xf32, #tpu.memory_space<vmem>>, vector<1x16xf32>,
      %get3A_352 = vector.shape_cast %get3A_351 : vector<1x16xf32> to vector<16xf32>
      %get3A_353 = arith.index_cast %add3A_265 : i32 to index
      %get3A_354 = arith.constant 0 : index
      %get3A_355 = tpu.vector_load %arg12[%get3A_353, %get3A_354] {strides = array<i32>} : memref<128x64xf32, #tpu.memory_space<vmem>>, vector<1x16xf32>,
      %get3A_356 = vector.shape_cast %get3A_355 : vector<1x16xf32> to vector<16xf32>
      %swap3A_357 = arith.index_cast %scan3A_257 : i32 to index
      %swap3A_358 = arith.constant 64 : index
      %swap3A_359 = tpu.vector_load %arg14[%swap3A_357, %swap3A_358] {strides = array<i32>} : memref<64x128xf32, #tpu.memory_space<vmem>>, vector<1x16xf32>,
      %swap3A_360 = vector.shape_cast %swap3A_359 : vector<1x16xf32> to vector<16xf32>
      %swap3A_361 = vector.shape_cast %get3A_352 : vector<16xf32> to vector<1x16xf32>
      tpu.vector_store %arg14[%swap3A_357, %swap3A_358], %swap3A_361 {strides = array<i32>} : memref<64x128xf32, #tpu.memory_space<vmem>>, vector<1x16xf32>,
      %swap3A_362 = arith.index_cast %scan3A_257 : i32 to index
      %swap3A_363 = arith.constant 64 : index
      %swap3A_364 = tpu.vector_load %arg16[%swap3A_362, %swap3A_363] {strides = array<i32>} : memref<64x128xf32, #tpu.memory_space<vmem>>, vector<1x16xf32>,
      %swap3A_365 = vector.shape_cast %swap3A_364 : vector<1x16xf32> to vector<16xf32>
      %swap3A_366 = vector.shape_cast %get3A_356 : vector<16xf32> to vector<1x16xf32>
      tpu.vector_store %arg16[%swap3A_362, %swap3A_363], %swap3A_366 {strides = array<i32>} : memref<64x128xf32, #tpu.memory_space<vmem>>, vector<1x16xf32>,
      %sub3A_367 = arith.subf %get3A_352, %get3A_356 : vector<16xf32>
      %mul3A_368 = arith.mulf %sub3A_367, %sub3A_367 : vector<16xf32>
      %add3A_369 = arith.addf %add3A_285, %mul3A_368 : vector<16xf32>
      %get3A_370 = arith.index_cast %add3A_265 : i32 to index
      %get3A_371 = arith.constant 16 : index
      %get3A_372 = tpu.vector_load %arg10[%get3A_370, %get3A_371] {strides = array<i32>} : memref<128x64xf32, #tpu.memory_space<vmem>>, vector<1x16xf32>,
      %get3A_373 = vector.shape_cast %get3A_372 : vector<1x16xf32> to vector<16xf32>
      %get3A_374 = arith.index_cast %add3A_265 : i32 to index
      %get3A_375 = arith.constant 16 : index
      %get3A_376 = tpu.vector_load %arg12[%get3A_374, %get3A_375] {strides = array<i32>} : memref<128x64xf32, #tpu.memory_space<vmem>>, vector<1x16xf32>,
      %get3A_377 = vector.shape_cast %get3A_376 : vector<1x16xf32> to vector<16xf32>
      %swap3A_378 = arith.index_cast %scan3A_257 : i32 to index
      %swap3A_379 = arith.constant 80 : index
      %swap3A_380 = tpu.vector_load %arg14[%swap3A_378, %swap3A_379] {strides = array<i32>} : memref<64x128xf32, #tpu.memory_space<vmem>>, vector<1x16xf32>,
      %swap3A_381 = vector.shape_cast %swap3A_380 : vector<1x16xf32> to vector<16xf32>
      %swap3A_382 = vector.shape_cast %get3A_373 : vector<16xf32> to vector<1x16xf32>
      tpu.vector_store %arg14[%swap3A_378, %swap3A_379], %swap3A_382 {strides = array<i32>} : memref<64x128xf32, #tpu.memory_space<vmem>>, vector<1x16xf32>,
      %swap3A_383 = arith.index_cast %scan3A_257 : i32 to index
      %swap3A_384 = arith.constant 80 : index
      %swap3A_385 = tpu.vector_load %arg16[%swap3A_383, %swap3A_384] {strides = array<i32>} : memref<64x128xf32, #tpu.memory_space<vmem>>, vector<1x16xf32>,
      %swap3A_386 = vector.shape_cast %swap3A_385 : vector<1x16xf32> to vector<16xf32>
      %swap3A_387 = vector.shape_cast %get3A_377 : vector<16xf32> to vector<1x16xf32>
      tpu.vector_store %arg16[%swap3A_383, %swap3A_384], %swap3A_387 {strides = array<i32>} : memref<64x128xf32, #tpu.memory_space<vmem>>, vector<1x16xf32>,
      %sub3A_388 = arith.subf %get3A_373, %get3A_377 : vector<16xf32>
      %mul3A_389 = arith.mulf %sub3A_388, %sub3A_388 : vector<16xf32>
      %add3A_390 = arith.addf %add3A_306, %mul3A_389 : vector<16xf32>
      %get3A_391 = arith.index_cast %add3A_265 : i32 to index
      %get3A_392 = arith.constant 32 : index
      %get3A_393 = tpu.vector_load %arg10[%get3A_391, %get3A_392] {strides = array<i32>} : memref<128x64xf32, #tpu.memory_space<vmem>>, vector<1x16xf32>,
      %get3A_394 = vector.shape_cast %get3A_393 : vector<1x16xf32> to vector<16xf32>
      %get3A_395 = arith.index_cast %add3A_265 : i32 to index
      %get3A_396 = arith.constant 32 : index
      %get3A_397 = tpu.vector_load %arg12[%get3A_395, %get3A_396] {strides = array<i32>} : memref<128x64xf32, #tpu.memory_space<vmem>>, vector<1x16xf32>,
      %get3A_398 = vector.shape_cast %get3A_397 : vector<1x16xf32> to vector<16xf32>
      %swap3A_399 = arith.index_cast %scan3A_257 : i32 to index
      %swap3A_400 = arith.constant 96 : index
      %swap3A_401 = tpu.vector_load %arg14[%swap3A_399, %swap3A_400] {strides = array<i32>} : memref<64x128xf32, #tpu.memory_space<vmem>>, vector<1x16xf32>,
      %swap3A_402 = vector.shape_cast %swap3A_401 : vector<1x16xf32> to vector<16xf32>
      %swap3A_403 = vector.shape_cast %get3A_394 : vector<16xf32> to vector<1x16xf32>
      tpu.vector_store %arg14[%swap3A_399, %swap3A_400], %swap3A_403 {strides = array<i32>} : memref<64x128xf32, #tpu.memory_space<vmem>>, vector<1x16xf32>,
      %swap3A_404 = arith.index_cast %scan3A_257 : i32 to index
      %swap3A_405 = arith.constant 96 : index
      %swap3A_406 = tpu.vector_load %arg16[%swap3A_404, %swap3A_405] {strides = array<i32>} : memref<64x128xf32, #tpu.memory_space<vmem>>, vector<1x16xf32>,
      %swap3A_407 = vector.shape_cast %swap3A_406 : vector<1x16xf32> to vector<16xf32>
      %swap3A_408 = vector.shape_cast %get3A_398 : vector<16xf32> to vector<1x16xf32>
      tpu.vector_store %arg16[%swap3A_404, %swap3A_405], %swap3A_408 {strides = array<i32>} : memref<64x128xf32, #tpu.memory_space<vmem>>, vector<1x16xf32>,
      %sub3A_409 = arith.subf %get3A_394, %get3A_398 : vector<16xf32>
      %mul3A_410 = arith.mulf %sub3A_409, %sub3A_409 : vector<16xf32>
      %add3A_411 = arith.addf %add3A_327, %mul3A_410 : vector<16xf32>
      %get3A_412 = arith.index_cast %add3A_265 : i32 to index
      %get3A_413 = arith.constant 48 : index
      %get3A_414 = tpu.vector_load %arg10[%get3A_412, %get3A_413] {strides = array<i32>} : memref<128x64xf32, #tpu.memory_space<vmem>>, vector<1x16xf32>,
      %get3A_415 = vector.shape_cast %get3A_414 : vector<1x16xf32> to vector<16xf32>
      %get3A_416 = arith.index_cast %add3A_265 : i32 to index
      %get3A_417 = arith.constant 48 : index
      %get3A_418 = tpu.vector_load %arg12[%get3A_416, %get3A_417] {strides = array<i32>} : memref<128x64xf32, #tpu.memory_space<vmem>>, vector<1x16xf32>,
      %get3A_419 = vector.shape_cast %get3A_418 : vector<1x16xf32> to vector<16xf32>
      %swap3A_420 = arith.index_cast %scan3A_257 : i32 to index
      %swap3A_421 = arith.constant 112 : index
      %swap3A_422 = tpu.vector_load %arg14[%swap3A_420, %swap3A_421] {strides = array<i32>} : memref<64x128xf32, #tpu.memory_space<vmem>>, vector<1x16xf32>,
      %swap3A_423 = vector.shape_cast %swap3A_422 : vector<1x16xf32> to vector<16xf32>
      %swap3A_424 = vector.shape_cast %get3A_415 : vector<16xf32> to vector<1x16xf32>
      tpu.vector_store %arg14[%swap3A_420, %swap3A_421], %swap3A_424 {strides = array<i32>} : memref<64x128xf32, #tpu.memory_space<vmem>>, vector<1x16xf32>,
      %swap3A_425 = arith.index_cast %scan3A_257 : i32 to index
      %swap3A_426 = arith.constant 112 : index
      %swap3A_427 = tpu.vector_load %arg16[%swap3A_425, %swap3A_426] {strides = array<i32>} : memref<64x128xf32, #tpu.memory_space<vmem>>, vector<1x16xf32>,
      %swap3A_428 = vector.shape_cast %swap3A_427 : vector<1x16xf32> to vector<16xf32>
      %swap3A_429 = vector.shape_cast %get3A_419 : vector<16xf32> to vector<1x16xf32>
      tpu.vector_store %arg16[%swap3A_425, %swap3A_426], %swap3A_429 {strides = array<i32>} : memref<64x128xf32, #tpu.memory_space<vmem>>, vector<1x16xf32>,
      %sub3A_430 = arith.subf %get3A_415, %get3A_419 : vector<16xf32>
      %mul3A_431 = arith.mulf %sub3A_430, %sub3A_430 : vector<16xf32>
      %add3A_432 = arith.addf %add3A_348, %mul3A_431 : vector<16xf32>
      scf.yield %add3A_369, %add3A_390, %add3A_411, %add3A_432 : vector<16xf32>, vector<16xf32>, vector<16xf32>, vector<16xf32>
    }
    %scan3A_110 = arith.constant 64 : i32
    %add3A_111 = arith.constant 64 : i32
    %add3A_112 = arith.addi %select_n3A, %add3A_111 : i32
    %dma_start3A_113 = arith.constant 0 : i32
    %dma_start3A_114 = tpu.memref_slice %arg5[%add3A_112, %dma_start3A_113] : memref<409600x128xf32, #tpu.memory_space<hbm>> -> memref<64x128xf32, #tpu.memory_space<hbm>>
    %dma_start3A_115 = arith.constant 0 : i32
    %dma_start3A_116 = tpu.memref_slice %arg5[%add3A_112, %dma_start3A_115] : memref<409600x128xf32, #tpu.memory_space<hbm>> -> memref<64x128xf32, #tpu.memory_space<hbm>>
    tpu.enqueue_dma source(%arg14 : memref<64x128xf32, #tpu.memory_space<vmem>>) target(%dma_start3A_116 : memref<64x128xf32, #tpu.memory_space<hbm>>) target_semaphore(%arg21 : memref<!tpu.dma_semaphore, #tpu.memory_space<semaphore_mem>>)
    %dma_start3A_117 = arith.constant 0 : i32
    %dma_start3A_118 = tpu.memref_slice %arg6[%add3A_112, %dma_start3A_117] : memref<409600x128xf32, #tpu.memory_space<hbm>> -> memref<64x128xf32, #tpu.memory_space<hbm>>
    %dma_start3A_119 = arith.constant 0 : i32
    %dma_start3A_120 = tpu.memref_slice %arg6[%add3A_112, %dma_start3A_119] : memref<409600x128xf32, #tpu.memory_space<hbm>> -> memref<64x128xf32, #tpu.memory_space<hbm>>
    tpu.enqueue_dma source(%arg16 : memref<64x128xf32, #tpu.memory_space<vmem>>) target(%dma_start3A_120 : memref<64x128xf32, #tpu.memory_space<hbm>>) target_semaphore(%arg21 : memref<!tpu.dma_semaphore, #tpu.memory_space<semaphore_mem>>)
    %dma_start3A_121 = arith.constant 3 : i32
    %dma_start3A_122 = arith.constant 0 : i32
    %dma_start3A_123 = tpu.memref_slice %arg8[%dma_start3A_121, %dma_start3A_122] : memref<200x128xi32, #tpu.memory_space<vmem>> -> memref<1x128xi32, #tpu.memory_space<vmem>>
    %dma_start3A_124 = tpu.memref_squeeze %dma_start3A_123 : memref<1x128xi32, #tpu.memory_space<vmem>> -> memref<128xi32, #tpu.memory_space<vmem>>
    %dma_start3A_125 = arith.constant 0 : i32
    %dma_start3A_126 = arith.constant 0 : i32
    %dma_start3A_127 = tpu.memref_slice %arg3[%dma_start3A_125, %dma_start3A_126] : memref<100000x64xf32, #tpu.memory_space<hbm>> -> memref<100000x64xf32, #tpu.memory_space<hbm>>
    tpu.enqueue_indirect_dma source(%dma_start3A_127 : memref<100000x64xf32, #tpu.memory_space<hbm>>) target(%arg10 : memref<128x64xf32, #tpu.memory_space<vmem>>) offsets(%dma_start3A_124 : memref<128xi32, #tpu.memory_space<vmem>>) semaphore(%arg19 : memref<!tpu.dma_semaphore, #tpu.memory_space<semaphore_mem>>)
    %dma_start3A_128 = arith.constant 3 : i32
    %dma_start3A_129 = arith.constant 0 : i32
    %dma_start3A_130 = tpu.memref_slice %arg8[%dma_start3A_128, %dma_start3A_129] : memref<200x128xi32, #tpu.memory_space<vmem>> -> memref<1x128xi32, #tpu.memory_space<vmem>>
    %dma_start3A_131 = tpu.memref_squeeze %dma_start3A_130 : memref<1x128xi32, #tpu.memory_space<vmem>> -> memref<128xi32, #tpu.memory_space<vmem>>
    %dma_start3A_132 = arith.constant 0 : i32
    %dma_start3A_133 = arith.constant 0 : i32
    %dma_start3A_134 = tpu.memref_slice %arg4[%dma_start3A_132, %dma_start3A_133] : memref<100000x64xf32, #tpu.memory_space<hbm>> -> memref<100000x64xf32, #tpu.memory_space<hbm>>
    tpu.enqueue_indirect_dma source(%dma_start3A_134 : memref<100000x64xf32, #tpu.memory_space<hbm>>) target(%arg12 : memref<128x64xf32, #tpu.memory_space<vmem>>) offsets(%dma_start3A_131 : memref<128xi32, #tpu.memory_space<vmem>>) semaphore(%arg19 : memref<!tpu.dma_semaphore, #tpu.memory_space<semaphore_mem>>)
    %scan3A_135 = arith.constant 1 : i32
    %scan3A_136 = arith.constant 98 : i32
    %scan3A_137 = arith.addi %scan3A_135, %scan3A_136 : i32
    %scan3A_138 = arith.constant 1 : i32
    %scan3A_139:4 = scf.for %scan3A_257 = %scan3A_135 to %scan3A_137 step %scan3A_138 iter_args(%scan3A_258 = %scan3A_109#0, %scan3A_259 = %scan3A_109#1, %scan3A_260 = %scan3A_109#2, %scan3A_261 = %scan3A_109#3) -> (vector<16xf32>, vector<16xf32>, vector<16xf32>, vector<16xf32>)  : i32 {
      %mul3A_262 = arith.constant 2 : i32
      %mul3A_263 = arith.muli %mul3A_262, %scan3A_257 : i32
      %dma_wait3A_264 = arith.constant 0 : i32
      %dma_wait3A_265 = arith.constant 0 : i32
      %dma_wait3A_266 = tpu.memref_slice %arg8[%dma_wait3A_264, %dma_wait3A_265] : memref<200x128xi32, #tpu.memory_space<vmem>> -> memref<1x128xi32, #tpu.memory_space<vmem>>
      %dma_wait3A_267 = tpu.memref_squeeze %dma_wait3A_266 : memref<1x128xi32, #tpu.memory_space<vmem>> -> memref<128xi32, #tpu.memory_space<vmem>>
      %dma_wait3A_268 = arith.constant 0 : i32
      %dma_wait3A_269 = arith.constant 0 : i32
      %dma_wait3A_270 = tpu.memref_slice %arg3[%dma_wait3A_268, %dma_wait3A_269] : memref<100000x64xf32, #tpu.memory_space<hbm>> -> memref<100000x64xf32, #tpu.memory_space<hbm>>
      tpu.wait_indirect_dma semaphore(%arg18 : memref<!tpu.dma_semaphore, #tpu.memory_space<semaphore_mem>>) src(%dma_wait3A_270 : memref<100000x64xf32, #tpu.memory_space<hbm>>) dst(%arg9 : memref<128x64xf32, #tpu.memory_space<vmem>>)
      %dma_wait3A_271 = arith.constant 0 : i32
      %dma_wait3A_272 = arith.constant 0 : i32
      %dma_wait3A_273 = tpu.memref_slice %arg8[%dma_wait3A_271, %dma_wait3A_272] : memref<200x128xi32, #tpu.memory_space<vmem>> -> memref<1x128xi32, #tpu.memory_space<vmem>>
      %dma_wait3A_274 = tpu.memref_squeeze %dma_wait3A_273 : memref<1x128xi32, #tpu.memory_space<vmem>> -> memref<128xi32, #tpu.memory_space<vmem>>
      %dma_wait3A_275 = arith.constant 0 : i32
      %dma_wait3A_276 = arith.constant 0 : i32
      %dma_wait3A_277 = tpu.memref_slice %arg4[%dma_wait3A_275, %dma_wait3A_276] : memref<100000x64xf32, #tpu.memory_space<hbm>> -> memref<100000x64xf32, #tpu.memory_space<hbm>>
      tpu.wait_indirect_dma semaphore(%arg18 : memref<!tpu.dma_semaphore, #tpu.memory_space<semaphore_mem>>) src(%dma_wait3A_277 : memref<100000x64xf32, #tpu.memory_space<hbm>>) dst(%arg11 : memref<128x64xf32, #tpu.memory_space<vmem>>)
      %dma_wait3A_278 = arith.constant 0 : i32
      %dma_wait3A_279 = arith.constant 0 : i32
      %dma_wait3A_280 = tpu.memref_slice %arg5[%dma_wait3A_278, %dma_wait3A_279] : memref<409600x128xf32, #tpu.memory_space<hbm>> -> memref<64x128xf32, #tpu.memory_space<hbm>>
      %dma_wait3A_281 = arith.constant 0 : i32
      %dma_wait3A_282 = arith.constant 0 : i32
      %dma_wait3A_283 = tpu.memref_slice %arg5[%dma_wait3A_281, %dma_wait3A_282] : memref<409600x128xf32, #tpu.memory_space<hbm>> -> memref<64x128xf32, #tpu.memory_space<hbm>>
      tpu.wait_dma2 semaphore(%arg20 : memref<!tpu.dma_semaphore, #tpu.memory_space<semaphore_mem>>) src(%arg13 : memref<64x128xf32, #tpu.memory_space<vmem>>) dst(%dma_wait3A_283 : memref<64x128xf32, #tpu.memory_space<hbm>>)
      %dma_wait3A_284 = arith.constant 0 : i32
      %dma_wait3A_285 = arith.constant 0 : i32
      %dma_wait3A_286 = tpu.memref_slice %arg6[%dma_wait3A_284, %dma_wait3A_285] : memref<409600x128xf32, #tpu.memory_space<hbm>> -> memref<64x128xf32, #tpu.memory_space<hbm>>
      %dma_wait3A_287 = arith.constant 0 : i32
      %dma_wait3A_288 = arith.constant 0 : i32
      %dma_wait3A_289 = tpu.memref_slice %arg6[%dma_wait3A_287, %dma_wait3A_288] : memref<409600x128xf32, #tpu.memory_space<hbm>> -> memref<64x128xf32, #tpu.memory_space<hbm>>
      tpu.wait_dma2 semaphore(%arg20 : memref<!tpu.dma_semaphore, #tpu.memory_space<semaphore_mem>>) src(%arg15 : memref<64x128xf32, #tpu.memory_space<vmem>>) dst(%dma_wait3A_289 : memref<64x128xf32, #tpu.memory_space<hbm>>)
      %scan3A_290 = arith.constant 0 : i32
      %scan3A_291 = arith.constant 64 : i32
      %scan3A_292 = arith.addi %scan3A_290, %scan3A_291 : i32
      %scan3A_293 = arith.constant 1 : i32
      %scan3A_294:4 = scf.for %scan3A_380 = %scan3A_290 to %scan3A_292 step %scan3A_293 iter_args(%scan3A_381 = %scan3A_258, %scan3A_382 = %scan3A_259, %scan3A_383 = %scan3A_260, %scan3A_384 = %scan3A_261) -> (vector<16xf32>, vector<16xf32>, vector<16xf32>, vector<16xf32>)  : i32 {
        %mul3A_385 = arith.constant 2 : i32
        %mul3A_386 = arith.muli %mul3A_385, %scan3A_380 : i32
        %add3A_387 = arith.constant 1 : i32
        %add3A_388 = arith.addi %mul3A_386, %add3A_387 : i32
        %get3A = arith.index_cast %mul3A_386 : i32 to index
        %get3A_389 = arith.constant 0 : index
        %get3A_390 = tpu.vector_load %arg9[%get3A, %get3A_389] {strides = array<i32>} : memref<128x64xf32, #tpu.memory_space<vmem>>, vector<1x16xf32>,
        %get3A_391 = vector.shape_cast %get3A_390 : vector<1x16xf32> to vector<16xf32>
        %get3A_392 = arith.index_cast %mul3A_386 : i32 to index
        %get3A_393 = arith.constant 0 : index
        %get3A_394 = tpu.vector_load %arg11[%get3A_392, %get3A_393] {strides = array<i32>} : memref<128x64xf32, #tpu.memory_space<vmem>>, vector<1x16xf32>,
        %get3A_395 = vector.shape_cast %get3A_394 : vector<1x16xf32> to vector<16xf32>
        %swap3A_396 = arith.index_cast %scan3A_380 : i32 to index
        %swap3A_397 = arith.constant 0 : index
        %swap3A_398 = tpu.vector_load %arg13[%swap3A_396, %swap3A_397] {strides = array<i32>} : memref<64x128xf32, #tpu.memory_space<vmem>>, vector<1x16xf32>,
        %swap3A_399 = vector.shape_cast %swap3A_398 : vector<1x16xf32> to vector<16xf32>
        %swap3A_400 = vector.shape_cast %get3A_391 : vector<16xf32> to vector<1x16xf32>
        tpu.vector_store %arg13[%swap3A_396, %swap3A_397], %swap3A_400 {strides = array<i32>} : memref<64x128xf32, #tpu.memory_space<vmem>>, vector<1x16xf32>,
        %swap3A_401 = arith.index_cast %scan3A_380 : i32 to index
        %swap3A_402 = arith.constant 0 : index
        %swap3A_403 = tpu.vector_load %arg15[%swap3A_401, %swap3A_402] {strides = array<i32>} : memref<64x128xf32, #tpu.memory_space<vmem>>, vector<1x16xf32>,
        %swap3A_404 = vector.shape_cast %swap3A_403 : vector<1x16xf32> to vector<16xf32>
        %swap3A_405 = vector.shape_cast %get3A_395 : vector<16xf32> to vector<1x16xf32>
        tpu.vector_store %arg15[%swap3A_401, %swap3A_402], %swap3A_405 {strides = array<i32>} : memref<64x128xf32, #tpu.memory_space<vmem>>, vector<1x16xf32>,
        %sub3A_406 = arith.subf %get3A_391, %get3A_395 : vector<16xf32>
        %mul3A_407 = arith.mulf %sub3A_406, %sub3A_406 : vector<16xf32>
        %add3A_408 = arith.addf %scan3A_381, %mul3A_407 : vector<16xf32>
        %get3A_409 = arith.index_cast %mul3A_386 : i32 to index
        %get3A_410 = arith.constant 16 : index
        %get3A_411 = tpu.vector_load %arg9[%get3A_409, %get3A_410] {strides = array<i32>} : memref<128x64xf32, #tpu.memory_space<vmem>>, vector<1x16xf32>,
        %get3A_412 = vector.shape_cast %get3A_411 : vector<1x16xf32> to vector<16xf32>
        %get3A_413 = arith.index_cast %mul3A_386 : i32 to index
        %get3A_414 = arith.constant 16 : index
        %get3A_415 = tpu.vector_load %arg11[%get3A_413, %get3A_414] {strides = array<i32>} : memref<128x64xf32, #tpu.memory_space<vmem>>, vector<1x16xf32>,
        %get3A_416 = vector.shape_cast %get3A_415 : vector<1x16xf32> to vector<16xf32>
        %swap3A_417 = arith.index_cast %scan3A_380 : i32 to index
        %swap3A_418 = arith.constant 16 : index
        %swap3A_419 = tpu.vector_load %arg13[%swap3A_417, %swap3A_418] {strides = array<i32>} : memref<64x128xf32, #tpu.memory_space<vmem>>, vector<1x16xf32>,
        %swap3A_420 = vector.shape_cast %swap3A_419 : vector<1x16xf32> to vector<16xf32>
        %swap3A_421 = vector.shape_cast %get3A_412 : vector<16xf32> to vector<1x16xf32>
        tpu.vector_store %arg13[%swap3A_417, %swap3A_418], %swap3A_421 {strides = array<i32>} : memref<64x128xf32, #tpu.memory_space<vmem>>, vector<1x16xf32>,
        %swap3A_422 = arith.index_cast %scan3A_380 : i32 to index
        %swap3A_423 = arith.constant 16 : index
        %swap3A_424 = tpu.vector_load %arg15[%swap3A_422, %swap3A_423] {strides = array<i32>} : memref<64x128xf32, #tpu.memory_space<vmem>>, vector<1x16xf32>,
        %swap3A_425 = vector.shape_cast %swap3A_424 : vector<1x16xf32> to vector<16xf32>
        %swap3A_426 = vector.shape_cast %get3A_416 : vector<16xf32> to vector<1x16xf32>
        tpu.vector_store %arg15[%swap3A_422, %swap3A_423], %swap3A_426 {strides = array<i32>} : memref<64x128xf32, #tpu.memory_space<vmem>>, vector<1x16xf32>,
        %sub3A_427 = arith.subf %get3A_412, %get3A_416 : vector<16xf32>
        %mul3A_428 = arith.mulf %sub3A_427, %sub3A_427 : vector<16xf32>
        %add3A_429 = arith.addf %scan3A_382, %mul3A_428 : vector<16xf32>
        %get3A_430 = arith.index_cast %mul3A_386 : i32 to index
        %get3A_431 = arith.constant 32 : index
        %get3A_432 = tpu.vector_load %arg9[%get3A_430, %get3A_431] {strides = array<i32>} : memref<128x64xf32, #tpu.memory_space<vmem>>, vector<1x16xf32>,
        %get3A_433 = vector.shape_cast %get3A_432 : vector<1x16xf32> to vector<16xf32>
        %get3A_434 = arith.index_cast %mul3A_386 : i32 to index
        %get3A_435 = arith.constant 32 : index
        %get3A_436 = tpu.vector_load %arg11[%get3A_434, %get3A_435] {strides = array<i32>} : memref<128x64xf32, #tpu.memory_space<vmem>>, vector<1x16xf32>,
        %get3A_437 = vector.shape_cast %get3A_436 : vector<1x16xf32> to vector<16xf32>
        %swap3A_438 = arith.index_cast %scan3A_380 : i32 to index
        %swap3A_439 = arith.constant 32 : index
        %swap3A_440 = tpu.vector_load %arg13[%swap3A_438, %swap3A_439] {strides = array<i32>} : memref<64x128xf32, #tpu.memory_space<vmem>>, vector<1x16xf32>,
        %swap3A_441 = vector.shape_cast %swap3A_440 : vector<1x16xf32> to vector<16xf32>
        %swap3A_442 = vector.shape_cast %get3A_433 : vector<16xf32> to vector<1x16xf32>
        tpu.vector_store %arg13[%swap3A_438, %swap3A_439], %swap3A_442 {strides = array<i32>} : memref<64x128xf32, #tpu.memory_space<vmem>>, vector<1x16xf32>,
        %swap3A_443 = arith.index_cast %scan3A_380 : i32 to index
        %swap3A_444 = arith.constant 32 : index
        %swap3A_445 = tpu.vector_load %arg15[%swap3A_443, %swap3A_444] {strides = array<i32>} : memref<64x128xf32, #tpu.memory_space<vmem>>, vector<1x16xf32>,
        %swap3A_446 = vector.shape_cast %swap3A_445 : vector<1x16xf32> to vector<16xf32>
        %swap3A_447 = vector.shape_cast %get3A_437 : vector<16xf32> to vector<1x16xf32>
        tpu.vector_store %arg15[%swap3A_443, %swap3A_444], %swap3A_447 {strides = array<i32>} : memref<64x128xf32, #tpu.memory_space<vmem>>, vector<1x16xf32>,
        %sub3A_448 = arith.subf %get3A_433, %get3A_437 : vector<16xf32>
        %mul3A_449 = arith.mulf %sub3A_448, %sub3A_448 : vector<16xf32>
        %add3A_450 = arith.addf %scan3A_383, %mul3A_449 : vector<16xf32>
        %get3A_451 = arith.index_cast %mul3A_386 : i32 to index
        %get3A_452 = arith.constant 48 : index
        %get3A_453 = tpu.vector_load %arg9[%get3A_451, %get3A_452] {strides = array<i32>} : memref<128x64xf32, #tpu.memory_space<vmem>>, vector<1x16xf32>,
        %get3A_454 = vector.shape_cast %get3A_453 : vector<1x16xf32> to vector<16xf32>
        %get3A_455 = arith.index_cast %mul3A_386 : i32 to index
        %get3A_456 = arith.constant 48 : index
        %get3A_457 = tpu.vector_load %arg11[%get3A_455, %get3A_456] {strides = array<i32>} : memref<128x64xf32, #tpu.memory_space<vmem>>, vector<1x16xf32>,
        %get3A_458 = vector.shape_cast %get3A_457 : vector<1x16xf32> to vector<16xf32>
        %swap3A_459 = arith.index_cast %scan3A_380 : i32 to index
        %swap3A_460 = arith.constant 48 : index
        %swap3A_461 = tpu.vector_load %arg13[%swap3A_459, %swap3A_460] {strides = array<i32>} : memref<64x128xf32, #tpu.memory_space<vmem>>, vector<1x16xf32>,
        %swap3A_462 = vector.shape_cast %swap3A_461 : vector<1x16xf32> to vector<16xf32>
        %swap3A_463 = vector.shape_cast %get3A_454 : vector<16xf32> to vector<1x16xf32>
        tpu.vector_store %arg13[%swap3A_459, %swap3A_460], %swap3A_463 {strides = array<i32>} : memref<64x128xf32, #tpu.memory_space<vmem>>, vector<1x16xf32>,
        %swap3A_464 = arith.index_cast %scan3A_380 : i32 to index
        %swap3A_465 = arith.constant 48 : index
        %swap3A_466 = tpu.vector_load %arg15[%swap3A_464, %swap3A_465] {strides = array<i32>} : memref<64x128xf32, #tpu.memory_space<vmem>>, vector<1x16xf32>,
        %swap3A_467 = vector.shape_cast %swap3A_466 : vector<1x16xf32> to vector<16xf32>
        %swap3A_468 = vector.shape_cast %get3A_458 : vector<16xf32> to vector<1x16xf32>
        tpu.vector_store %arg15[%swap3A_464, %swap3A_465], %swap3A_468 {strides = array<i32>} : memref<64x128xf32, #tpu.memory_space<vmem>>, vector<1x16xf32>,
        %sub3A_469 = arith.subf %get3A_454, %get3A_458 : vector<16xf32>
        %mul3A_470 = arith.mulf %sub3A_469, %sub3A_469 : vector<16xf32>
        %add3A_471 = arith.addf %scan3A_384, %mul3A_470 : vector<16xf32>
        %get3A_472 = arith.index_cast %add3A_388 : i32 to index
        %get3A_473 = arith.constant 0 : index
        %get3A_474 = tpu.vector_load %arg9[%get3A_472, %get3A_473] {strides = array<i32>} : memref<128x64xf32, #tpu.memory_space<vmem>>, vector<1x16xf32>,
        %get3A_475 = vector.shape_cast %get3A_474 : vector<1x16xf32> to vector<16xf32>
        %get3A_476 = arith.index_cast %add3A_388 : i32 to index
        %get3A_477 = arith.constant 0 : index
        %get3A_478 = tpu.vector_load %arg11[%get3A_476, %get3A_477] {strides = array<i32>} : memref<128x64xf32, #tpu.memory_space<vmem>>, vector<1x16xf32>,
        %get3A_479 = vector.shape_cast %get3A_478 : vector<1x16xf32> to vector<16xf32>
        %swap3A_480 = arith.index_cast %scan3A_380 : i32 to index
        %swap3A_481 = arith.constant 64 : index
        %swap3A_482 = tpu.vector_load %arg13[%swap3A_480, %swap3A_481] {strides = array<i32>} : memref<64x128xf32, #tpu.memory_space<vmem>>, vector<1x16xf32>,
        %swap3A_483 = vector.shape_cast %swap3A_482 : vector<1x16xf32> to vector<16xf32>
        %swap3A_484 = vector.shape_cast %get3A_475 : vector<16xf32> to vector<1x16xf32>
        tpu.vector_store %arg13[%swap3A_480, %swap3A_481], %swap3A_484 {strides = array<i32>} : memref<64x128xf32, #tpu.memory_space<vmem>>, vector<1x16xf32>,
        %swap3A_485 = arith.index_cast %scan3A_380 : i32 to index
        %swap3A_486 = arith.constant 64 : index
        %swap3A_487 = tpu.vector_load %arg15[%swap3A_485, %swap3A_486] {strides = array<i32>} : memref<64x128xf32, #tpu.memory_space<vmem>>, vector<1x16xf32>,
        %swap3A_488 = vector.shape_cast %swap3A_487 : vector<1x16xf32> to vector<16xf32>
        %swap3A_489 = vector.shape_cast %get3A_479 : vector<16xf32> to vector<1x16xf32>
        tpu.vector_store %arg15[%swap3A_485, %swap3A_486], %swap3A_489 {strides = array<i32>} : memref<64x128xf32, #tpu.memory_space<vmem>>, vector<1x16xf32>,
        %sub3A_490 = arith.subf %get3A_475, %get3A_479 : vector<16xf32>
        %mul3A_491 = arith.mulf %sub3A_490, %sub3A_490 : vector<16xf32>
        %add3A_492 = arith.addf %add3A_408, %mul3A_491 : vector<16xf32>
        %get3A_493 = arith.index_cast %add3A_388 : i32 to index
        %get3A_494 = arith.constant 16 : index
        %get3A_495 = tpu.vector_load %arg9[%get3A_493, %get3A_494] {strides = array<i32>} : memref<128x64xf32, #tpu.memory_space<vmem>>, vector<1x16xf32>,
        %get3A_496 = vector.shape_cast %get3A_495 : vector<1x16xf32> to vector<16xf32>
        %get3A_497 = arith.index_cast %add3A_388 : i32 to index
        %get3A_498 = arith.constant 16 : index
        %get3A_499 = tpu.vector_load %arg11[%get3A_497, %get3A_498] {strides = array<i32>} : memref<128x64xf32, #tpu.memory_space<vmem>>, vector<1x16xf32>,
        %get3A_500 = vector.shape_cast %get3A_499 : vector<1x16xf32> to vector<16xf32>
        %swap3A_501 = arith.index_cast %scan3A_380 : i32 to index
        %swap3A_502 = arith.constant 80 : index
        %swap3A_503 = tpu.vector_load %arg13[%swap3A_501, %swap3A_502] {strides = array<i32>} : memref<64x128xf32, #tpu.memory_space<vmem>>, vector<1x16xf32>,
        %swap3A_504 = vector.shape_cast %swap3A_503 : vector<1x16xf32> to vector<16xf32>
        %swap3A_505 = vector.shape_cast %get3A_496 : vector<16xf32> to vector<1x16xf32>
        tpu.vector_store %arg13[%swap3A_501, %swap3A_502], %swap3A_505 {strides = array<i32>} : memref<64x128xf32, #tpu.memory_space<vmem>>, vector<1x16xf32>,
        %swap3A_506 = arith.index_cast %scan3A_380 : i32 to index
        %swap3A_507 = arith.constant 80 : index
        %swap3A_508 = tpu.vector_load %arg15[%swap3A_506, %swap3A_507] {strides = array<i32>} : memref<64x128xf32, #tpu.memory_space<vmem>>, vector<1x16xf32>,
        %swap3A_509 = vector.shape_cast %swap3A_508 : vector<1x16xf32> to vector<16xf32>
        %swap3A_510 = vector.shape_cast %get3A_500 : vector<16xf32> to vector<1x16xf32>
        tpu.vector_store %arg15[%swap3A_506, %swap3A_507], %swap3A_510 {strides = array<i32>} : memref<64x128xf32, #tpu.memory_space<vmem>>, vector<1x16xf32>,
        %sub3A_511 = arith.subf %get3A_496, %get3A_500 : vector<16xf32>
        %mul3A_512 = arith.mulf %sub3A_511, %sub3A_511 : vector<16xf32>
        %add3A_513 = arith.addf %add3A_429, %mul3A_512 : vector<16xf32>
        %get3A_514 = arith.index_cast %add3A_388 : i32 to index
        %get3A_515 = arith.constant 32 : index
        %get3A_516 = tpu.vector_load %arg9[%get3A_514, %get3A_515] {strides = array<i32>} : memref<128x64xf32, #tpu.memory_space<vmem>>, vector<1x16xf32>,
        %get3A_517 = vector.shape_cast %get3A_516 : vector<1x16xf32> to vector<16xf32>
        %get3A_518 = arith.index_cast %add3A_388 : i32 to index
        %get3A_519 = arith.constant 32 : index
        %get3A_520 = tpu.vector_load %arg11[%get3A_518, %get3A_519] {strides = array<i32>} : memref<128x64xf32, #tpu.memory_space<vmem>>, vector<1x16xf32>,
        %get3A_521 = vector.shape_cast %get3A_520 : vector<1x16xf32> to vector<16xf32>
        %swap3A_522 = arith.index_cast %scan3A_380 : i32 to index
        %swap3A_523 = arith.constant 96 : index
        %swap3A_524 = tpu.vector_load %arg13[%swap3A_522, %swap3A_523] {strides = array<i32>} : memref<64x128xf32, #tpu.memory_space<vmem>>, vector<1x16xf32>,
        %swap3A_525 = vector.shape_cast %swap3A_524 : vector<1x16xf32> to vector<16xf32>
        %swap3A_526 = vector.shape_cast %get3A_517 : vector<16xf32> to vector<1x16xf32>
        tpu.vector_store %arg13[%swap3A_522, %swap3A_523], %swap3A_526 {strides = array<i32>} : memref<64x128xf32, #tpu.memory_space<vmem>>, vector<1x16xf32>,
        %swap3A_527 = arith.index_cast %scan3A_380 : i32 to index
        %swap3A_528 = arith.constant 96 : index
        %swap3A_529 = tpu.vector_load %arg15[%swap3A_527, %swap3A_528] {strides = array<i32>} : memref<64x128xf32, #tpu.memory_space<vmem>>, vector<1x16xf32>,
        %swap3A_530 = vector.shape_cast %swap3A_529 : vector<1x16xf32> to vector<16xf32>
        %swap3A_531 = vector.shape_cast %get3A_521 : vector<16xf32> to vector<1x16xf32>
        tpu.vector_store %arg15[%swap3A_527, %swap3A_528], %swap3A_531 {strides = array<i32>} : memref<64x128xf32, #tpu.memory_space<vmem>>, vector<1x16xf32>,
        %sub3A_532 = arith.subf %get3A_517, %get3A_521 : vector<16xf32>
        %mul3A_533 = arith.mulf %sub3A_532, %sub3A_532 : vector<16xf32>
        %add3A_534 = arith.addf %add3A_450, %mul3A_533 : vector<16xf32>
        %get3A_535 = arith.index_cast %add3A_388 : i32 to index
        %get3A_536 = arith.constant 48 : index
        %get3A_537 = tpu.vector_load %arg9[%get3A_535, %get3A_536] {strides = array<i32>} : memref<128x64xf32, #tpu.memory_space<vmem>>, vector<1x16xf32>,
        %get3A_538 = vector.shape_cast %get3A_537 : vector<1x16xf32> to vector<16xf32>
        %get3A_539 = arith.index_cast %add3A_388 : i32 to index
        %get3A_540 = arith.constant 48 : index
        %get3A_541 = tpu.vector_load %arg11[%get3A_539, %get3A_540] {strides = array<i32>} : memref<128x64xf32, #tpu.memory_space<vmem>>, vector<1x16xf32>,
        %get3A_542 = vector.shape_cast %get3A_541 : vector<1x16xf32> to vector<16xf32>
        %swap3A_543 = arith.index_cast %scan3A_380 : i32 to index
        %swap3A_544 = arith.constant 112 : index
        %swap3A_545 = tpu.vector_load %arg13[%swap3A_543, %swap3A_544] {strides = array<i32>} : memref<64x128xf32, #tpu.memory_space<vmem>>, vector<1x16xf32>,
        %swap3A_546 = vector.shape_cast %swap3A_545 : vector<1x16xf32> to vector<16xf32>
        %swap3A_547 = vector.shape_cast %get3A_538 : vector<16xf32> to vector<1x16xf32>
        tpu.vector_store %arg13[%swap3A_543, %swap3A_544], %swap3A_547 {strides = array<i32>} : memref<64x128xf32, #tpu.memory_space<vmem>>, vector<1x16xf32>,
        %swap3A_548 = arith.index_cast %scan3A_380 : i32 to index
        %swap3A_549 = arith.constant 112 : index
        %swap3A_550 = tpu.vector_load %arg15[%swap3A_548, %swap3A_549] {strides = array<i32>} : memref<64x128xf32, #tpu.memory_space<vmem>>, vector<1x16xf32>,
        %swap3A_551 = vector.shape_cast %swap3A_550 : vector<1x16xf32> to vector<16xf32>
        %swap3A_552 = vector.shape_cast %get3A_542 : vector<16xf32> to vector<1x16xf32>
        tpu.vector_store %arg15[%swap3A_548, %swap3A_549], %swap3A_552 {strides = array<i32>} : memref<64x128xf32, #tpu.memory_space<vmem>>, vector<1x16xf32>,
        %sub3A_553 = arith.subf %get3A_538, %get3A_542 : vector<16xf32>
        %mul3A_554 = arith.mulf %sub3A_553, %sub3A_553 : vector<16xf32>
        %add3A_555 = arith.addf %add3A_471, %mul3A_554 : vector<16xf32>
        scf.yield %add3A_492, %add3A_513, %add3A_534, %add3A_555 : vector<16xf32>, vector<16xf32>, vector<16xf32>, vector<16xf32>
      }
      %scan3A_295 = arith.constant 64 : i32
      %mul3A_296 = arith.constant 64 : i32
      %mul3A_297 = arith.muli %mul3A_263, %mul3A_296 : i32
      %add3A_298 = arith.addi %select_n3A, %mul3A_297 : i32
      %dma_start3A_299 = arith.constant 0 : i32
      %dma_start3A_300 = tpu.memref_slice %arg5[%add3A_298, %dma_start3A_299] : memref<409600x128xf32, #tpu.memory_space<hbm>> -> memref<64x128xf32, #tpu.memory_space<hbm>>
      %dma_start3A_301 = arith.constant 0 : i32
      %dma_start3A_302 = tpu.memref_slice %arg5[%add3A_298, %dma_start3A_301] : memref<409600x128xf32, #tpu.memory_space<hbm>> -> memref<64x128xf32, #tpu.memory_space<hbm>>
      tpu.enqueue_dma source(%arg13 : memref<64x128xf32, #tpu.memory_space<vmem>>) target(%dma_start3A_302 : memref<64x128xf32, #tpu.memory_space<hbm>>) target_semaphore(%arg20 : memref<!tpu.dma_semaphore, #tpu.memory_space<semaphore_mem>>)
      %dma_start3A_303 = arith.constant 0 : i32
      %dma_start3A_304 = tpu.memref_slice %arg6[%add3A_298, %dma_start3A_303] : memref<409600x128xf32, #tpu.memory_space<hbm>> -> memref<64x128xf32, #tpu.memory_space<hbm>>
      %dma_start3A_305 = arith.constant 0 : i32
      %dma_start3A_306 = tpu.memref_slice %arg6[%add3A_298, %dma_start3A_305] : memref<409600x128xf32, #tpu.memory_space<hbm>> -> memref<64x128xf32, #tpu.memory_space<hbm>>
      tpu.enqueue_dma source(%arg15 : memref<64x128xf32, #tpu.memory_space<vmem>>) target(%dma_start3A_306 : memref<64x128xf32, #tpu.memory_space<hbm>>) target_semaphore(%arg20 : memref<!tpu.dma_semaphore, #tpu.memory_space<semaphore_mem>>)
      %add3A_307 = arith.constant 2 : i32
      %add3A_308 = arith.addi %mul3A_263, %add3A_307 : i32
      %dma_start3A_309 = arith.constant 0 : i32
      %dma_start3A_310 = tpu.memref_slice %arg8[%add3A_308, %dma_start3A_309] : memref<200x128xi32, #tpu.memory_space<vmem>> -> memref<1x128xi32, #tpu.memory_space<vmem>>
      %dma_start3A_311 = tpu.memref_squeeze %dma_start3A_310 : memref<1x128xi32, #tpu.memory_space<vmem>> -> memref<128xi32, #tpu.memory_space<vmem>>
      %dma_start3A_312 = arith.constant 0 : i32
      %dma_start3A_313 = arith.constant 0 : i32
      %dma_start3A_314 = tpu.memref_slice %arg3[%dma_start3A_312, %dma_start3A_313] : memref<100000x64xf32, #tpu.memory_space<hbm>> -> memref<100000x64xf32, #tpu.memory_space<hbm>>
      tpu.enqueue_indirect_dma source(%dma_start3A_314 : memref<100000x64xf32, #tpu.memory_space<hbm>>) target(%arg9 : memref<128x64xf32, #tpu.memory_space<vmem>>) offsets(%dma_start3A_311 : memref<128xi32, #tpu.memory_space<vmem>>) semaphore(%arg18 : memref<!tpu.dma_semaphore, #tpu.memory_space<semaphore_mem>>)
      %dma_start3A_315 = arith.constant 0 : i32
      %dma_start3A_316 = tpu.memref_slice %arg8[%add3A_308, %dma_start3A_315] : memref<200x128xi32, #tpu.memory_space<vmem>> -> memref<1x128xi32, #tpu.memory_space<vmem>>
      %dma_start3A_317 = tpu.memref_squeeze %dma_start3A_316 : memref<1x128xi32, #tpu.memory_space<vmem>> -> memref<128xi32, #tpu.memory_space<vmem>>
      %dma_start3A_318 = arith.constant 0 : i32
      %dma_start3A_319 = arith.constant 0 : i32
      %dma_start3A_320 = tpu.memref_slice %arg4[%dma_start3A_318, %dma_start3A_319] : memref<100000x64xf32, #tpu.memory_space<hbm>> -> memref<100000x64xf32, #tpu.memory_space<hbm>>
      tpu.enqueue_indirect_dma source(%dma_start3A_320 : memref<100000x64xf32, #tpu.memory_space<hbm>>) target(%arg11 : memref<128x64xf32, #tpu.memory_space<vmem>>) offsets(%dma_start3A_317 : memref<128xi32, #tpu.memory_space<vmem>>) semaphore(%arg18 : memref<!tpu.dma_semaphore, #tpu.memory_space<semaphore_mem>>)
      %add3A_321 = arith.constant 1 : i32
      %add3A_322 = arith.addi %mul3A_263, %add3A_321 : i32
      %dma_wait3A_323 = arith.constant 0 : i32
      %dma_wait3A_324 = arith.constant 0 : i32
      %dma_wait3A_325 = tpu.memref_slice %arg8[%dma_wait3A_323, %dma_wait3A_324] : memref<200x128xi32, #tpu.memory_space<vmem>> -> memref<1x128xi32, #tpu.memory_space<vmem>>
      %dma_wait3A_326 = tpu.memref_squeeze %dma_wait3A_325 : memref<1x128xi32, #tpu.memory_space<vmem>> -> memref<128xi32, #tpu.memory_space<vmem>>
      %dma_wait3A_327 = arith.constant 0 : i32
      %dma_wait3A_328 = arith.constant 0 : i32
      %dma_wait3A_329 = tpu.memref_slice %arg3[%dma_wait3A_327, %dma_wait3A_328] : memref<100000x64xf32, #tpu.memory_space<hbm>> -> memref<100000x64xf32, #tpu.memory_space<hbm>>
      tpu.wait_indirect_dma semaphore(%arg19 : memref<!tpu.dma_semaphore, #tpu.memory_space<semaphore_mem>>) src(%dma_wait3A_329 : memref<100000x64xf32, #tpu.memory_space<hbm>>) dst(%arg10 : memref<128x64xf32, #tpu.memory_space<vmem>>)
      %dma_wait3A_330 = arith.constant 0 : i32
      %dma_wait3A_331 = arith.constant 0 : i32
      %dma_wait3A_332 = tpu.memref_slice %arg8[%dma_wait3A_330, %dma_wait3A_331] : memref<200x128xi32, #tpu.memory_space<vmem>> -> memref<1x128xi32, #tpu.memory_space<vmem>>
      %dma_wait3A_333 = tpu.memref_squeeze %dma_wait3A_332 : memref<1x128xi32, #tpu.memory_space<vmem>> -> memref<128xi32, #tpu.memory_space<vmem>>
      %dma_wait3A_334 = arith.constant 0 : i32
      %dma_wait3A_335 = arith.constant 0 : i32
      %dma_wait3A_336 = tpu.memref_slice %arg4[%dma_wait3A_334, %dma_wait3A_335] : memref<100000x64xf32, #tpu.memory_space<hbm>> -> memref<100000x64xf32, #tpu.memory_space<hbm>>
      tpu.wait_indirect_dma semaphore(%arg19 : memref<!tpu.dma_semaphore, #tpu.memory_space<semaphore_mem>>) src(%dma_wait3A_336 : memref<100000x64xf32, #tpu.memory_space<hbm>>) dst(%arg12 : memref<128x64xf32, #tpu.memory_space<vmem>>)
      %dma_wait3A_337 = arith.constant 0 : i32
      %dma_wait3A_338 = arith.constant 0 : i32
      %dma_wait3A_339 = tpu.memref_slice %arg5[%dma_wait3A_337, %dma_wait3A_338] : memref<409600x128xf32, #tpu.memory_space<hbm>> -> memref<64x128xf32, #tpu.memory_space<hbm>>
      %dma_wait3A_340 = arith.constant 0 : i32
      %dma_wait3A_341 = arith.constant 0 : i32
      %dma_wait3A_342 = tpu.memref_slice %arg5[%dma_wait3A_340, %dma_wait3A_341] : memref<409600x128xf32, #tpu.memory_space<hbm>> -> memref<64x128xf32, #tpu.memory_space<hbm>>
      tpu.wait_dma2 semaphore(%arg21 : memref<!tpu.dma_semaphore, #tpu.memory_space<semaphore_mem>>) src(%arg14 : memref<64x128xf32, #tpu.memory_space<vmem>>) dst(%dma_wait3A_342 : memref<64x128xf32, #tpu.memory_space<hbm>>)
      %dma_wait3A_343 = arith.constant 0 : i32
      %dma_wait3A_344 = arith.constant 0 : i32
      %dma_wait3A_345 = tpu.memref_slice %arg6[%dma_wait3A_343, %dma_wait3A_344] : memref<409600x128xf32, #tpu.memory_space<hbm>> -> memref<64x128xf32, #tpu.memory_space<hbm>>
      %dma_wait3A_346 = arith.constant 0 : i32
      %dma_wait3A_347 = arith.constant 0 : i32
      %dma_wait3A_348 = tpu.memref_slice %arg6[%dma_wait3A_346, %dma_wait3A_347] : memref<409600x128xf32, #tpu.memory_space<hbm>> -> memref<64x128xf32, #tpu.memory_space<hbm>>
      tpu.wait_dma2 semaphore(%arg21 : memref<!tpu.dma_semaphore, #tpu.memory_space<semaphore_mem>>) src(%arg16 : memref<64x128xf32, #tpu.memory_space<vmem>>) dst(%dma_wait3A_348 : memref<64x128xf32, #tpu.memory_space<hbm>>)
      %scan3A_349 = arith.constant 0 : i32
      %scan3A_350 = arith.constant 64 : i32
      %scan3A_351 = arith.addi %scan3A_349, %scan3A_350 : i32
      %scan3A_352 = arith.constant 1 : i32
      %scan3A_353:4 = scf.for %scan3A_380 = %scan3A_349 to %scan3A_351 step %scan3A_352 iter_args(%scan3A_381 = %scan3A_294#0, %scan3A_382 = %scan3A_294#1, %scan3A_383 = %scan3A_294#2, %scan3A_384 = %scan3A_294#3) -> (vector<16xf32>, vector<16xf32>, vector<16xf32>, vector<16xf32>)  : i32 {
        %mul3A_385 = arith.constant 2 : i32
        %mul3A_386 = arith.muli %mul3A_385, %scan3A_380 : i32
        %add3A_387 = arith.constant 1 : i32
        %add3A_388 = arith.addi %mul3A_386, %add3A_387 : i32
        %get3A = arith.index_cast %mul3A_386 : i32 to index
        %get3A_389 = arith.constant 0 : index
        %get3A_390 = tpu.vector_load %arg10[%get3A, %get3A_389] {strides = array<i32>} : memref<128x64xf32, #tpu.memory_space<vmem>>, vector<1x16xf32>,
        %get3A_391 = vector.shape_cast %get3A_390 : vector<1x16xf32> to vector<16xf32>
        %get3A_392 = arith.index_cast %mul3A_386 : i32 to index
        %get3A_393 = arith.constant 0 : index
        %get3A_394 = tpu.vector_load %arg12[%get3A_392, %get3A_393] {strides = array<i32>} : memref<128x64xf32, #tpu.memory_space<vmem>>, vector<1x16xf32>,
        %get3A_395 = vector.shape_cast %get3A_394 : vector<1x16xf32> to vector<16xf32>
        %swap3A_396 = arith.index_cast %scan3A_380 : i32 to index
        %swap3A_397 = arith.constant 0 : index
        %swap3A_398 = tpu.vector_load %arg14[%swap3A_396, %swap3A_397] {strides = array<i32>} : memref<64x128xf32, #tpu.memory_space<vmem>>, vector<1x16xf32>,
        %swap3A_399 = vector.shape_cast %swap3A_398 : vector<1x16xf32> to vector<16xf32>
        %swap3A_400 = vector.shape_cast %get3A_391 : vector<16xf32> to vector<1x16xf32>
        tpu.vector_store %arg14[%swap3A_396, %swap3A_397], %swap3A_400 {strides = array<i32>} : memref<64x128xf32, #tpu.memory_space<vmem>>, vector<1x16xf32>,
        %swap3A_401 = arith.index_cast %scan3A_380 : i32 to index
        %swap3A_402 = arith.constant 0 : index
        %swap3A_403 = tpu.vector_load %arg16[%swap3A_401, %swap3A_402] {strides = array<i32>} : memref<64x128xf32, #tpu.memory_space<vmem>>, vector<1x16xf32>,
        %swap3A_404 = vector.shape_cast %swap3A_403 : vector<1x16xf32> to vector<16xf32>
        %swap3A_405 = vector.shape_cast %get3A_395 : vector<16xf32> to vector<1x16xf32>
        tpu.vector_store %arg16[%swap3A_401, %swap3A_402], %swap3A_405 {strides = array<i32>} : memref<64x128xf32, #tpu.memory_space<vmem>>, vector<1x16xf32>,
        %sub3A_406 = arith.subf %get3A_391, %get3A_395 : vector<16xf32>
        %mul3A_407 = arith.mulf %sub3A_406, %sub3A_406 : vector<16xf32>
        %add3A_408 = arith.addf %scan3A_381, %mul3A_407 : vector<16xf32>
        %get3A_409 = arith.index_cast %mul3A_386 : i32 to index
        %get3A_410 = arith.constant 16 : index
        %get3A_411 = tpu.vector_load %arg10[%get3A_409, %get3A_410] {strides = array<i32>} : memref<128x64xf32, #tpu.memory_space<vmem>>, vector<1x16xf32>,
        %get3A_412 = vector.shape_cast %get3A_411 : vector<1x16xf32> to vector<16xf32>
        %get3A_413 = arith.index_cast %mul3A_386 : i32 to index
        %get3A_414 = arith.constant 16 : index
        %get3A_415 = tpu.vector_load %arg12[%get3A_413, %get3A_414] {strides = array<i32>} : memref<128x64xf32, #tpu.memory_space<vmem>>, vector<1x16xf32>,
        %get3A_416 = vector.shape_cast %get3A_415 : vector<1x16xf32> to vector<16xf32>
        %swap3A_417 = arith.index_cast %scan3A_380 : i32 to index
        %swap3A_418 = arith.constant 16 : index
        %swap3A_419 = tpu.vector_load %arg14[%swap3A_417, %swap3A_418] {strides = array<i32>} : memref<64x128xf32, #tpu.memory_space<vmem>>, vector<1x16xf32>,
        %swap3A_420 = vector.shape_cast %swap3A_419 : vector<1x16xf32> to vector<16xf32>
        %swap3A_421 = vector.shape_cast %get3A_412 : vector<16xf32> to vector<1x16xf32>
        tpu.vector_store %arg14[%swap3A_417, %swap3A_418], %swap3A_421 {strides = array<i32>} : memref<64x128xf32, #tpu.memory_space<vmem>>, vector<1x16xf32>,
        %swap3A_422 = arith.index_cast %scan3A_380 : i32 to index
        %swap3A_423 = arith.constant 16 : index
        %swap3A_424 = tpu.vector_load %arg16[%swap3A_422, %swap3A_423] {strides = array<i32>} : memref<64x128xf32, #tpu.memory_space<vmem>>, vector<1x16xf32>,
        %swap3A_425 = vector.shape_cast %swap3A_424 : vector<1x16xf32> to vector<16xf32>
        %swap3A_426 = vector.shape_cast %get3A_416 : vector<16xf32> to vector<1x16xf32>
        tpu.vector_store %arg16[%swap3A_422, %swap3A_423], %swap3A_426 {strides = array<i32>} : memref<64x128xf32, #tpu.memory_space<vmem>>, vector<1x16xf32>,
        %sub3A_427 = arith.subf %get3A_412, %get3A_416 : vector<16xf32>
        %mul3A_428 = arith.mulf %sub3A_427, %sub3A_427 : vector<16xf32>
        %add3A_429 = arith.addf %scan3A_382, %mul3A_428 : vector<16xf32>
        %get3A_430 = arith.index_cast %mul3A_386 : i32 to index
        %get3A_431 = arith.constant 32 : index
        %get3A_432 = tpu.vector_load %arg10[%get3A_430, %get3A_431] {strides = array<i32>} : memref<128x64xf32, #tpu.memory_space<vmem>>, vector<1x16xf32>,
        %get3A_433 = vector.shape_cast %get3A_432 : vector<1x16xf32> to vector<16xf32>
        %get3A_434 = arith.index_cast %mul3A_386 : i32 to index
        %get3A_435 = arith.constant 32 : index
        %get3A_436 = tpu.vector_load %arg12[%get3A_434, %get3A_435] {strides = array<i32>} : memref<128x64xf32, #tpu.memory_space<vmem>>, vector<1x16xf32>,
        %get3A_437 = vector.shape_cast %get3A_436 : vector<1x16xf32> to vector<16xf32>
        %swap3A_438 = arith.index_cast %scan3A_380 : i32 to index
        %swap3A_439 = arith.constant 32 : index
        %swap3A_440 = tpu.vector_load %arg14[%swap3A_438, %swap3A_439] {strides = array<i32>} : memref<64x128xf32, #tpu.memory_space<vmem>>, vector<1x16xf32>,
        %swap3A_441 = vector.shape_cast %swap3A_440 : vector<1x16xf32> to vector<16xf32>
        %swap3A_442 = vector.shape_cast %get3A_433 : vector<16xf32> to vector<1x16xf32>
        tpu.vector_store %arg14[%swap3A_438, %swap3A_439], %swap3A_442 {strides = array<i32>} : memref<64x128xf32, #tpu.memory_space<vmem>>, vector<1x16xf32>,
        %swap3A_443 = arith.index_cast %scan3A_380 : i32 to index
        %swap3A_444 = arith.constant 32 : index
        %swap3A_445 = tpu.vector_load %arg16[%swap3A_443, %swap3A_444] {strides = array<i32>} : memref<64x128xf32, #tpu.memory_space<vmem>>, vector<1x16xf32>,
        %swap3A_446 = vector.shape_cast %swap3A_445 : vector<1x16xf32> to vector<16xf32>
        %swap3A_447 = vector.shape_cast %get3A_437 : vector<16xf32> to vector<1x16xf32>
        tpu.vector_store %arg16[%swap3A_443, %swap3A_444], %swap3A_447 {strides = array<i32>} : memref<64x128xf32, #tpu.memory_space<vmem>>, vector<1x16xf32>,
        %sub3A_448 = arith.subf %get3A_433, %get3A_437 : vector<16xf32>
        %mul3A_449 = arith.mulf %sub3A_448, %sub3A_448 : vector<16xf32>
        %add3A_450 = arith.addf %scan3A_383, %mul3A_449 : vector<16xf32>
        %get3A_451 = arith.index_cast %mul3A_386 : i32 to index
        %get3A_452 = arith.constant 48 : index
        %get3A_453 = tpu.vector_load %arg10[%get3A_451, %get3A_452] {strides = array<i32>} : memref<128x64xf32, #tpu.memory_space<vmem>>, vector<1x16xf32>,
        %get3A_454 = vector.shape_cast %get3A_453 : vector<1x16xf32> to vector<16xf32>
        %get3A_455 = arith.index_cast %mul3A_386 : i32 to index
        %get3A_456 = arith.constant 48 : index
        %get3A_457 = tpu.vector_load %arg12[%get3A_455, %get3A_456] {strides = array<i32>} : memref<128x64xf32, #tpu.memory_space<vmem>>, vector<1x16xf32>,
        %get3A_458 = vector.shape_cast %get3A_457 : vector<1x16xf32> to vector<16xf32>
        %swap3A_459 = arith.index_cast %scan3A_380 : i32 to index
        %swap3A_460 = arith.constant 48 : index
        %swap3A_461 = tpu.vector_load %arg14[%swap3A_459, %swap3A_460] {strides = array<i32>} : memref<64x128xf32, #tpu.memory_space<vmem>>, vector<1x16xf32>,
        %swap3A_462 = vector.shape_cast %swap3A_461 : vector<1x16xf32> to vector<16xf32>
        %swap3A_463 = vector.shape_cast %get3A_454 : vector<16xf32> to vector<1x16xf32>
        tpu.vector_store %arg14[%swap3A_459, %swap3A_460], %swap3A_463 {strides = array<i32>} : memref<64x128xf32, #tpu.memory_space<vmem>>, vector<1x16xf32>,
        %swap3A_464 = arith.index_cast %scan3A_380 : i32 to index
        %swap3A_465 = arith.constant 48 : index
        %swap3A_466 = tpu.vector_load %arg16[%swap3A_464, %swap3A_465] {strides = array<i32>} : memref<64x128xf32, #tpu.memory_space<vmem>>, vector<1x16xf32>,
        %swap3A_467 = vector.shape_cast %swap3A_466 : vector<1x16xf32> to vector<16xf32>
        %swap3A_468 = vector.shape_cast %get3A_458 : vector<16xf32> to vector<1x16xf32>
        tpu.vector_store %arg16[%swap3A_464, %swap3A_465], %swap3A_468 {strides = array<i32>} : memref<64x128xf32, #tpu.memory_space<vmem>>, vector<1x16xf32>,
        %sub3A_469 = arith.subf %get3A_454, %get3A_458 : vector<16xf32>
        %mul3A_470 = arith.mulf %sub3A_469, %sub3A_469 : vector<16xf32>
        %add3A_471 = arith.addf %scan3A_384, %mul3A_470 : vector<16xf32>
        %get3A_472 = arith.index_cast %add3A_388 : i32 to index
        %get3A_473 = arith.constant 0 : index
        %get3A_474 = tpu.vector_load %arg10[%get3A_472, %get3A_473] {strides = array<i32>} : memref<128x64xf32, #tpu.memory_space<vmem>>, vector<1x16xf32>,
        %get3A_475 = vector.shape_cast %get3A_474 : vector<1x16xf32> to vector<16xf32>
        %get3A_476 = arith.index_cast %add3A_388 : i32 to index
        %get3A_477 = arith.constant 0 : index
        %get3A_478 = tpu.vector_load %arg12[%get3A_476, %get3A_477] {strides = array<i32>} : memref<128x64xf32, #tpu.memory_space<vmem>>, vector<1x16xf32>,
        %get3A_479 = vector.shape_cast %get3A_478 : vector<1x16xf32> to vector<16xf32>
        %swap3A_480 = arith.index_cast %scan3A_380 : i32 to index
        %swap3A_481 = arith.constant 64 : index
        %swap3A_482 = tpu.vector_load %arg14[%swap3A_480, %swap3A_481] {strides = array<i32>} : memref<64x128xf32, #tpu.memory_space<vmem>>, vector<1x16xf32>,
        %swap3A_483 = vector.shape_cast %swap3A_482 : vector<1x16xf32> to vector<16xf32>
        %swap3A_484 = vector.shape_cast %get3A_475 : vector<16xf32> to vector<1x16xf32>
        tpu.vector_store %arg14[%swap3A_480, %swap3A_481], %swap3A_484 {strides = array<i32>} : memref<64x128xf32, #tpu.memory_space<vmem>>, vector<1x16xf32>,
        %swap3A_485 = arith.index_cast %scan3A_380 : i32 to index
        %swap3A_486 = arith.constant 64 : index
        %swap3A_487 = tpu.vector_load %arg16[%swap3A_485, %swap3A_486] {strides = array<i32>} : memref<64x128xf32, #tpu.memory_space<vmem>>, vector<1x16xf32>,
        %swap3A_488 = vector.shape_cast %swap3A_487 : vector<1x16xf32> to vector<16xf32>
        %swap3A_489 = vector.shape_cast %get3A_479 : vector<16xf32> to vector<1x16xf32>
        tpu.vector_store %arg16[%swap3A_485, %swap3A_486], %swap3A_489 {strides = array<i32>} : memref<64x128xf32, #tpu.memory_space<vmem>>, vector<1x16xf32>,
        %sub3A_490 = arith.subf %get3A_475, %get3A_479 : vector<16xf32>
        %mul3A_491 = arith.mulf %sub3A_490, %sub3A_490 : vector<16xf32>
        %add3A_492 = arith.addf %add3A_408, %mul3A_491 : vector<16xf32>
        %get3A_493 = arith.index_cast %add3A_388 : i32 to index
        %get3A_494 = arith.constant 16 : index
        %get3A_495 = tpu.vector_load %arg10[%get3A_493, %get3A_494] {strides = array<i32>} : memref<128x64xf32, #tpu.memory_space<vmem>>, vector<1x16xf32>,
        %get3A_496 = vector.shape_cast %get3A_495 : vector<1x16xf32> to vector<16xf32>
        %get3A_497 = arith.index_cast %add3A_388 : i32 to index
        %get3A_498 = arith.constant 16 : index
        %get3A_499 = tpu.vector_load %arg12[%get3A_497, %get3A_498] {strides = array<i32>} : memref<128x64xf32, #tpu.memory_space<vmem>>, vector<1x16xf32>,
        %get3A_500 = vector.shape_cast %get3A_499 : vector<1x16xf32> to vector<16xf32>
        %swap3A_501 = arith.index_cast %scan3A_380 : i32 to index
        %swap3A_502 = arith.constant 80 : index
        %swap3A_503 = tpu.vector_load %arg14[%swap3A_501, %swap3A_502] {strides = array<i32>} : memref<64x128xf32, #tpu.memory_space<vmem>>, vector<1x16xf32>,
        %swap3A_504 = vector.shape_cast %swap3A_503 : vector<1x16xf32> to vector<16xf32>
        %swap3A_505 = vector.shape_cast %get3A_496 : vector<16xf32> to vector<1x16xf32>
        tpu.vector_store %arg14[%swap3A_501, %swap3A_502], %swap3A_505 {strides = array<i32>} : memref<64x128xf32, #tpu.memory_space<vmem>>, vector<1x16xf32>,
        %swap3A_506 = arith.index_cast %scan3A_380 : i32 to index
        %swap3A_507 = arith.constant 80 : index
        %swap3A_508 = tpu.vector_load %arg16[%swap3A_506, %swap3A_507] {strides = array<i32>} : memref<64x128xf32, #tpu.memory_space<vmem>>, vector<1x16xf32>,
        %swap3A_509 = vector.shape_cast %swap3A_508 : vector<1x16xf32> to vector<16xf32>
        %swap3A_510 = vector.shape_cast %get3A_500 : vector<16xf32> to vector<1x16xf32>
        tpu.vector_store %arg16[%swap3A_506, %swap3A_507], %swap3A_510 {strides = array<i32>} : memref<64x128xf32, #tpu.memory_space<vmem>>, vector<1x16xf32>,
        %sub3A_511 = arith.subf %get3A_496, %get3A_500 : vector<16xf32>
        %mul3A_512 = arith.mulf %sub3A_511, %sub3A_511 : vector<16xf32>
        %add3A_513 = arith.addf %add3A_429, %mul3A_512 : vector<16xf32>
        %get3A_514 = arith.index_cast %add3A_388 : i32 to index
        %get3A_515 = arith.constant 32 : index
        %get3A_516 = tpu.vector_load %arg10[%get3A_514, %get3A_515] {strides = array<i32>} : memref<128x64xf32, #tpu.memory_space<vmem>>, vector<1x16xf32>,
        %get3A_517 = vector.shape_cast %get3A_516 : vector<1x16xf32> to vector<16xf32>
        %get3A_518 = arith.index_cast %add3A_388 : i32 to index
        %get3A_519 = arith.constant 32 : index
        %get3A_520 = tpu.vector_load %arg12[%get3A_518, %get3A_519] {strides = array<i32>} : memref<128x64xf32, #tpu.memory_space<vmem>>, vector<1x16xf32>,
        %get3A_521 = vector.shape_cast %get3A_520 : vector<1x16xf32> to vector<16xf32>
        %swap3A_522 = arith.index_cast %scan3A_380 : i32 to index
        %swap3A_523 = arith.constant 96 : index
        %swap3A_524 = tpu.vector_load %arg14[%swap3A_522, %swap3A_523] {strides = array<i32>} : memref<64x128xf32, #tpu.memory_space<vmem>>, vector<1x16xf32>,
        %swap3A_525 = vector.shape_cast %swap3A_524 : vector<1x16xf32> to vector<16xf32>
        %swap3A_526 = vector.shape_cast %get3A_517 : vector<16xf32> to vector<1x16xf32>
        tpu.vector_store %arg14[%swap3A_522, %swap3A_523], %swap3A_526 {strides = array<i32>} : memref<64x128xf32, #tpu.memory_space<vmem>>, vector<1x16xf32>,
        %swap3A_527 = arith.index_cast %scan3A_380 : i32 to index
        %swap3A_528 = arith.constant 96 : index
        %swap3A_529 = tpu.vector_load %arg16[%swap3A_527, %swap3A_528] {strides = array<i32>} : memref<64x128xf32, #tpu.memory_space<vmem>>, vector<1x16xf32>,
        %swap3A_530 = vector.shape_cast %swap3A_529 : vector<1x16xf32> to vector<16xf32>
        %swap3A_531 = vector.shape_cast %get3A_521 : vector<16xf32> to vector<1x16xf32>
        tpu.vector_store %arg16[%swap3A_527, %swap3A_528], %swap3A_531 {strides = array<i32>} : memref<64x128xf32, #tpu.memory_space<vmem>>, vector<1x16xf32>,
        %sub3A_532 = arith.subf %get3A_517, %get3A_521 : vector<16xf32>
        %mul3A_533 = arith.mulf %sub3A_532, %sub3A_532 : vector<16xf32>
        %add3A_534 = arith.addf %add3A_450, %mul3A_533 : vector<16xf32>
        %get3A_535 = arith.index_cast %add3A_388 : i32 to index
        %get3A_536 = arith.constant 48 : index
        %get3A_537 = tpu.vector_load %arg10[%get3A_535, %get3A_536] {strides = array<i32>} : memref<128x64xf32, #tpu.memory_space<vmem>>, vector<1x16xf32>,
        %get3A_538 = vector.shape_cast %get3A_537 : vector<1x16xf32> to vector<16xf32>
        %get3A_539 = arith.index_cast %add3A_388 : i32 to index
        %get3A_540 = arith.constant 48 : index
        %get3A_541 = tpu.vector_load %arg12[%get3A_539, %get3A_540] {strides = array<i32>} : memref<128x64xf32, #tpu.memory_space<vmem>>, vector<1x16xf32>,
        %get3A_542 = vector.shape_cast %get3A_541 : vector<1x16xf32> to vector<16xf32>
        %swap3A_543 = arith.index_cast %scan3A_380 : i32 to index
        %swap3A_544 = arith.constant 112 : index
        %swap3A_545 = tpu.vector_load %arg14[%swap3A_543, %swap3A_544] {strides = array<i32>} : memref<64x128xf32, #tpu.memory_space<vmem>>, vector<1x16xf32>,
        %swap3A_546 = vector.shape_cast %swap3A_545 : vector<1x16xf32> to vector<16xf32>
        %swap3A_547 = vector.shape_cast %get3A_538 : vector<16xf32> to vector<1x16xf32>
        tpu.vector_store %arg14[%swap3A_543, %swap3A_544], %swap3A_547 {strides = array<i32>} : memref<64x128xf32, #tpu.memory_space<vmem>>, vector<1x16xf32>,
        %swap3A_548 = arith.index_cast %scan3A_380 : i32 to index
        %swap3A_549 = arith.constant 112 : index
        %swap3A_550 = tpu.vector_load %arg16[%swap3A_548, %swap3A_549] {strides = array<i32>} : memref<64x128xf32, #tpu.memory_space<vmem>>, vector<1x16xf32>,
        %swap3A_551 = vector.shape_cast %swap3A_550 : vector<1x16xf32> to vector<16xf32>
        %swap3A_552 = vector.shape_cast %get3A_542 : vector<16xf32> to vector<1x16xf32>
        tpu.vector_store %arg16[%swap3A_548, %swap3A_549], %swap3A_552 {strides = array<i32>} : memref<64x128xf32, #tpu.memory_space<vmem>>, vector<1x16xf32>,
        %sub3A_553 = arith.subf %get3A_538, %get3A_542 : vector<16xf32>
        %mul3A_554 = arith.mulf %sub3A_553, %sub3A_553 : vector<16xf32>
        %add3A_555 = arith.addf %add3A_471, %mul3A_554 : vector<16xf32>
        scf.yield %add3A_492, %add3A_513, %add3A_534, %add3A_555 : vector<16xf32>, vector<16xf32>, vector<16xf32>, vector<16xf32>
      }
      %scan3A_354 = arith.constant 64 : i32
      %mul3A_355 = arith.constant 64 : i32
      %mul3A_356 = arith.muli %add3A_322, %mul3A_355 : i32
      %add3A_357 = arith.addi %select_n3A, %mul3A_356 : i32
      %dma_start3A_358 = arith.constant 0 : i32
      %dma_start3A_359 = tpu.memref_slice %arg5[%add3A_357, %dma_start3A_358] : memref<409600x128xf32, #tpu.memory_space<hbm>> -> memref<64x128xf32, #tpu.memory_space<hbm>>
      %dma_start3A_360 = arith.constant 0 : i32
      %dma_start3A_361 = tpu.memref_slice %arg5[%add3A_357, %dma_start3A_360] : memref<409600x128xf32, #tpu.memory_space<hbm>> -> memref<64x128xf32, #tpu.memory_space<hbm>>
      tpu.enqueue_dma source(%arg14 : memref<64x128xf32, #tpu.memory_space<vmem>>) target(%dma_start3A_361 : memref<64x128xf32, #tpu.memory_space<hbm>>) target_semaphore(%arg21 : memref<!tpu.dma_semaphore, #tpu.memory_space<semaphore_mem>>)
      %dma_start3A_362 = arith.constant 0 : i32
      %dma_start3A_363 = tpu.memref_slice %arg6[%add3A_357, %dma_start3A_362] : memref<409600x128xf32, #tpu.memory_space<hbm>> -> memref<64x128xf32, #tpu.memory_space<hbm>>
      %dma_start3A_364 = arith.constant 0 : i32
      %dma_start3A_365 = tpu.memref_slice %arg6[%add3A_357, %dma_start3A_364] : memref<409600x128xf32, #tpu.memory_space<hbm>> -> memref<64x128xf32, #tpu.memory_space<hbm>>
      tpu.enqueue_dma source(%arg16 : memref<64x128xf32, #tpu.memory_space<vmem>>) target(%dma_start3A_365 : memref<64x128xf32, #tpu.memory_space<hbm>>) target_semaphore(%arg21 : memref<!tpu.dma_semaphore, #tpu.memory_space<semaphore_mem>>)
      %add3A_366 = arith.constant 2 : i32
      %add3A_367 = arith.addi %add3A_322, %add3A_366 : i32
      %dma_start3A_368 = arith.constant 0 : i32
      %dma_start3A_369 = tpu.memref_slice %arg8[%add3A_367, %dma_start3A_368] : memref<200x128xi32, #tpu.memory_space<vmem>> -> memref<1x128xi32, #tpu.memory_space<vmem>>
      %dma_start3A_370 = tpu.memref_squeeze %dma_start3A_369 : memref<1x128xi32, #tpu.memory_space<vmem>> -> memref<128xi32, #tpu.memory_space<vmem>>
      %dma_start3A_371 = arith.constant 0 : i32
      %dma_start3A_372 = arith.constant 0 : i32
      %dma_start3A_373 = tpu.memref_slice %arg3[%dma_start3A_371, %dma_start3A_372] : memref<100000x64xf32, #tpu.memory_space<hbm>> -> memref<100000x64xf32, #tpu.memory_space<hbm>>
      tpu.enqueue_indirect_dma source(%dma_start3A_373 : memref<100000x64xf32, #tpu.memory_space<hbm>>) target(%arg10 : memref<128x64xf32, #tpu.memory_space<vmem>>) offsets(%dma_start3A_370 : memref<128xi32, #tpu.memory_space<vmem>>) semaphore(%arg19 : memref<!tpu.dma_semaphore, #tpu.memory_space<semaphore_mem>>)
      %dma_start3A_374 = arith.constant 0 : i32
      %dma_start3A_375 = tpu.memref_slice %arg8[%add3A_367, %dma_start3A_374] : memref<200x128xi32, #tpu.memory_space<vmem>> -> memref<1x128xi32, #tpu.memory_space<vmem>>
      %dma_start3A_376 = tpu.memref_squeeze %dma_start3A_375 : memref<1x128xi32, #tpu.memory_space<vmem>> -> memref<128xi32, #tpu.memory_space<vmem>>
      %dma_start3A_377 = arith.constant 0 : i32
      %dma_start3A_378 = arith.constant 0 : i32
      %dma_start3A_379 = tpu.memref_slice %arg4[%dma_start3A_377, %dma_start3A_378] : memref<100000x64xf32, #tpu.memory_space<hbm>> -> memref<100000x64xf32, #tpu.memory_space<hbm>>
      tpu.enqueue_indirect_dma source(%dma_start3A_379 : memref<100000x64xf32, #tpu.memory_space<hbm>>) target(%arg12 : memref<128x64xf32, #tpu.memory_space<vmem>>) offsets(%dma_start3A_376 : memref<128xi32, #tpu.memory_space<vmem>>) semaphore(%arg19 : memref<!tpu.dma_semaphore, #tpu.memory_space<semaphore_mem>>)
      scf.yield %scan3A_353#0, %scan3A_353#1, %scan3A_353#2, %scan3A_353#3 : vector<16xf32>, vector<16xf32>, vector<16xf32>, vector<16xf32>
    }
    %scan3A_140 = arith.constant 98 : i32
    %dma_wait3A_141 = arith.constant 0 : i32
    %dma_wait3A_142 = arith.constant 0 : i32
    %dma_wait3A_143 = tpu.memref_slice %arg8[%dma_wait3A_141, %dma_wait3A_142] : memref<200x128xi32, #tpu.memory_space<vmem>> -> memref<1x128xi32, #tpu.memory_space<vmem>>
    %dma_wait3A_144 = tpu.memref_squeeze %dma_wait3A_143 : memref<1x128xi32, #tpu.memory_space<vmem>> -> memref<128xi32, #tpu.memory_space<vmem>>
    %dma_wait3A_145 = arith.constant 0 : i32
    %dma_wait3A_146 = arith.constant 0 : i32
    %dma_wait3A_147 = tpu.memref_slice %arg3[%dma_wait3A_145, %dma_wait3A_146] : memref<100000x64xf32, #tpu.memory_space<hbm>> -> memref<100000x64xf32, #tpu.memory_space<hbm>>
    tpu.wait_indirect_dma semaphore(%arg18 : memref<!tpu.dma_semaphore, #tpu.memory_space<semaphore_mem>>) src(%dma_wait3A_147 : memref<100000x64xf32, #tpu.memory_space<hbm>>) dst(%arg9 : memref<128x64xf32, #tpu.memory_space<vmem>>)
    %dma_wait3A_148 = arith.constant 0 : i32
    %dma_wait3A_149 = arith.constant 0 : i32
    %dma_wait3A_150 = tpu.memref_slice %arg8[%dma_wait3A_148, %dma_wait3A_149] : memref<200x128xi32, #tpu.memory_space<vmem>> -> memref<1x128xi32, #tpu.memory_space<vmem>>
    %dma_wait3A_151 = tpu.memref_squeeze %dma_wait3A_150 : memref<1x128xi32, #tpu.memory_space<vmem>> -> memref<128xi32, #tpu.memory_space<vmem>>
    %dma_wait3A_152 = arith.constant 0 : i32
    %dma_wait3A_153 = arith.constant 0 : i32
    %dma_wait3A_154 = tpu.memref_slice %arg4[%dma_wait3A_152, %dma_wait3A_153] : memref<100000x64xf32, #tpu.memory_space<hbm>> -> memref<100000x64xf32, #tpu.memory_space<hbm>>
    tpu.wait_indirect_dma semaphore(%arg18 : memref<!tpu.dma_semaphore, #tpu.memory_space<semaphore_mem>>) src(%dma_wait3A_154 : memref<100000x64xf32, #tpu.memory_space<hbm>>) dst(%arg11 : memref<128x64xf32, #tpu.memory_space<vmem>>)
    %dma_wait3A_155 = arith.constant 0 : i32
    %dma_wait3A_156 = arith.constant 0 : i32
    %dma_wait3A_157 = tpu.memref_slice %arg5[%dma_wait3A_155, %dma_wait3A_156] : memref<409600x128xf32, #tpu.memory_space<hbm>> -> memref<64x128xf32, #tpu.memory_space<hbm>>
    %dma_wait3A_158 = arith.constant 0 : i32
    %dma_wait3A_159 = arith.constant 0 : i32
    %dma_wait3A_160 = tpu.memref_slice %arg5[%dma_wait3A_158, %dma_wait3A_159] : memref<409600x128xf32, #tpu.memory_space<hbm>> -> memref<64x128xf32, #tpu.memory_space<hbm>>
    tpu.wait_dma2 semaphore(%arg20 : memref<!tpu.dma_semaphore, #tpu.memory_space<semaphore_mem>>) src(%arg13 : memref<64x128xf32, #tpu.memory_space<vmem>>) dst(%dma_wait3A_160 : memref<64x128xf32, #tpu.memory_space<hbm>>)
    %dma_wait3A_161 = arith.constant 0 : i32
    %dma_wait3A_162 = arith.constant 0 : i32
    %dma_wait3A_163 = tpu.memref_slice %arg6[%dma_wait3A_161, %dma_wait3A_162] : memref<409600x128xf32, #tpu.memory_space<hbm>> -> memref<64x128xf32, #tpu.memory_space<hbm>>
    %dma_wait3A_164 = arith.constant 0 : i32
    %dma_wait3A_165 = arith.constant 0 : i32
    %dma_wait3A_166 = tpu.memref_slice %arg6[%dma_wait3A_164, %dma_wait3A_165] : memref<409600x128xf32, #tpu.memory_space<hbm>> -> memref<64x128xf32, #tpu.memory_space<hbm>>
    tpu.wait_dma2 semaphore(%arg20 : memref<!tpu.dma_semaphore, #tpu.memory_space<semaphore_mem>>) src(%arg15 : memref<64x128xf32, #tpu.memory_space<vmem>>) dst(%dma_wait3A_166 : memref<64x128xf32, #tpu.memory_space<hbm>>)
    %scan3A_167 = arith.constant 0 : i32
    %scan3A_168 = arith.constant 64 : i32
    %scan3A_169 = arith.addi %scan3A_167, %scan3A_168 : i32
    %scan3A_170 = arith.constant 1 : i32
    %scan3A_171:4 = scf.for %scan3A_257 = %scan3A_167 to %scan3A_169 step %scan3A_170 iter_args(%scan3A_258 = %scan3A_139#0, %scan3A_259 = %scan3A_139#1, %scan3A_260 = %scan3A_139#2, %scan3A_261 = %scan3A_139#3) -> (vector<16xf32>, vector<16xf32>, vector<16xf32>, vector<16xf32>)  : i32 {
      %mul3A_262 = arith.constant 2 : i32
      %mul3A_263 = arith.muli %mul3A_262, %scan3A_257 : i32
      %add3A_264 = arith.constant 1 : i32
      %add3A_265 = arith.addi %mul3A_263, %add3A_264 : i32
      %get3A = arith.index_cast %mul3A_263 : i32 to index
      %get3A_266 = arith.constant 0 : index
      %get3A_267 = tpu.vector_load %arg9[%get3A, %get3A_266] {strides = array<i32>} : memref<128x64xf32, #tpu.memory_space<vmem>>, vector<1x16xf32>,
      %get3A_268 = vector.shape_cast %get3A_267 : vector<1x16xf32> to vector<16xf32>
      %get3A_269 = arith.index_cast %mul3A_263 : i32 to index
      %get3A_270 = arith.constant 0 : index
      %get3A_271 = tpu.vector_load %arg11[%get3A_269, %get3A_270] {strides = array<i32>} : memref<128x64xf32, #tpu.memory_space<vmem>>, vector<1x16xf32>,
      %get3A_272 = vector.shape_cast %get3A_271 : vector<1x16xf32> to vector<16xf32>
      %swap3A_273 = arith.index_cast %scan3A_257 : i32 to index
      %swap3A_274 = arith.constant 0 : index
      %swap3A_275 = tpu.vector_load %arg13[%swap3A_273, %swap3A_274] {strides = array<i32>} : memref<64x128xf32, #tpu.memory_space<vmem>>, vector<1x16xf32>,
      %swap3A_276 = vector.shape_cast %swap3A_275 : vector<1x16xf32> to vector<16xf32>
      %swap3A_277 = vector.shape_cast %get3A_268 : vector<16xf32> to vector<1x16xf32>
      tpu.vector_store %arg13[%swap3A_273, %swap3A_274], %swap3A_277 {strides = array<i32>} : memref<64x128xf32, #tpu.memory_space<vmem>>, vector<1x16xf32>,
      %swap3A_278 = arith.index_cast %scan3A_257 : i32 to index
      %swap3A_279 = arith.constant 0 : index
      %swap3A_280 = tpu.vector_load %arg15[%swap3A_278, %swap3A_279] {strides = array<i32>} : memref<64x128xf32, #tpu.memory_space<vmem>>, vector<1x16xf32>,
      %swap3A_281 = vector.shape_cast %swap3A_280 : vector<1x16xf32> to vector<16xf32>
      %swap3A_282 = vector.shape_cast %get3A_272 : vector<16xf32> to vector<1x16xf32>
      tpu.vector_store %arg15[%swap3A_278, %swap3A_279], %swap3A_282 {strides = array<i32>} : memref<64x128xf32, #tpu.memory_space<vmem>>, vector<1x16xf32>,
      %sub3A_283 = arith.subf %get3A_268, %get3A_272 : vector<16xf32>
      %mul3A_284 = arith.mulf %sub3A_283, %sub3A_283 : vector<16xf32>
      %add3A_285 = arith.addf %scan3A_258, %mul3A_284 : vector<16xf32>
      %get3A_286 = arith.index_cast %mul3A_263 : i32 to index
      %get3A_287 = arith.constant 16 : index
      %get3A_288 = tpu.vector_load %arg9[%get3A_286, %get3A_287] {strides = array<i32>} : memref<128x64xf32, #tpu.memory_space<vmem>>, vector<1x16xf32>,
      %get3A_289 = vector.shape_cast %get3A_288 : vector<1x16xf32> to vector<16xf32>
      %get3A_290 = arith.index_cast %mul3A_263 : i32 to index
      %get3A_291 = arith.constant 16 : index
      %get3A_292 = tpu.vector_load %arg11[%get3A_290, %get3A_291] {strides = array<i32>} : memref<128x64xf32, #tpu.memory_space<vmem>>, vector<1x16xf32>,
      %get3A_293 = vector.shape_cast %get3A_292 : vector<1x16xf32> to vector<16xf32>
      %swap3A_294 = arith.index_cast %scan3A_257 : i32 to index
      %swap3A_295 = arith.constant 16 : index
      %swap3A_296 = tpu.vector_load %arg13[%swap3A_294, %swap3A_295] {strides = array<i32>} : memref<64x128xf32, #tpu.memory_space<vmem>>, vector<1x16xf32>,
      %swap3A_297 = vector.shape_cast %swap3A_296 : vector<1x16xf32> to vector<16xf32>
      %swap3A_298 = vector.shape_cast %get3A_289 : vector<16xf32> to vector<1x16xf32>
      tpu.vector_store %arg13[%swap3A_294, %swap3A_295], %swap3A_298 {strides = array<i32>} : memref<64x128xf32, #tpu.memory_space<vmem>>, vector<1x16xf32>,
      %swap3A_299 = arith.index_cast %scan3A_257 : i32 to index
      %swap3A_300 = arith.constant 16 : index
      %swap3A_301 = tpu.vector_load %arg15[%swap3A_299, %swap3A_300] {strides = array<i32>} : memref<64x128xf32, #tpu.memory_space<vmem>>, vector<1x16xf32>,
      %swap3A_302 = vector.shape_cast %swap3A_301 : vector<1x16xf32> to vector<16xf32>
      %swap3A_303 = vector.shape_cast %get3A_293 : vector<16xf32> to vector<1x16xf32>
      tpu.vector_store %arg15[%swap3A_299, %swap3A_300], %swap3A_303 {strides = array<i32>} : memref<64x128xf32, #tpu.memory_space<vmem>>, vector<1x16xf32>,
      %sub3A_304 = arith.subf %get3A_289, %get3A_293 : vector<16xf32>
      %mul3A_305 = arith.mulf %sub3A_304, %sub3A_304 : vector<16xf32>
      %add3A_306 = arith.addf %scan3A_259, %mul3A_305 : vector<16xf32>
      %get3A_307 = arith.index_cast %mul3A_263 : i32 to index
      %get3A_308 = arith.constant 32 : index
      %get3A_309 = tpu.vector_load %arg9[%get3A_307, %get3A_308] {strides = array<i32>} : memref<128x64xf32, #tpu.memory_space<vmem>>, vector<1x16xf32>,
      %get3A_310 = vector.shape_cast %get3A_309 : vector<1x16xf32> to vector<16xf32>
      %get3A_311 = arith.index_cast %mul3A_263 : i32 to index
      %get3A_312 = arith.constant 32 : index
      %get3A_313 = tpu.vector_load %arg11[%get3A_311, %get3A_312] {strides = array<i32>} : memref<128x64xf32, #tpu.memory_space<vmem>>, vector<1x16xf32>,
      %get3A_314 = vector.shape_cast %get3A_313 : vector<1x16xf32> to vector<16xf32>
      %swap3A_315 = arith.index_cast %scan3A_257 : i32 to index
      %swap3A_316 = arith.constant 32 : index
      %swap3A_317 = tpu.vector_load %arg13[%swap3A_315, %swap3A_316] {strides = array<i32>} : memref<64x128xf32, #tpu.memory_space<vmem>>, vector<1x16xf32>,
      %swap3A_318 = vector.shape_cast %swap3A_317 : vector<1x16xf32> to vector<16xf32>
      %swap3A_319 = vector.shape_cast %get3A_310 : vector<16xf32> to vector<1x16xf32>
      tpu.vector_store %arg13[%swap3A_315, %swap3A_316], %swap3A_319 {strides = array<i32>} : memref<64x128xf32, #tpu.memory_space<vmem>>, vector<1x16xf32>,
      %swap3A_320 = arith.index_cast %scan3A_257 : i32 to index
      %swap3A_321 = arith.constant 32 : index
      %swap3A_322 = tpu.vector_load %arg15[%swap3A_320, %swap3A_321] {strides = array<i32>} : memref<64x128xf32, #tpu.memory_space<vmem>>, vector<1x16xf32>,
      %swap3A_323 = vector.shape_cast %swap3A_322 : vector<1x16xf32> to vector<16xf32>
      %swap3A_324 = vector.shape_cast %get3A_314 : vector<16xf32> to vector<1x16xf32>
      tpu.vector_store %arg15[%swap3A_320, %swap3A_321], %swap3A_324 {strides = array<i32>} : memref<64x128xf32, #tpu.memory_space<vmem>>, vector<1x16xf32>,
      %sub3A_325 = arith.subf %get3A_310, %get3A_314 : vector<16xf32>
      %mul3A_326 = arith.mulf %sub3A_325, %sub3A_325 : vector<16xf32>
      %add3A_327 = arith.addf %scan3A_260, %mul3A_326 : vector<16xf32>
      %get3A_328 = arith.index_cast %mul3A_263 : i32 to index
      %get3A_329 = arith.constant 48 : index
      %get3A_330 = tpu.vector_load %arg9[%get3A_328, %get3A_329] {strides = array<i32>} : memref<128x64xf32, #tpu.memory_space<vmem>>, vector<1x16xf32>,
      %get3A_331 = vector.shape_cast %get3A_330 : vector<1x16xf32> to vector<16xf32>
      %get3A_332 = arith.index_cast %mul3A_263 : i32 to index
      %get3A_333 = arith.constant 48 : index
      %get3A_334 = tpu.vector_load %arg11[%get3A_332, %get3A_333] {strides = array<i32>} : memref<128x64xf32, #tpu.memory_space<vmem>>, vector<1x16xf32>,
      %get3A_335 = vector.shape_cast %get3A_334 : vector<1x16xf32> to vector<16xf32>
      %swap3A_336 = arith.index_cast %scan3A_257 : i32 to index
      %swap3A_337 = arith.constant 48 : index
      %swap3A_338 = tpu.vector_load %arg13[%swap3A_336, %swap3A_337] {strides = array<i32>} : memref<64x128xf32, #tpu.memory_space<vmem>>, vector<1x16xf32>,
      %swap3A_339 = vector.shape_cast %swap3A_338 : vector<1x16xf32> to vector<16xf32>
      %swap3A_340 = vector.shape_cast %get3A_331 : vector<16xf32> to vector<1x16xf32>
      tpu.vector_store %arg13[%swap3A_336, %swap3A_337], %swap3A_340 {strides = array<i32>} : memref<64x128xf32, #tpu.memory_space<vmem>>, vector<1x16xf32>,
      %swap3A_341 = arith.index_cast %scan3A_257 : i32 to index
      %swap3A_342 = arith.constant 48 : index
      %swap3A_343 = tpu.vector_load %arg15[%swap3A_341, %swap3A_342] {strides = array<i32>} : memref<64x128xf32, #tpu.memory_space<vmem>>, vector<1x16xf32>,
      %swap3A_344 = vector.shape_cast %swap3A_343 : vector<1x16xf32> to vector<16xf32>
      %swap3A_345 = vector.shape_cast %get3A_335 : vector<16xf32> to vector<1x16xf32>
      tpu.vector_store %arg15[%swap3A_341, %swap3A_342], %swap3A_345 {strides = array<i32>} : memref<64x128xf32, #tpu.memory_space<vmem>>, vector<1x16xf32>,
      %sub3A_346 = arith.subf %get3A_331, %get3A_335 : vector<16xf32>
      %mul3A_347 = arith.mulf %sub3A_346, %sub3A_346 : vector<16xf32>
      %add3A_348 = arith.addf %scan3A_261, %mul3A_347 : vector<16xf32>
      %get3A_349 = arith.index_cast %add3A_265 : i32 to index
      %get3A_350 = arith.constant 0 : index
      %get3A_351 = tpu.vector_load %arg9[%get3A_349, %get3A_350] {strides = array<i32>} : memref<128x64xf32, #tpu.memory_space<vmem>>, vector<1x16xf32>,
      %get3A_352 = vector.shape_cast %get3A_351 : vector<1x16xf32> to vector<16xf32>
      %get3A_353 = arith.index_cast %add3A_265 : i32 to index
      %get3A_354 = arith.constant 0 : index
      %get3A_355 = tpu.vector_load %arg11[%get3A_353, %get3A_354] {strides = array<i32>} : memref<128x64xf32, #tpu.memory_space<vmem>>, vector<1x16xf32>,
      %get3A_356 = vector.shape_cast %get3A_355 : vector<1x16xf32> to vector<16xf32>
      %swap3A_357 = arith.index_cast %scan3A_257 : i32 to index
      %swap3A_358 = arith.constant 64 : index
      %swap3A_359 = tpu.vector_load %arg13[%swap3A_357, %swap3A_358] {strides = array<i32>} : memref<64x128xf32, #tpu.memory_space<vmem>>, vector<1x16xf32>,
      %swap3A_360 = vector.shape_cast %swap3A_359 : vector<1x16xf32> to vector<16xf32>
      %swap3A_361 = vector.shape_cast %get3A_352 : vector<16xf32> to vector<1x16xf32>
      tpu.vector_store %arg13[%swap3A_357, %swap3A_358], %swap3A_361 {strides = array<i32>} : memref<64x128xf32, #tpu.memory_space<vmem>>, vector<1x16xf32>,
      %swap3A_362 = arith.index_cast %scan3A_257 : i32 to index
      %swap3A_363 = arith.constant 64 : index
      %swap3A_364 = tpu.vector_load %arg15[%swap3A_362, %swap3A_363] {strides = array<i32>} : memref<64x128xf32, #tpu.memory_space<vmem>>, vector<1x16xf32>,
      %swap3A_365 = vector.shape_cast %swap3A_364 : vector<1x16xf32> to vector<16xf32>
      %swap3A_366 = vector.shape_cast %get3A_356 : vector<16xf32> to vector<1x16xf32>
      tpu.vector_store %arg15[%swap3A_362, %swap3A_363], %swap3A_366 {strides = array<i32>} : memref<64x128xf32, #tpu.memory_space<vmem>>, vector<1x16xf32>,
      %sub3A_367 = arith.subf %get3A_352, %get3A_356 : vector<16xf32>
      %mul3A_368 = arith.mulf %sub3A_367, %sub3A_367 : vector<16xf32>
      %add3A_369 = arith.addf %add3A_285, %mul3A_368 : vector<16xf32>
      %get3A_370 = arith.index_cast %add3A_265 : i32 to index
      %get3A_371 = arith.constant 16 : index
      %get3A_372 = tpu.vector_load %arg9[%get3A_370, %get3A_371] {strides = array<i32>} : memref<128x64xf32, #tpu.memory_space<vmem>>, vector<1x16xf32>,
      %get3A_373 = vector.shape_cast %get3A_372 : vector<1x16xf32> to vector<16xf32>
      %get3A_374 = arith.index_cast %add3A_265 : i32 to index
      %get3A_375 = arith.constant 16 : index
      %get3A_376 = tpu.vector_load %arg11[%get3A_374, %get3A_375] {strides = array<i32>} : memref<128x64xf32, #tpu.memory_space<vmem>>, vector<1x16xf32>,
      %get3A_377 = vector.shape_cast %get3A_376 : vector<1x16xf32> to vector<16xf32>
      %swap3A_378 = arith.index_cast %scan3A_257 : i32 to index
      %swap3A_379 = arith.constant 80 : index
      %swap3A_380 = tpu.vector_load %arg13[%swap3A_378, %swap3A_379] {strides = array<i32>} : memref<64x128xf32, #tpu.memory_space<vmem>>, vector<1x16xf32>,
      %swap3A_381 = vector.shape_cast %swap3A_380 : vector<1x16xf32> to vector<16xf32>
      %swap3A_382 = vector.shape_cast %get3A_373 : vector<16xf32> to vector<1x16xf32>
      tpu.vector_store %arg13[%swap3A_378, %swap3A_379], %swap3A_382 {strides = array<i32>} : memref<64x128xf32, #tpu.memory_space<vmem>>, vector<1x16xf32>,
      %swap3A_383 = arith.index_cast %scan3A_257 : i32 to index
      %swap3A_384 = arith.constant 80 : index
      %swap3A_385 = tpu.vector_load %arg15[%swap3A_383, %swap3A_384] {strides = array<i32>} : memref<64x128xf32, #tpu.memory_space<vmem>>, vector<1x16xf32>,
      %swap3A_386 = vector.shape_cast %swap3A_385 : vector<1x16xf32> to vector<16xf32>
      %swap3A_387 = vector.shape_cast %get3A_377 : vector<16xf32> to vector<1x16xf32>
      tpu.vector_store %arg15[%swap3A_383, %swap3A_384], %swap3A_387 {strides = array<i32>} : memref<64x128xf32, #tpu.memory_space<vmem>>, vector<1x16xf32>,
      %sub3A_388 = arith.subf %get3A_373, %get3A_377 : vector<16xf32>
      %mul3A_389 = arith.mulf %sub3A_388, %sub3A_388 : vector<16xf32>
      %add3A_390 = arith.addf %add3A_306, %mul3A_389 : vector<16xf32>
      %get3A_391 = arith.index_cast %add3A_265 : i32 to index
      %get3A_392 = arith.constant 32 : index
      %get3A_393 = tpu.vector_load %arg9[%get3A_391, %get3A_392] {strides = array<i32>} : memref<128x64xf32, #tpu.memory_space<vmem>>, vector<1x16xf32>,
      %get3A_394 = vector.shape_cast %get3A_393 : vector<1x16xf32> to vector<16xf32>
      %get3A_395 = arith.index_cast %add3A_265 : i32 to index
      %get3A_396 = arith.constant 32 : index
      %get3A_397 = tpu.vector_load %arg11[%get3A_395, %get3A_396] {strides = array<i32>} : memref<128x64xf32, #tpu.memory_space<vmem>>, vector<1x16xf32>,
      %get3A_398 = vector.shape_cast %get3A_397 : vector<1x16xf32> to vector<16xf32>
      %swap3A_399 = arith.index_cast %scan3A_257 : i32 to index
      %swap3A_400 = arith.constant 96 : index
      %swap3A_401 = tpu.vector_load %arg13[%swap3A_399, %swap3A_400] {strides = array<i32>} : memref<64x128xf32, #tpu.memory_space<vmem>>, vector<1x16xf32>,
      %swap3A_402 = vector.shape_cast %swap3A_401 : vector<1x16xf32> to vector<16xf32>
      %swap3A_403 = vector.shape_cast %get3A_394 : vector<16xf32> to vector<1x16xf32>
      tpu.vector_store %arg13[%swap3A_399, %swap3A_400], %swap3A_403 {strides = array<i32>} : memref<64x128xf32, #tpu.memory_space<vmem>>, vector<1x16xf32>,
      %swap3A_404 = arith.index_cast %scan3A_257 : i32 to index
      %swap3A_405 = arith.constant 96 : index
      %swap3A_406 = tpu.vector_load %arg15[%swap3A_404, %swap3A_405] {strides = array<i32>} : memref<64x128xf32, #tpu.memory_space<vmem>>, vector<1x16xf32>,
      %swap3A_407 = vector.shape_cast %swap3A_406 : vector<1x16xf32> to vector<16xf32>
      %swap3A_408 = vector.shape_cast %get3A_398 : vector<16xf32> to vector<1x16xf32>
      tpu.vector_store %arg15[%swap3A_404, %swap3A_405], %swap3A_408 {strides = array<i32>} : memref<64x128xf32, #tpu.memory_space<vmem>>, vector<1x16xf32>,
      %sub3A_409 = arith.subf %get3A_394, %get3A_398 : vector<16xf32>
      %mul3A_410 = arith.mulf %sub3A_409, %sub3A_409 : vector<16xf32>
      %add3A_411 = arith.addf %add3A_327, %mul3A_410 : vector<16xf32>
      %get3A_412 = arith.index_cast %add3A_265 : i32 to index
      %get3A_413 = arith.constant 48 : index
      %get3A_414 = tpu.vector_load %arg9[%get3A_412, %get3A_413] {strides = array<i32>} : memref<128x64xf32, #tpu.memory_space<vmem>>, vector<1x16xf32>,
      %get3A_415 = vector.shape_cast %get3A_414 : vector<1x16xf32> to vector<16xf32>
      %get3A_416 = arith.index_cast %add3A_265 : i32 to index
      %get3A_417 = arith.constant 48 : index
      %get3A_418 = tpu.vector_load %arg11[%get3A_416, %get3A_417] {strides = array<i32>} : memref<128x64xf32, #tpu.memory_space<vmem>>, vector<1x16xf32>,
      %get3A_419 = vector.shape_cast %get3A_418 : vector<1x16xf32> to vector<16xf32>
      %swap3A_420 = arith.index_cast %scan3A_257 : i32 to index
      %swap3A_421 = arith.constant 112 : index
      %swap3A_422 = tpu.vector_load %arg13[%swap3A_420, %swap3A_421] {strides = array<i32>} : memref<64x128xf32, #tpu.memory_space<vmem>>, vector<1x16xf32>,
      %swap3A_423 = vector.shape_cast %swap3A_422 : vector<1x16xf32> to vector<16xf32>
      %swap3A_424 = vector.shape_cast %get3A_415 : vector<16xf32> to vector<1x16xf32>
      tpu.vector_store %arg13[%swap3A_420, %swap3A_421], %swap3A_424 {strides = array<i32>} : memref<64x128xf32, #tpu.memory_space<vmem>>, vector<1x16xf32>,
      %swap3A_425 = arith.index_cast %scan3A_257 : i32 to index
      %swap3A_426 = arith.constant 112 : index
      %swap3A_427 = tpu.vector_load %arg15[%swap3A_425, %swap3A_426] {strides = array<i32>} : memref<64x128xf32, #tpu.memory_space<vmem>>, vector<1x16xf32>,
      %swap3A_428 = vector.shape_cast %swap3A_427 : vector<1x16xf32> to vector<16xf32>
      %swap3A_429 = vector.shape_cast %get3A_419 : vector<16xf32> to vector<1x16xf32>
      tpu.vector_store %arg15[%swap3A_425, %swap3A_426], %swap3A_429 {strides = array<i32>} : memref<64x128xf32, #tpu.memory_space<vmem>>, vector<1x16xf32>,
      %sub3A_430 = arith.subf %get3A_415, %get3A_419 : vector<16xf32>
      %mul3A_431 = arith.mulf %sub3A_430, %sub3A_430 : vector<16xf32>
      %add3A_432 = arith.addf %add3A_348, %mul3A_431 : vector<16xf32>
      scf.yield %add3A_369, %add3A_390, %add3A_411, %add3A_432 : vector<16xf32>, vector<16xf32>, vector<16xf32>, vector<16xf32>
    }
    %scan3A_172 = arith.constant 64 : i32
    %add3A_173 = arith.constant 12672 : i32
    %add3A_174 = arith.addi %select_n3A, %add3A_173 : i32
    %dma_start3A_175 = arith.constant 0 : i32
    %dma_start3A_176 = tpu.memref_slice %arg5[%add3A_174, %dma_start3A_175] : memref<409600x128xf32, #tpu.memory_space<hbm>> -> memref<64x128xf32, #tpu.memory_space<hbm>>
    %dma_start3A_177 = arith.constant 0 : i32
    %dma_start3A_178 = tpu.memref_slice %arg5[%add3A_174, %dma_start3A_177] : memref<409600x128xf32, #tpu.memory_space<hbm>> -> memref<64x128xf32, #tpu.memory_space<hbm>>
    tpu.enqueue_dma source(%arg13 : memref<64x128xf32, #tpu.memory_space<vmem>>) target(%dma_start3A_178 : memref<64x128xf32, #tpu.memory_space<hbm>>) target_semaphore(%arg20 : memref<!tpu.dma_semaphore, #tpu.memory_space<semaphore_mem>>)
    %dma_start3A_179 = arith.constant 0 : i32
    %dma_start3A_180 = tpu.memref_slice %arg6[%add3A_174, %dma_start3A_179] : memref<409600x128xf32, #tpu.memory_space<hbm>> -> memref<64x128xf32, #tpu.memory_space<hbm>>
    %dma_start3A_181 = arith.constant 0 : i32
    %dma_start3A_182 = tpu.memref_slice %arg6[%add3A_174, %dma_start3A_181] : memref<409600x128xf32, #tpu.memory_space<hbm>> -> memref<64x128xf32, #tpu.memory_space<hbm>>
    tpu.enqueue_dma source(%arg15 : memref<64x128xf32, #tpu.memory_space<vmem>>) target(%dma_start3A_182 : memref<64x128xf32, #tpu.memory_space<hbm>>) target_semaphore(%arg20 : memref<!tpu.dma_semaphore, #tpu.memory_space<semaphore_mem>>)
    %dma_wait3A_183 = arith.constant 0 : i32
    %dma_wait3A_184 = arith.constant 0 : i32
    %dma_wait3A_185 = tpu.memref_slice %arg8[%dma_wait3A_183, %dma_wait3A_184] : memref<200x128xi32, #tpu.memory_space<vmem>> -> memref<1x128xi32, #tpu.memory_space<vmem>>
    %dma_wait3A_186 = tpu.memref_squeeze %dma_wait3A_185 : memref<1x128xi32, #tpu.memory_space<vmem>> -> memref<128xi32, #tpu.memory_space<vmem>>
    %dma_wait3A_187 = arith.constant 0 : i32
    %dma_wait3A_188 = arith.constant 0 : i32
    %dma_wait3A_189 = tpu.memref_slice %arg3[%dma_wait3A_187, %dma_wait3A_188] : memref<100000x64xf32, #tpu.memory_space<hbm>> -> memref<100000x64xf32, #tpu.memory_space<hbm>>
    tpu.wait_indirect_dma semaphore(%arg19 : memref<!tpu.dma_semaphore, #tpu.memory_space<semaphore_mem>>) src(%dma_wait3A_189 : memref<100000x64xf32, #tpu.memory_space<hbm>>) dst(%arg10 : memref<128x64xf32, #tpu.memory_space<vmem>>)
    %dma_wait3A_190 = arith.constant 0 : i32
    %dma_wait3A_191 = arith.constant 0 : i32
    %dma_wait3A_192 = tpu.memref_slice %arg8[%dma_wait3A_190, %dma_wait3A_191] : memref<200x128xi32, #tpu.memory_space<vmem>> -> memref<1x128xi32, #tpu.memory_space<vmem>>
    %dma_wait3A_193 = tpu.memref_squeeze %dma_wait3A_192 : memref<1x128xi32, #tpu.memory_space<vmem>> -> memref<128xi32, #tpu.memory_space<vmem>>
    %dma_wait3A_194 = arith.constant 0 : i32
    %dma_wait3A_195 = arith.constant 0 : i32
    %dma_wait3A_196 = tpu.memref_slice %arg4[%dma_wait3A_194, %dma_wait3A_195] : memref<100000x64xf32, #tpu.memory_space<hbm>> -> memref<100000x64xf32, #tpu.memory_space<hbm>>
    tpu.wait_indirect_dma semaphore(%arg19 : memref<!tpu.dma_semaphore, #tpu.memory_space<semaphore_mem>>) src(%dma_wait3A_196 : memref<100000x64xf32, #tpu.memory_space<hbm>>) dst(%arg12 : memref<128x64xf32, #tpu.memory_space<vmem>>)
    %dma_wait3A_197 = arith.constant 0 : i32
    %dma_wait3A_198 = arith.constant 0 : i32
    %dma_wait3A_199 = tpu.memref_slice %arg5[%dma_wait3A_197, %dma_wait3A_198] : memref<409600x128xf32, #tpu.memory_space<hbm>> -> memref<64x128xf32, #tpu.memory_space<hbm>>
    %dma_wait3A_200 = arith.constant 0 : i32
    %dma_wait3A_201 = arith.constant 0 : i32
    %dma_wait3A_202 = tpu.memref_slice %arg5[%dma_wait3A_200, %dma_wait3A_201] : memref<409600x128xf32, #tpu.memory_space<hbm>> -> memref<64x128xf32, #tpu.memory_space<hbm>>
    tpu.wait_dma2 semaphore(%arg21 : memref<!tpu.dma_semaphore, #tpu.memory_space<semaphore_mem>>) src(%arg14 : memref<64x128xf32, #tpu.memory_space<vmem>>) dst(%dma_wait3A_202 : memref<64x128xf32, #tpu.memory_space<hbm>>)
    %dma_wait3A_203 = arith.constant 0 : i32
    %dma_wait3A_204 = arith.constant 0 : i32
    %dma_wait3A_205 = tpu.memref_slice %arg6[%dma_wait3A_203, %dma_wait3A_204] : memref<409600x128xf32, #tpu.memory_space<hbm>> -> memref<64x128xf32, #tpu.memory_space<hbm>>
    %dma_wait3A_206 = arith.constant 0 : i32
    %dma_wait3A_207 = arith.constant 0 : i32
    %dma_wait3A_208 = tpu.memref_slice %arg6[%dma_wait3A_206, %dma_wait3A_207] : memref<409600x128xf32, #tpu.memory_space<hbm>> -> memref<64x128xf32, #tpu.memory_space<hbm>>
    tpu.wait_dma2 semaphore(%arg21 : memref<!tpu.dma_semaphore, #tpu.memory_space<semaphore_mem>>) src(%arg16 : memref<64x128xf32, #tpu.memory_space<vmem>>) dst(%dma_wait3A_208 : memref<64x128xf32, #tpu.memory_space<hbm>>)
    %scan3A_209 = arith.constant 0 : i32
    %scan3A_210 = arith.constant 64 : i32
    %scan3A_211 = arith.addi %scan3A_209, %scan3A_210 : i32
    %scan3A_212 = arith.constant 1 : i32
    %scan3A_213:4 = scf.for %scan3A_257 = %scan3A_209 to %scan3A_211 step %scan3A_212 iter_args(%scan3A_258 = %scan3A_171#0, %scan3A_259 = %scan3A_171#1, %scan3A_260 = %scan3A_171#2, %scan3A_261 = %scan3A_171#3) -> (vector<16xf32>, vector<16xf32>, vector<16xf32>, vector<16xf32>)  : i32 {
      %mul3A_262 = arith.constant 2 : i32
      %mul3A_263 = arith.muli %mul3A_262, %scan3A_257 : i32
      %add3A_264 = arith.constant 1 : i32
      %add3A_265 = arith.addi %mul3A_263, %add3A_264 : i32
      %get3A = arith.index_cast %mul3A_263 : i32 to index
      %get3A_266 = arith.constant 0 : index
      %get3A_267 = tpu.vector_load %arg10[%get3A, %get3A_266] {strides = array<i32>} : memref<128x64xf32, #tpu.memory_space<vmem>>, vector<1x16xf32>,
      %get3A_268 = vector.shape_cast %get3A_267 : vector<1x16xf32> to vector<16xf32>
      %get3A_269 = arith.index_cast %mul3A_263 : i32 to index
      %get3A_270 = arith.constant 0 : index
      %get3A_271 = tpu.vector_load %arg12[%get3A_269, %get3A_270] {strides = array<i32>} : memref<128x64xf32, #tpu.memory_space<vmem>>, vector<1x16xf32>,
      %get3A_272 = vector.shape_cast %get3A_271 : vector<1x16xf32> to vector<16xf32>
      %swap3A_273 = arith.index_cast %scan3A_257 : i32 to index
      %swap3A_274 = arith.constant 0 : index
      %swap3A_275 = tpu.vector_load %arg14[%swap3A_273, %swap3A_274] {strides = array<i32>} : memref<64x128xf32, #tpu.memory_space<vmem>>, vector<1x16xf32>,
      %swap3A_276 = vector.shape_cast %swap3A_275 : vector<1x16xf32> to vector<16xf32>
      %swap3A_277 = vector.shape_cast %get3A_268 : vector<16xf32> to vector<1x16xf32>
      tpu.vector_store %arg14[%swap3A_273, %swap3A_274], %swap3A_277 {strides = array<i32>} : memref<64x128xf32, #tpu.memory_space<vmem>>, vector<1x16xf32>,
      %swap3A_278 = arith.index_cast %scan3A_257 : i32 to index
      %swap3A_279 = arith.constant 0 : index
      %swap3A_280 = tpu.vector_load %arg16[%swap3A_278, %swap3A_279] {strides = array<i32>} : memref<64x128xf32, #tpu.memory_space<vmem>>, vector<1x16xf32>,
      %swap3A_281 = vector.shape_cast %swap3A_280 : vector<1x16xf32> to vector<16xf32>
      %swap3A_282 = vector.shape_cast %get3A_272 : vector<16xf32> to vector<1x16xf32>
      tpu.vector_store %arg16[%swap3A_278, %swap3A_279], %swap3A_282 {strides = array<i32>} : memref<64x128xf32, #tpu.memory_space<vmem>>, vector<1x16xf32>,
      %sub3A_283 = arith.subf %get3A_268, %get3A_272 : vector<16xf32>
      %mul3A_284 = arith.mulf %sub3A_283, %sub3A_283 : vector<16xf32>
      %add3A_285 = arith.addf %scan3A_258, %mul3A_284 : vector<16xf32>
      %get3A_286 = arith.index_cast %mul3A_263 : i32 to index
      %get3A_287 = arith.constant 16 : index
      %get3A_288 = tpu.vector_load %arg10[%get3A_286, %get3A_287] {strides = array<i32>} : memref<128x64xf32, #tpu.memory_space<vmem>>, vector<1x16xf32>,
      %get3A_289 = vector.shape_cast %get3A_288 : vector<1x16xf32> to vector<16xf32>
      %get3A_290 = arith.index_cast %mul3A_263 : i32 to index
      %get3A_291 = arith.constant 16 : index
      %get3A_292 = tpu.vector_load %arg12[%get3A_290, %get3A_291] {strides = array<i32>} : memref<128x64xf32, #tpu.memory_space<vmem>>, vector<1x16xf32>,
      %get3A_293 = vector.shape_cast %get3A_292 : vector<1x16xf32> to vector<16xf32>
      %swap3A_294 = arith.index_cast %scan3A_257 : i32 to index
      %swap3A_295 = arith.constant 16 : index
      %swap3A_296 = tpu.vector_load %arg14[%swap3A_294, %swap3A_295] {strides = array<i32>} : memref<64x128xf32, #tpu.memory_space<vmem>>, vector<1x16xf32>,
      %swap3A_297 = vector.shape_cast %swap3A_296 : vector<1x16xf32> to vector<16xf32>
      %swap3A_298 = vector.shape_cast %get3A_289 : vector<16xf32> to vector<1x16xf32>
      tpu.vector_store %arg14[%swap3A_294, %swap3A_295], %swap3A_298 {strides = array<i32>} : memref<64x128xf32, #tpu.memory_space<vmem>>, vector<1x16xf32>,
      %swap3A_299 = arith.index_cast %scan3A_257 : i32 to index
      %swap3A_300 = arith.constant 16 : index
      %swap3A_301 = tpu.vector_load %arg16[%swap3A_299, %swap3A_300] {strides = array<i32>} : memref<64x128xf32, #tpu.memory_space<vmem>>, vector<1x16xf32>,
      %swap3A_302 = vector.shape_cast %swap3A_301 : vector<1x16xf32> to vector<16xf32>
      %swap3A_303 = vector.shape_cast %get3A_293 : vector<16xf32> to vector<1x16xf32>
      tpu.vector_store %arg16[%swap3A_299, %swap3A_300], %swap3A_303 {strides = array<i32>} : memref<64x128xf32, #tpu.memory_space<vmem>>, vector<1x16xf32>,
      %sub3A_304 = arith.subf %get3A_289, %get3A_293 : vector<16xf32>
      %mul3A_305 = arith.mulf %sub3A_304, %sub3A_304 : vector<16xf32>
      %add3A_306 = arith.addf %scan3A_259, %mul3A_305 : vector<16xf32>
      %get3A_307 = arith.index_cast %mul3A_263 : i32 to index
      %get3A_308 = arith.constant 32 : index
      %get3A_309 = tpu.vector_load %arg10[%get3A_307, %get3A_308] {strides = array<i32>} : memref<128x64xf32, #tpu.memory_space<vmem>>, vector<1x16xf32>,
      %get3A_310 = vector.shape_cast %get3A_309 : vector<1x16xf32> to vector<16xf32>
      %get3A_311 = arith.index_cast %mul3A_263 : i32 to index
      %get3A_312 = arith.constant 32 : index
      %get3A_313 = tpu.vector_load %arg12[%get3A_311, %get3A_312] {strides = array<i32>} : memref<128x64xf32, #tpu.memory_space<vmem>>, vector<1x16xf32>,
      %get3A_314 = vector.shape_cast %get3A_313 : vector<1x16xf32> to vector<16xf32>
      %swap3A_315 = arith.index_cast %scan3A_257 : i32 to index
      %swap3A_316 = arith.constant 32 : index
      %swap3A_317 = tpu.vector_load %arg14[%swap3A_315, %swap3A_316] {strides = array<i32>} : memref<64x128xf32, #tpu.memory_space<vmem>>, vector<1x16xf32>,
      %swap3A_318 = vector.shape_cast %swap3A_317 : vector<1x16xf32> to vector<16xf32>
      %swap3A_319 = vector.shape_cast %get3A_310 : vector<16xf32> to vector<1x16xf32>
      tpu.vector_store %arg14[%swap3A_315, %swap3A_316], %swap3A_319 {strides = array<i32>} : memref<64x128xf32, #tpu.memory_space<vmem>>, vector<1x16xf32>,
      %swap3A_320 = arith.index_cast %scan3A_257 : i32 to index
      %swap3A_321 = arith.constant 32 : index
      %swap3A_322 = tpu.vector_load %arg16[%swap3A_320, %swap3A_321] {strides = array<i32>} : memref<64x128xf32, #tpu.memory_space<vmem>>, vector<1x16xf32>,
      %swap3A_323 = vector.shape_cast %swap3A_322 : vector<1x16xf32> to vector<16xf32>
      %swap3A_324 = vector.shape_cast %get3A_314 : vector<16xf32> to vector<1x16xf32>
      tpu.vector_store %arg16[%swap3A_320, %swap3A_321], %swap3A_324 {strides = array<i32>} : memref<64x128xf32, #tpu.memory_space<vmem>>, vector<1x16xf32>,
      %sub3A_325 = arith.subf %get3A_310, %get3A_314 : vector<16xf32>
      %mul3A_326 = arith.mulf %sub3A_325, %sub3A_325 : vector<16xf32>
      %add3A_327 = arith.addf %scan3A_260, %mul3A_326 : vector<16xf32>
      %get3A_328 = arith.index_cast %mul3A_263 : i32 to index
      %get3A_329 = arith.constant 48 : index
      %get3A_330 = tpu.vector_load %arg10[%get3A_328, %get3A_329] {strides = array<i32>} : memref<128x64xf32, #tpu.memory_space<vmem>>, vector<1x16xf32>,
      %get3A_331 = vector.shape_cast %get3A_330 : vector<1x16xf32> to vector<16xf32>
      %get3A_332 = arith.index_cast %mul3A_263 : i32 to index
      %get3A_333 = arith.constant 48 : index
      %get3A_334 = tpu.vector_load %arg12[%get3A_332, %get3A_333] {strides = array<i32>} : memref<128x64xf32, #tpu.memory_space<vmem>>, vector<1x16xf32>,
      %get3A_335 = vector.shape_cast %get3A_334 : vector<1x16xf32> to vector<16xf32>
      %swap3A_336 = arith.index_cast %scan3A_257 : i32 to index
      %swap3A_337 = arith.constant 48 : index
      %swap3A_338 = tpu.vector_load %arg14[%swap3A_336, %swap3A_337] {strides = array<i32>} : memref<64x128xf32, #tpu.memory_space<vmem>>, vector<1x16xf32>,
      %swap3A_339 = vector.shape_cast %swap3A_338 : vector<1x16xf32> to vector<16xf32>
      %swap3A_340 = vector.shape_cast %get3A_331 : vector<16xf32> to vector<1x16xf32>
      tpu.vector_store %arg14[%swap3A_336, %swap3A_337], %swap3A_340 {strides = array<i32>} : memref<64x128xf32, #tpu.memory_space<vmem>>, vector<1x16xf32>,
      %swap3A_341 = arith.index_cast %scan3A_257 : i32 to index
      %swap3A_342 = arith.constant 48 : index
      %swap3A_343 = tpu.vector_load %arg16[%swap3A_341, %swap3A_342] {strides = array<i32>} : memref<64x128xf32, #tpu.memory_space<vmem>>, vector<1x16xf32>,
      %swap3A_344 = vector.shape_cast %swap3A_343 : vector<1x16xf32> to vector<16xf32>
      %swap3A_345 = vector.shape_cast %get3A_335 : vector<16xf32> to vector<1x16xf32>
      tpu.vector_store %arg16[%swap3A_341, %swap3A_342], %swap3A_345 {strides = array<i32>} : memref<64x128xf32, #tpu.memory_space<vmem>>, vector<1x16xf32>,
      %sub3A_346 = arith.subf %get3A_331, %get3A_335 : vector<16xf32>
      %mul3A_347 = arith.mulf %sub3A_346, %sub3A_346 : vector<16xf32>
      %add3A_348 = arith.addf %scan3A_261, %mul3A_347 : vector<16xf32>
      %get3A_349 = arith.index_cast %add3A_265 : i32 to index
      %get3A_350 = arith.constant 0 : index
      %get3A_351 = tpu.vector_load %arg10[%get3A_349, %get3A_350] {strides = array<i32>} : memref<128x64xf32, #tpu.memory_space<vmem>>, vector<1x16xf32>,
      %get3A_352 = vector.shape_cast %get3A_351 : vector<1x16xf32> to vector<16xf32>
      %get3A_353 = arith.index_cast %add3A_265 : i32 to index
      %get3A_354 = arith.constant 0 : index
      %get3A_355 = tpu.vector_load %arg12[%get3A_353, %get3A_354] {strides = array<i32>} : memref<128x64xf32, #tpu.memory_space<vmem>>, vector<1x16xf32>,
      %get3A_356 = vector.shape_cast %get3A_355 : vector<1x16xf32> to vector<16xf32>
      %swap3A_357 = arith.index_cast %scan3A_257 : i32 to index
      %swap3A_358 = arith.constant 64 : index
      %swap3A_359 = tpu.vector_load %arg14[%swap3A_357, %swap3A_358] {strides = array<i32>} : memref<64x128xf32, #tpu.memory_space<vmem>>, vector<1x16xf32>,
      %swap3A_360 = vector.shape_cast %swap3A_359 : vector<1x16xf32> to vector<16xf32>
      %swap3A_361 = vector.shape_cast %get3A_352 : vector<16xf32> to vector<1x16xf32>
      tpu.vector_store %arg14[%swap3A_357, %swap3A_358], %swap3A_361 {strides = array<i32>} : memref<64x128xf32, #tpu.memory_space<vmem>>, vector<1x16xf32>,
      %swap3A_362 = arith.index_cast %scan3A_257 : i32 to index
      %swap3A_363 = arith.constant 64 : index
      %swap3A_364 = tpu.vector_load %arg16[%swap3A_362, %swap3A_363] {strides = array<i32>} : memref<64x128xf32, #tpu.memory_space<vmem>>, vector<1x16xf32>,
      %swap3A_365 = vector.shape_cast %swap3A_364 : vector<1x16xf32> to vector<16xf32>
      %swap3A_366 = vector.shape_cast %get3A_356 : vector<16xf32> to vector<1x16xf32>
      tpu.vector_store %arg16[%swap3A_362, %swap3A_363], %swap3A_366 {strides = array<i32>} : memref<64x128xf32, #tpu.memory_space<vmem>>, vector<1x16xf32>,
      %sub3A_367 = arith.subf %get3A_352, %get3A_356 : vector<16xf32>
      %mul3A_368 = arith.mulf %sub3A_367, %sub3A_367 : vector<16xf32>
      %add3A_369 = arith.addf %add3A_285, %mul3A_368 : vector<16xf32>
      %get3A_370 = arith.index_cast %add3A_265 : i32 to index
      %get3A_371 = arith.constant 16 : index
      %get3A_372 = tpu.vector_load %arg10[%get3A_370, %get3A_371] {strides = array<i32>} : memref<128x64xf32, #tpu.memory_space<vmem>>, vector<1x16xf32>,
      %get3A_373 = vector.shape_cast %get3A_372 : vector<1x16xf32> to vector<16xf32>
      %get3A_374 = arith.index_cast %add3A_265 : i32 to index
      %get3A_375 = arith.constant 16 : index
      %get3A_376 = tpu.vector_load %arg12[%get3A_374, %get3A_375] {strides = array<i32>} : memref<128x64xf32, #tpu.memory_space<vmem>>, vector<1x16xf32>,
      %get3A_377 = vector.shape_cast %get3A_376 : vector<1x16xf32> to vector<16xf32>
      %swap3A_378 = arith.index_cast %scan3A_257 : i32 to index
      %swap3A_379 = arith.constant 80 : index
      %swap3A_380 = tpu.vector_load %arg14[%swap3A_378, %swap3A_379] {strides = array<i32>} : memref<64x128xf32, #tpu.memory_space<vmem>>, vector<1x16xf32>,
      %swap3A_381 = vector.shape_cast %swap3A_380 : vector<1x16xf32> to vector<16xf32>
      %swap3A_382 = vector.shape_cast %get3A_373 : vector<16xf32> to vector<1x16xf32>
      tpu.vector_store %arg14[%swap3A_378, %swap3A_379], %swap3A_382 {strides = array<i32>} : memref<64x128xf32, #tpu.memory_space<vmem>>, vector<1x16xf32>,
      %swap3A_383 = arith.index_cast %scan3A_257 : i32 to index
      %swap3A_384 = arith.constant 80 : index
      %swap3A_385 = tpu.vector_load %arg16[%swap3A_383, %swap3A_384] {strides = array<i32>} : memref<64x128xf32, #tpu.memory_space<vmem>>, vector<1x16xf32>,
      %swap3A_386 = vector.shape_cast %swap3A_385 : vector<1x16xf32> to vector<16xf32>
      %swap3A_387 = vector.shape_cast %get3A_377 : vector<16xf32> to vector<1x16xf32>
      tpu.vector_store %arg16[%swap3A_383, %swap3A_384], %swap3A_387 {strides = array<i32>} : memref<64x128xf32, #tpu.memory_space<vmem>>, vector<1x16xf32>,
      %sub3A_388 = arith.subf %get3A_373, %get3A_377 : vector<16xf32>
      %mul3A_389 = arith.mulf %sub3A_388, %sub3A_388 : vector<16xf32>
      %add3A_390 = arith.addf %add3A_306, %mul3A_389 : vector<16xf32>
      %get3A_391 = arith.index_cast %add3A_265 : i32 to index
      %get3A_392 = arith.constant 32 : index
      %get3A_393 = tpu.vector_load %arg10[%get3A_391, %get3A_392] {strides = array<i32>} : memref<128x64xf32, #tpu.memory_space<vmem>>, vector<1x16xf32>,
      %get3A_394 = vector.shape_cast %get3A_393 : vector<1x16xf32> to vector<16xf32>
      %get3A_395 = arith.index_cast %add3A_265 : i32 to index
      %get3A_396 = arith.constant 32 : index
      %get3A_397 = tpu.vector_load %arg12[%get3A_395, %get3A_396] {strides = array<i32>} : memref<128x64xf32, #tpu.memory_space<vmem>>, vector<1x16xf32>,
      %get3A_398 = vector.shape_cast %get3A_397 : vector<1x16xf32> to vector<16xf32>
      %swap3A_399 = arith.index_cast %scan3A_257 : i32 to index
      %swap3A_400 = arith.constant 96 : index
      %swap3A_401 = tpu.vector_load %arg14[%swap3A_399, %swap3A_400] {strides = array<i32>} : memref<64x128xf32, #tpu.memory_space<vmem>>, vector<1x16xf32>,
      %swap3A_402 = vector.shape_cast %swap3A_401 : vector<1x16xf32> to vector<16xf32>
      %swap3A_403 = vector.shape_cast %get3A_394 : vector<16xf32> to vector<1x16xf32>
      tpu.vector_store %arg14[%swap3A_399, %swap3A_400], %swap3A_403 {strides = array<i32>} : memref<64x128xf32, #tpu.memory_space<vmem>>, vector<1x16xf32>,
      %swap3A_404 = arith.index_cast %scan3A_257 : i32 to index
      %swap3A_405 = arith.constant 96 : index
      %swap3A_406 = tpu.vector_load %arg16[%swap3A_404, %swap3A_405] {strides = array<i32>} : memref<64x128xf32, #tpu.memory_space<vmem>>, vector<1x16xf32>,
      %swap3A_407 = vector.shape_cast %swap3A_406 : vector<1x16xf32> to vector<16xf32>
      %swap3A_408 = vector.shape_cast %get3A_398 : vector<16xf32> to vector<1x16xf32>
      tpu.vector_store %arg16[%swap3A_404, %swap3A_405], %swap3A_408 {strides = array<i32>} : memref<64x128xf32, #tpu.memory_space<vmem>>, vector<1x16xf32>,
      %sub3A_409 = arith.subf %get3A_394, %get3A_398 : vector<16xf32>
      %mul3A_410 = arith.mulf %sub3A_409, %sub3A_409 : vector<16xf32>
      %add3A_411 = arith.addf %add3A_327, %mul3A_410 : vector<16xf32>
      %get3A_412 = arith.index_cast %add3A_265 : i32 to index
      %get3A_413 = arith.constant 48 : index
      %get3A_414 = tpu.vector_load %arg10[%get3A_412, %get3A_413] {strides = array<i32>} : memref<128x64xf32, #tpu.memory_space<vmem>>, vector<1x16xf32>,
      %get3A_415 = vector.shape_cast %get3A_414 : vector<1x16xf32> to vector<16xf32>
      %get3A_416 = arith.index_cast %add3A_265 : i32 to index
      %get3A_417 = arith.constant 48 : index
      %get3A_418 = tpu.vector_load %arg12[%get3A_416, %get3A_417] {strides = array<i32>} : memref<128x64xf32, #tpu.memory_space<vmem>>, vector<1x16xf32>,
      %get3A_419 = vector.shape_cast %get3A_418 : vector<1x16xf32> to vector<16xf32>
      %swap3A_420 = arith.index_cast %scan3A_257 : i32 to index
      %swap3A_421 = arith.constant 112 : index
      %swap3A_422 = tpu.vector_load %arg14[%swap3A_420, %swap3A_421] {strides = array<i32>} : memref<64x128xf32, #tpu.memory_space<vmem>>, vector<1x16xf32>,
      %swap3A_423 = vector.shape_cast %swap3A_422 : vector<1x16xf32> to vector<16xf32>
      %swap3A_424 = vector.shape_cast %get3A_415 : vector<16xf32> to vector<1x16xf32>
      tpu.vector_store %arg14[%swap3A_420, %swap3A_421], %swap3A_424 {strides = array<i32>} : memref<64x128xf32, #tpu.memory_space<vmem>>, vector<1x16xf32>,
      %swap3A_425 = arith.index_cast %scan3A_257 : i32 to index
      %swap3A_426 = arith.constant 112 : index
      %swap3A_427 = tpu.vector_load %arg16[%swap3A_425, %swap3A_426] {strides = array<i32>} : memref<64x128xf32, #tpu.memory_space<vmem>>, vector<1x16xf32>,
      %swap3A_428 = vector.shape_cast %swap3A_427 : vector<1x16xf32> to vector<16xf32>
      %swap3A_429 = vector.shape_cast %get3A_419 : vector<16xf32> to vector<1x16xf32>
      tpu.vector_store %arg16[%swap3A_425, %swap3A_426], %swap3A_429 {strides = array<i32>} : memref<64x128xf32, #tpu.memory_space<vmem>>, vector<1x16xf32>,
      %sub3A_430 = arith.subf %get3A_415, %get3A_419 : vector<16xf32>
      %mul3A_431 = arith.mulf %sub3A_430, %sub3A_430 : vector<16xf32>
      %add3A_432 = arith.addf %add3A_348, %mul3A_431 : vector<16xf32>
      scf.yield %add3A_369, %add3A_390, %add3A_411, %add3A_432 : vector<16xf32>, vector<16xf32>, vector<16xf32>, vector<16xf32>
    }
    %scan3A_214 = arith.constant 64 : i32
    %add3A_215 = arith.constant 12736 : i32
    %add3A_216 = arith.addi %select_n3A, %add3A_215 : i32
    %dma_start3A_217 = arith.constant 0 : i32
    %dma_start3A_218 = tpu.memref_slice %arg5[%add3A_216, %dma_start3A_217] : memref<409600x128xf32, #tpu.memory_space<hbm>> -> memref<64x128xf32, #tpu.memory_space<hbm>>
    %dma_start3A_219 = arith.constant 0 : i32
    %dma_start3A_220 = tpu.memref_slice %arg5[%add3A_216, %dma_start3A_219] : memref<409600x128xf32, #tpu.memory_space<hbm>> -> memref<64x128xf32, #tpu.memory_space<hbm>>
    tpu.enqueue_dma source(%arg14 : memref<64x128xf32, #tpu.memory_space<vmem>>) target(%dma_start3A_220 : memref<64x128xf32, #tpu.memory_space<hbm>>) target_semaphore(%arg21 : memref<!tpu.dma_semaphore, #tpu.memory_space<semaphore_mem>>)
    %dma_start3A_221 = arith.constant 0 : i32
    %dma_start3A_222 = tpu.memref_slice %arg6[%add3A_216, %dma_start3A_221] : memref<409600x128xf32, #tpu.memory_space<hbm>> -> memref<64x128xf32, #tpu.memory_space<hbm>>
    %dma_start3A_223 = arith.constant 0 : i32
    %dma_start3A_224 = tpu.memref_slice %arg6[%add3A_216, %dma_start3A_223] : memref<409600x128xf32, #tpu.memory_space<hbm>> -> memref<64x128xf32, #tpu.memory_space<hbm>>
    tpu.enqueue_dma source(%arg16 : memref<64x128xf32, #tpu.memory_space<vmem>>) target(%dma_start3A_224 : memref<64x128xf32, #tpu.memory_space<hbm>>) target_semaphore(%arg21 : memref<!tpu.dma_semaphore, #tpu.memory_space<semaphore_mem>>)
    %dma_wait3A_225 = arith.constant 0 : i32
    %dma_wait3A_226 = arith.constant 0 : i32
    %dma_wait3A_227 = tpu.memref_slice %arg5[%dma_wait3A_225, %dma_wait3A_226] : memref<409600x128xf32, #tpu.memory_space<hbm>> -> memref<64x128xf32, #tpu.memory_space<hbm>>
    %dma_wait3A_228 = arith.constant 0 : i32
    %dma_wait3A_229 = arith.constant 0 : i32
    %dma_wait3A_230 = tpu.memref_slice %arg5[%dma_wait3A_228, %dma_wait3A_229] : memref<409600x128xf32, #tpu.memory_space<hbm>> -> memref<64x128xf32, #tpu.memory_space<hbm>>
    tpu.wait_dma2 semaphore(%arg20 : memref<!tpu.dma_semaphore, #tpu.memory_space<semaphore_mem>>) src(%arg13 : memref<64x128xf32, #tpu.memory_space<vmem>>) dst(%dma_wait3A_230 : memref<64x128xf32, #tpu.memory_space<hbm>>)
    %dma_wait3A_231 = arith.constant 0 : i32
    %dma_wait3A_232 = arith.constant 0 : i32
    %dma_wait3A_233 = tpu.memref_slice %arg6[%dma_wait3A_231, %dma_wait3A_232] : memref<409600x128xf32, #tpu.memory_space<hbm>> -> memref<64x128xf32, #tpu.memory_space<hbm>>
    %dma_wait3A_234 = arith.constant 0 : i32
    %dma_wait3A_235 = arith.constant 0 : i32
    %dma_wait3A_236 = tpu.memref_slice %arg6[%dma_wait3A_234, %dma_wait3A_235] : memref<409600x128xf32, #tpu.memory_space<hbm>> -> memref<64x128xf32, #tpu.memory_space<hbm>>
    tpu.wait_dma2 semaphore(%arg20 : memref<!tpu.dma_semaphore, #tpu.memory_space<semaphore_mem>>) src(%arg15 : memref<64x128xf32, #tpu.memory_space<vmem>>) dst(%dma_wait3A_236 : memref<64x128xf32, #tpu.memory_space<hbm>>)
    %dma_wait3A_237 = arith.constant 0 : i32
    %dma_wait3A_238 = arith.constant 0 : i32
    %dma_wait3A_239 = tpu.memref_slice %arg5[%dma_wait3A_237, %dma_wait3A_238] : memref<409600x128xf32, #tpu.memory_space<hbm>> -> memref<64x128xf32, #tpu.memory_space<hbm>>
    %dma_wait3A_240 = arith.constant 0 : i32
    %dma_wait3A_241 = arith.constant 0 : i32
    %dma_wait3A_242 = tpu.memref_slice %arg5[%dma_wait3A_240, %dma_wait3A_241] : memref<409600x128xf32, #tpu.memory_space<hbm>> -> memref<64x128xf32, #tpu.memory_space<hbm>>
    tpu.wait_dma2 semaphore(%arg21 : memref<!tpu.dma_semaphore, #tpu.memory_space<semaphore_mem>>) src(%arg14 : memref<64x128xf32, #tpu.memory_space<vmem>>) dst(%dma_wait3A_242 : memref<64x128xf32, #tpu.memory_space<hbm>>)
    %dma_wait3A_243 = arith.constant 0 : i32
    %dma_wait3A_244 = arith.constant 0 : i32
    %dma_wait3A_245 = tpu.memref_slice %arg6[%dma_wait3A_243, %dma_wait3A_244] : memref<409600x128xf32, #tpu.memory_space<hbm>> -> memref<64x128xf32, #tpu.memory_space<hbm>>
    %dma_wait3A_246 = arith.constant 0 : i32
    %dma_wait3A_247 = arith.constant 0 : i32
    %dma_wait3A_248 = tpu.memref_slice %arg6[%dma_wait3A_246, %dma_wait3A_247] : memref<409600x128xf32, #tpu.memory_space<hbm>> -> memref<64x128xf32, #tpu.memory_space<hbm>>
    tpu.wait_dma2 semaphore(%arg21 : memref<!tpu.dma_semaphore, #tpu.memory_space<semaphore_mem>>) src(%arg16 : memref<64x128xf32, #tpu.memory_space<vmem>>) dst(%dma_wait3A_248 : memref<64x128xf32, #tpu.memory_space<hbm>>)
    %add3A_249 = arith.addf %scan3A_213#0, %scan3A_213#1 : vector<16xf32>
    %add3A_250 = arith.addf %scan3A_213#2, %scan3A_213#3 : vector<16xf32>
    %add3A_251 = arith.addf %add3A_249, %add3A_250 : vector<16xf32>
    %swap3A = arith.constant 0 : index
    %swap3A_252 = tpu.vector_load %arg17[%swap3A] {strides = array<i32>} : memref<16xf32, #tpu.memory_space<vmem>>, vector<16xf32>,
    %swap3A_253 = vector.shape_cast %swap3A_252 : vector<16xf32> to vector<16xf32>
    %swap3A_254 = vector.shape_cast %add3A_251 : vector<16xf32> to vector<16xf32>
    tpu.vector_store %arg17[%swap3A], %swap3A_254 {strides = array<i32>} : memref<16xf32, #tpu.memory_space<vmem>>, vector<16xf32>,
    %mul3A_255 = arith.constant 16 : i32
    %mul3A_256 = arith.muli %add3A, %mul3A_255 : i32
    "tpu.region"() ({
      %run_scoped3A = tpu.sem_alloc : memref<!tpu.dma_semaphore, #tpu.memory_space<semaphore_mem>>
      %dma_start3A_257 = tpu.memref_slice %arg7[%mul3A_256] : memref<512xf32, #tpu.memory_space<hbm>> -> memref<16xf32, #tpu.memory_space<hbm>>
      %dma_start3A_258 = tpu.memref_slice %arg7[%mul3A_256] : memref<512xf32, #tpu.memory_space<hbm>> -> memref<16xf32, #tpu.memory_space<hbm>>
      tpu.enqueue_dma source(%arg17 : memref<16xf32, #tpu.memory_space<vmem>>) target(%dma_start3A_258 : memref<16xf32, #tpu.memory_space<hbm>>) target_semaphore(%run_scoped3A : memref<!tpu.dma_semaphore, #tpu.memory_space<semaphore_mem>>)
      %dma_wait3A_259 = tpu.memref_slice %arg7[%mul3A_256] : memref<512xf32, #tpu.memory_space<hbm>> -> memref<16xf32, #tpu.memory_space<hbm>>
      %dma_wait3A_260 = tpu.memref_slice %arg7[%mul3A_256] : memref<512xf32, #tpu.memory_space<hbm>> -> memref<16xf32, #tpu.memory_space<hbm>>
      tpu.wait_dma2 semaphore(%run_scoped3A : memref<!tpu.dma_semaphore, #tpu.memory_space<semaphore_mem>>) src(%arg17 : memref<16xf32, #tpu.memory_space<vmem>>) dst(%dma_wait3A_260 : memref<16xf32, #tpu.memory_space<hbm>>)
      tpu.yield
    }) : () -> ()
    return
  }
}

module attributes {stable_mosaic.version = 14 : i64} {
  func.func @_tc_sum_body(%arg0: memref<4x128xf32, #tpu.memory_space<vmem>>, %arg1: memref<1x1xf32, #tpu.memory_space<smem>>) attributes {dimension_semantics = [], scalar_prefetch = 0 : i64, scratch_operands = 0 : i64, tpu.core_type = #tpu.core_type<tc>} {
    %get3A = arith.constant 0 : index
    %get3A_0 = arith.constant 0 : index
    %get3A_1 = vector.load %arg0[%get3A, %get3A_0] : memref<4x128xf32, #tpu.memory_space<vmem>>, vector<4x128xf32>
    %reduce_sum3A = vector.shape_cast %get3A_1 : vector<4x128xf32> to vector<1x4x128xf32>
    %reduce_sum3A_2 = arith.constant dense<0.000000e+00> : vector<1xf32>
    %reduce_sum3A_3 = vector.multi_reduction <add>, %reduce_sum3A, %reduce_sum3A_2 [1, 2] : vector<1x4x128xf32> to vector<1xf32>
    %reduce_sum3A_4 = vector.shape_cast %reduce_sum3A_3 : vector<1xf32> to vector<1x1x1xf32>
    %reduce_sum3A_5 = vector.extract %reduce_sum3A_4[0, 0, 0] : f32 from vector<1x1x1xf32>
    %mul3A = arith.constant 1.90734859E-8 : f32
    %mul3A_6 = arith.mulf %reduce_sum3A_5, %mul3A : f32
    %swap3A = arith.constant 0 : index
    %swap3A_7 = arith.constant 0 : index
    %swap3A_8 = memref.load %arg1[%swap3A, %swap3A_7] : memref<1x1xf32, #tpu.memory_space<smem>>
    memref.store %mul3A_6, %arg1[%swap3A, %swap3A_7] : memref<1x1xf32, #tpu.memory_space<smem>>
    return
  }
}

</mosaic_0001>

<sc_bundles>
// kernel: kernel.4.cloned.1.call-start
scs
__scs_entry_jumppad:
0x0: {  	(pc) =	sbr.rel $0x88, $3  }
0x1: {  	(tag) =	ssettag $0x0;
	lr =	simm.s32 $0x1  }
0x2: {  	[smem:$0x3F9E] =	sst lr;
	_ =	strace $0xD0000000  }
0x3: {  	_ = 	snop  }
0x4: {  	_ = 	snop  }
0x5: {  	_ = 	snop  }
0x6: {  	_ = 	snop  }
0x7: {  	_ = 	snop  }
__scs_overlays_trampoline_lowered:
0x8: {  	[smem:$0x3FAD] =	sst s0  }
0x9: {  	[smem:$0x3FAE] =	sst s1  }
0xa: {  	[smem:$0x3FAF] =	sst s2  }
0xb: {  	[smem:$0x3FB0] =	sst s3  }
0xc: {  	[smem:$0x3FB1] =	sst s4  }
0xd: {  	[smem:$0x3FB2] =	sst s5  }
0xe: {  	[smem:$0x3FB3] =	sst s6  }
0xf: {  	[smem:$0x3FB4] =	sst s7  }
0x10: {  	[smem:$0x3FB5] =	sst s8  }
0x11: {  	[smem:$0x3FB6] =	sst s9;
	s0 =	simm.s32 @!p0 $0x0  }
0x12: {  	s1 =	sld [smem:$0x3F9C];
	s0 =	simm.s32 @p0 $0x1  }
0x13: {  	[smem:$0x3FB7] =	sst s0;
	s0 =	simm.s32 @!p1 $0x0  }
0x14: {  	s2 =	sld [smem:$0x3F9B];
	s0 =	simm.s32 @p1 $0x1  }
0x15: {  	[smem:$0x3FB8] =	sst s0;
	s0 =	simm.s32 @!p2 $0x0  }
0x16: {  	s3 =	sld [smem:$0x3FDB];
	s0 =	simm.s32 @p2 $0x1  }
0x17: {  	s4 =	simm.s32 $0x1BF5;
	[smem:$0x3FBA] =	sst s0  }
0x18: {  	s0 =	sld [smem:$0x3F9D];
	_ =	swait.ge [sflag:s4], $0x0  }
0x19: {  	s7 =	sld [smem:$0x3F9E]  }
0x1a: {  	s8 =	sadd.s32 $0xFFFFE003, lr  }
0x1b: {  	s9 =	sadd.s32 $0xFFFFFEF7, lr;
	s5 =	simm.s32 $0xFFFFFFFF;
	p2 =	slt.u32 s8, $0xFFFFF086  }
0x1c: {  	p1 =	slt.u32 s9, $0xF7A;
	s5 =	simm.s32 @!p2 $0x0  }
0x1d: {  	s5 =	simm.s32 @p1 $0x1;
	p0 =	seq.s32 s7, s2  }
0x1e: {  	s7 =	smul.u32 @!p0 $0xF7A, s2;
	p2 =	seq.s32 @!p0 s5, $0x0  }
0x1f: {  	s9 =	smul.u32 $0xF7A, s1;
	s8 =	simm.s32 @!p0 $0x1BF5;
	p2 =	por !p2, p0  }
0x20: {  	[sflag:s8] =	ssyncset.s32 @!p0 $0xFFFFF086;
	s6 =	sadd.s32 @!p0 s3, s7;
	s7 =	simm.s32 @!p0 $0x108  }
0x21: {  	s3 =	sadd.s32 s3, s9;
	s6 =	sadd.s32 @!p0 $0x88, s6;
	s7 =	simm.s32 @p2 $0x1082  }
0x22: {  	[simem:s7], [sflag:s8] =	dma.local @!p0 [hbm:s6], $0xF7A  }
0x23: {  	s9 =	sor.u32 $0xD0000000, s2;
	s6 =	simm.s32 $0x108;
	_ =	swait.ge @!p0 [sflag:s8], $0x0  }
0x24: {  	s3 =	sadd.s32 $0x88, s3;
	s6 =	simm.s32 @!p1 $0x1082;
	[sflag:s4] =	ssyncset.s32 $0xFFFFF086  }
0x25: {  	[simem:s6], [sflag:s4] =	dma.local [hbm:s3], $0xF7A  }
0x26: {  	[smem:$0x3F9E] =	sst s1;
	(tag) =	ssettag s2;
	_ =	strace s9  }
0x27: {  	s1 =	sld [smem:$0x3FAE]  }
0x28: {  	s2 =	sld [smem:$0x3FAF]  }
0x29: {  	s4 =	sld [smem:$0x3FB1]  }
0x2a: {  	p0 =	seq.s32 s5, $0x0;
	s5 =	sld [smem:$0x3FB2]  }
0x2b: {  	s6 =	sld [smem:$0x3FB3]  }
0x2c: {  	s7 =	sld [smem:$0x3FB4]  }
0x2d: {  	s3 =	simm.s32 $0x108;
	s8 =	sld [smem:$0x3FB5]  }
0x2e: {  	s3 =	simm.s32 @!p0 $0x1082;
	s9 =	sld [smem:$0x3FB6]  }
0x2f: {  	lr =	sadd.s32 s0, s3;
	s0 =	sld [smem:$0x3FAD]  }
0x30: {  	s3 =	sld [smem:$0x3FB0]  }
0x31: {  	[smem:$0x3FB9] =	sst s10  }
0x32: {  	s10 =	sld [smem:$0x3FB7];
	_ =	sdelay $0x3  }
0x33: {  	p0 =	seq.s32 s10, $0x1;
	s10 =	sld [smem:$0x3FB9];
	_ =	sdelay $0x3  }
0x34: {  	[smem:$0x3FB9] =	sst s10  }
0x35: {  	s10 =	sld [smem:$0x3FB8];
	_ =	sdelay $0x3  }
0x36: {  	p1 =	seq.s32 s10, $0x1;
	s10 =	sld [smem:$0x3FB9];
	_ =	sdelay $0x3  }
0x37: {  	[smem:$0x3FB9] =	sst s10  }
0x38: {  	s10 =	sld [smem:$0x3FBA]  }
0x39: {  	_ = 	snop;
	(pc) =	sbr.ind lr, $3  }
0x3a: {  	_ = 	snop  }
0x3b: {  	_ = 	snop  }
0x3c: {  	p2 =	seq.s32 s10, $0x1;
	s10 =	sld [smem:$0x3FB9]  }
0x3d: {  	_ =	shalt  }
0x3e: {  	_ =	shalt  }
0x3f: {  	_ =	shalt  }
0x40: {  	_ =	shalt  }
0x41: {  	_ =	shalt  }
0x42: {  	_ =	shalt  }
0x43: {  	_ =	shalt  }
0x44: {  	_ =	shalt  }
0x45: {  	_ =	shalt  }
0x46: {  	_ =	shalt  }
0x47: {  	_ =	shalt  }
0x48: {  	_ =	shalt  }
0x49: {  	_ =	shalt  }
0x4a: {  	_ =	shalt  }
0x4b: {  	_ =	shalt  }
0x4c: {  	_ =	shalt  }
0x4d: {  	_ =	shalt  }
0x4e: {  	_ =	shalt  }
0x4f: {  	_ =	shalt  }
0x50: {  	_ =	shalt  }
0x51: {  	_ =	shalt  }
0x52: {  	_ =	shalt  }
0x53: {  	_ =	shalt  }
0x54: {  	_ =	shalt  }
0x55: {  	_ =	shalt  }
0x56: {  	_ =	shalt  }
0x57: {  	_ =	shalt  }
0x58: {  	_ =	shalt  }
0x59: {  	_ =	shalt  }
0x5a: {  	_ =	shalt  }
0x5b: {  	_ =	shalt  }
0x5c: {  	_ =	shalt  }
0x5d: {  	_ =	shalt  }
0x5e: {  	_ =	shalt  }
0x5f: {  	_ =	shalt  }
0x60: {  	_ =	shalt  }
0x61: {  	_ =	shalt  }
0x62: {  	_ =	shalt  }
0x63: {  	_ =	shalt  }
0x64: {  	_ =	shalt  }
0x65: {  	_ =	shalt  }
0x66: {  	_ =	shalt  }
0x67: {  	_ =	shalt  }
0x68: {  	_ =	shalt  }
0x69: {  	_ =	shalt  }
0x6a: {  	_ =	shalt  }
0x6b: {  	_ =	shalt  }
0x6c: {  	_ =	shalt  }
0x6d: {  	_ =	shalt  }
0x6e: {  	_ =	shalt  }
0x6f: {  	_ =	shalt  }
0x70: {  	_ =	shalt  }
0x71: {  	_ =	shalt  }
0x72: {  	_ =	shalt  }
0x73: {  	_ =	shalt  }
0x74: {  	_ =	shalt  }
0x75: {  	_ =	shalt  }
0x76: {  	_ =	shalt  }
0x77: {  	_ =	shalt  }
0x78: {  	_ =	shalt  }
0x79: {  	_ =	shalt  }
0x7a: {  	_ =	shalt  }
0x7b: {  	_ =	shalt  }
0x7c: {  	_ =	shalt  }
0x7d: {  	_ =	shalt  }
0x7e: {  	_ =	shalt  }
0x7f: {  	_ =	shalt  }
0x80: {  	_ =	shalt  }
0x81: {  	_ =	shalt  }
0x82: {  	_ =	shalt  }
0x83: {  	_ =	shalt  }
0x84: {  	_ =	shalt  }
0x85: {  	_ =	shalt  }
0x86: {  	_ =	shalt  }
0x87: {  	_ =	shalt  }
.Lfunc_end0:
.L_simem_size_0:
called_computation.2_lowered:
.L_overlay_start_0:
0x88: {  	s2 =	sld [smem:$0x3FD9]  }
0x89: {  	s3 =	sld [smem:$0x3FFE];
	_ =	sdelay $0x1  }
0x8a: {  	s1 =	srdreg.scid  }
0x8b: {  	s0 =	sand.u32 $0x1, s1  }
0x8c: {  	s14 =	sshll.u32 s0, $0xA;
	s2 =	sadd.s32 s3, s2  }
0x8d: {  	s2 =	sadd.s32 s2, s14  }
0x8e: {  	[smem:$0x3FC5] =	sst s2  }
0x8f: {  	_ = 	snop  }
0x90: {  	s2 =	sld [smem:$0x3FD0];
	_ =	sdelay $0x2  }
0x91: {  	s15 =	simm.s32 $0xB;
	s4 =	simm.s32 $0x10  }
0x92: {  	[smem:s4], [sflag:s15] =	dma.local [hbm:s2], $0x1  }
0x93: {  	_ =	swait.eq [sflag:s15], $0x1  }
0x94: {  	[sflag:s15] =	ssyncset.done $0x0  }
0x95: {  	s16 =	sld [smem:$0x10];
	[sflag:s15] =	ssyncadd.s32 $0xFFFFFFFF  }
0x96: {  	s17 =	sld [smem:$0x11];
	(tm) =	ssettm $0x1  }
0x97: {  	s18 =	sld [smem:$0x3FFB];
	_ =	sdelay $0x3  }
0x98: {  	_ =	strace s18  }
0x99: {  	s4 =	sld [smem:$0x3FFC];
	_ =	sdelay $0x3  }
0x9a: {  	_ =	strace s4  }
0x9b: {  	s4 =	sld [smem:$0x3FFD];
	_ =	sdelay $0x3  }
0x9c: {  	_ =	strace s4  }
0x9d: {  	_ =	strace $0x8FFFFFFF  }
0x9e: {  	s19 =	sld [smem:$0x3FDB];
	_ =	sdelay $0x1  }
0x9f: {  	s5 =	simm.s32 $_scs_section_size  }
0xa0: {  	s6 =	simm.s32 $_size__tile_overlayer_lowered;
	s7 =	simm.s32 $_tile_overlayer_lowered  }
0xa1: {  	s22 =	simm.s32 $0x1BFF;
	s21 =	sshll.u32 s7, $0x1;
	s4 =	sadd.s32 s5, s19  }
0xa2: {  	s8 =	simm.s32 $0x0;
	s20 =	sshll.u32 s6, $0x1;
	s6 =	sadd.s32 s21, s4  }
0xa3: {  	[timem:s8], [sflag:s22] =	dma.local [hbm:s6], s20  }
0xa4: {  	_ =	swait.ge [sflag:s22], s20  }
0xa5: {  	s5 =	ssub.s32 $0x0, s20;
	[sflag:s22] =	ssyncset.done $0x0  }
0xa6: {  	[sflag:s22] =	ssyncadd.s32 s5;
	_ =	sdelay $0x1  }
0xa7: {  	s23 =	simm.s32 $0x1B8B  }
0xa8: {  	_ =	swait.ge [sflag:s23], $0x1  }
0xa9: {  	[sflag:s23] =	ssyncset.done $0x0  }
0xaa: {  	s25 =	simm.s32 $0x1B8E;
	s24 =	sld [smem:$0x3FFE];
	[sflag:s23] =	ssyncadd.s32 $0xFFFFFFFF  }
0xab: {  	s26 =	simm.s32 $execute0_lowered;
	[smem:$0x3FD2] =	sst s25  }
0xac: {  	s6 =	sshll.u32 s26, $0x1;
	_ =	strace $0x80000046;
	[dreg:$0x1] =	wrdreg $0xFFFFFFFF  }
0xad: {  	s28 =	simm.s32 $_size_execute0_lowered;
	s4 =	sadd.s32 s4, s6;
	[dreg:$0x0] =	wrdreg $0x0  }
0xae: {  	s6 =	sshll.u32 s28, $0x1;
	[dreg:$0x2] =	wrdreg s4  }
0xaf: {  	[dreg:$0x3] =	wrdreg s6  }
0xb0: {  	[dreg:$0x4] =	wrdreg $0xC0  }
0xb1: {  	_ =	task [dreg:s8], $0x5FFFF  }
0xb2: {  	[dreg:$0x1] =	wrdreg $0xFFFFFFFF  }
0xb3: {  	[dreg:$0x0] =	wrdreg $0x60  }
0xb4: {  	[dreg:$0x2] =	wrdreg s24  }
0xb5: {  	[dreg:$0x3] =	wrdreg s16  }
0xb6: {  	[dreg:$0x4] =	wrdreg s17  }
0xb7: {  	[dreg:$0x5] =	wrdreg $0x9  }
0xb8: {  	_ =	task.clear_ibuf [dreg:s8], $0x6FFFF;
	_ =	strace $0x90000046  }
0xb9: {  	s29 =	simm.s32 $0x9;
	_ =	strace $0x80000048  }
0xba: {  	_ =	swait.ge [sflag:s29], $0x1  }
0xbb: {  	[sflag:s29] =	ssyncadd.s32 $0xFFFFFFFF  }
0xbc: {  	_ =	strace $0x90000048  }
0xbd: {  	_ =	sfence  }
0xbe: {  	s30 =	sld [smem:$0x0];
	_ =	sdelay $0x2  }
0xbf: {  	s31 =	sshll.u32 s1, $0xD;
	s1 =	sshrl.u32 s1, $0x2  }
0xc0: {  	s3 =	sand.u32 $0x4000, s31;
	s1 =	sadd.s32 s1, s30  }
0xc1: {  	s0 =	sor.u32 s3, s0;
	s1 =	sshll.u32 s1, $0x11  }
0xc2: {  	s0 =	sor.u32 s1, s0  }
0xc3: {  	s0 =	sadd.s32 $0x8F2B, s0  }
0xc4: {  	[sflag:s0] =	ssyncadd.remote.s32 $0x1  }
0xc5: {  	_ =	sfence.sel $0xFFFF  }
0xc6: {  	[dreg:$0x0] =	wrdreg $0xFFFFFFFF;
	(pc) =	sbr.abs _section_cstart, $3  }
0xc7: {  	[dreg:$0x1] =	wrdreg $0xFFFFFFFF  }
0xc8: {  	_ =	task.clear_ibuf [dreg:s8], $0x2FFFF;
	_ =	strace $0x9FFFFFFF  }
0xc9: {  	(tm) =	ssettm $0x7FFFFFFF  }
tec
execute0_lowered:
.L_overlay_start_1:
0x0: {  	(tag) =	ssettag $0x1  }
0x1: {  	s0 =	rddreg [dreg:$0x0];
	s1 =	srdreg.scid  }
0x2: {  	s3 =	stileid.u32;
	s2 =	rddreg [dreg:$0x1]  }
0x3: {  	s28 =	simm.s32 $0xE400;
	s29 =	simm.s32 $0x12400;
	s31 =	simm.s32 $0x2  }
0x4: {  	s12 =	simm.s32 $0x0;
	s1 =	sand.u32 $0x1, s1;
	s4 =	sshll.u32 s3, $0x1  }
0x5: {  	s3 =	rddreg [dreg:$0x2];
	s6 =	sadd.s32 $0xDF400, s0;
	s7 =	sor.u32 s1, s4  }
0x6: {  	s4 =	simm.s32 $0x0;
	s1 =	ssub.s32 $0x2, s1;
	s5 =	smul.u32 $0xC80, s7  }
0x7: {  	[smem:$0x7FF] =	sst s4;
	s9 =	sshll.u32 s7, $0x1;
	s11 =	smul.u32 $0x32000, s7  }
0x8: {  	s10 =	sshrl.u32 s1, $0x1;
	s7 =	smul.u32 $0x190000, s7;
	_ =	strace $0x80000047  }
0x9: {  	s1 =	ssub.s32 s1, s10;
	s8 =	sadd.s32 s5, s0;
	s5 =	sadd.s32 $0x1BE00, s0  }
0xa: {  	s0 =	sadd.s32 s9, s0;
	s20 =	sadd.s32 s2, s11;
	s10 =	sor.u32 $0x400, s11  }
0xb: {  	s21 =	sadd.s32 s3, s11;
	s23 =	sshrl.u32 s7, $0x3;
	s19 =	smax.u32 s1, $0x1  }
0xc: {  	s1 =	simm.s32 $0x10400;
	s11 =	simm.s32 $0x4;
	[dreg:$0x5] =	wrdreg s20  }
0xd: {  	s8 =	sadd.s32 $0x2E00, s8;
	[dreg:$0x6] =	wrdreg s21;
	s22 =	sadd.s32 s2, s10  }
0xe: {  	s24 =	sadd.s32 s3, s10;
	s25 =	sadd.s32 $0x31800, s23;
	[dreg:$0x4] =	wrdreg s8  }
0xf: {  	s18 =	sadd.s32 $0x1A2A00, s0;
	s20 =	simm.s32 $0x5;
	[dreg:$0x7] =	wrdreg s22  }
0x10: {  	s21 =	simm.s32 $0x80;
	s0 =	simm.s32 $0x14400;
	[dreg:$0x8] =	wrdreg s24  }
0x11: {  	s8 =	sadd.s32 $0x31C00, s23;
	s26 =	sadd.s32 s2, s25;
	s9 =	sadd.s32 s3, s25  }
0x12: {  	s22 =	simm.s32 $0x6400;
	s23 =	simm.s32 $0xA400;
	[dreg:$0x9] =	wrdreg s26  }
0x13: {  	s24 =	simm.s32 $0x8400;
	s25 =	simm.s32 $0xC400;
	[dreg:$0xa] =	wrdreg s9  }
0x14: {  	s30 =	sadd.s32 s2, s8;
	s17 =	sadd.s32 s3, s8;
	s26 =	simm.s32 $0x1  }
0x15: {  	s8 =	simm.s32 $0x180;
	s9 =	simm.s32 $0x3;
	[dreg:$0xb] =	wrdreg s30  }
.LBB2_1:
0x16: {  	s13 =	rddreg [dreg:$0x4]  }
0x17: {  	[tilespmem:s4], [sflag:$0x5] =	stream.linear.gather [hbm4b:s13+s4], $0x6400, $0x38;
	[tilespmem:$0x16410] =	vst v63  }
0x18: {  	_ =	swait.ge [sflag:s20], $0x6400  }
0x19: {  	[sflag:s20] =	ssyncset.done $0x0  }
0x1a: {  	[sflag:s20] =	ssyncadd.s32 $0xFFFF9C00  }
0x1b: {  	[tilespmem:s22], [sflag:$0x1] =	stream.indirect.gather [hbm4b:s5+s21], $0x40, s4, s21, $0xb8;
	[tilespmem:$0x16410] =	vst v63  }
0x1c: {  	_ = 	snop  }
0x1d: {  	[tilespmem:s23], [sflag:$0x1] =	stream.indirect.gather [hbm4b:s6+s21], $0x40, s4, s21, $0xb8;
	[tilespmem:$0x16410] =	vst v63  }
0x1e: {  	_ = 	snop  }
0x1f: {  	[tilespmem:s24], [sflag:$0x2] =	stream.indirect.gather [hbm4b:s5+s21], $0x40, s21, s21, $0xb8;
	[tilespmem:$0x16410] =	vst v63  }
0x20: {  	_ = 	snop  }
0x21: {  	[tilespmem:s25], [sflag:$0x2] =	stream.indirect.gather [hbm4b:s6+s21], $0x40, s21, s21, $0xb8;
	[tilespmem:$0x16410] =	vst v63  }
0x22: {  	_ =	swait.ge [sflag:s26], $0x2000  }
0x23: {  	[sflag:s26] =	ssyncset.done $0x0  }
0x24: {  	[sflag:s26] =	ssyncadd.s32 $0xFFFFE000  }
0x25: {  	_ =	swait.ge [sflag:s26], $0x2000  }
0x26: {  	[sflag:s26] =	ssyncset.done $0x0  }
0x27: {  	s13 =	simm.s32 $0x0;
	[sflag:s26] =	ssyncadd.s32 $0xFFFFE000  }
0x28: {  	v2 =	vld [tilespmem:s13+$0x6440]  }
0x29: {  	v7 =	vld [tilespmem:s13+$0xA440]  }
0x2a: {  	v3 =	vld [tilespmem:s13+$0x6450]  }
0x2b: {  	v9 =	vld [tilespmem:s13+$0xA450]  }
0x2c: {  	v0 =	vld [tilespmem:s13+$0x6460]  }
0x2d: {  	v4 =	vld [tilespmem:s13+$0xA460];
	[tilespmem:s13+$0xE440] =	vst v2  }
0x2e: {  	v16 =	vld [tilespmem:s13+$0x6400];
	[tilespmem:s13+$0x12440] =	vst v7  }
0x2f: {  	v18 =	vld [tilespmem:s13+$0xA400];
	[tilespmem:s13+$0xE450] =	vst v3  }
0x30: {  	v19 =	vld [tilespmem:s13+$0x6410];
	[tilespmem:s13+$0x12450] =	vst v9  }
0x31: {  	v21 =	vld [tilespmem:s13+$0xA410];
	[tilespmem:s13+$0xE460] =	vst v0  }
0x32: {  	v22 =	vld [tilespmem:s13+$0x6420];
	[tilespmem:s13+$0x12460] =	vst v4  }
0x33: {  	v12 =	vimm.f32 $0.0e+00;
	v24 =	vld [tilespmem:s13+$0xA420];
	[tilespmem:s13+$0xE400] =	vst v16  }
0x34: {  	s14 =	simm.s32 $0x200;
	v15 =	vimm.f32 $0.0e+00;
	v13 =	vimm.f32 $0.0e+00;
	v10 =	vimm.f32 $0.0e+00;
	v23 =	vld [tilespmem:s13+$0x6430];
	[tilespmem:s13+$0x12400] =	vst v18  }
.LBB2_2:
0x35: {  	p0 =	sne.s32 s14, $0x7E00;
	[tilespmem:s13+$0xE410] =	vst v19;
	v1 =	vld [tilespmem:s13+$0xA430]  }
0x36: {  	[tilespmem:s13+$0x12410] =	vst v21;
	v5 =	vld [tilespmem:s13+$0x6470]  }
0x37: {  	s15 =	sshra.s32 s14, $0x2;
	v6 =	vsub.f32 v2, v7;
	[tilespmem:s13+$0xE420] =	vst v22;
	v8 =	vld [tilespmem:s13+$0xA470]  }
0x38: {  	v11 =	vsub.f32 v16, v18;
	v9 =	vsub.f32 v3, v9;
	v2 =	vld [tilespmem:s15+$0x6440];
	[tilespmem:s13+$0x12420] =	vst v24  }
0x39: {  	v14 =	vsub.f32 v19, v21;
	v16 =	vsub.f32 v22, v24;
	v7 =	vld [tilespmem:s15+$0xA440];
	[tilespmem:s13+$0xE430] =	vst v23  }
0x3a: {  	v6 =	vmul.f32 v6, v6;
	v17 =	vmul.f32 v9, v9;
	v3 =	vld [tilespmem:s15+$0x6450];
	[tilespmem:s13+$0x12430] =	vst v1;
	v1 =	vsub.f32 v23, v1  }
0x3b: {  	v18 =	vsub.f32 v0, v4;
	v11 =	vmul.f32 v11, v11;
	v14 =	vmul.f32 v14, v14;
	v9 =	vld [tilespmem:s15+$0xA450];
	[tilespmem:s13+$0xE470] =	vst v5  }
0x3c: {  	v19 =	vmul.f32 v16, v16;
	v0 =	vld [tilespmem:s15+$0x6460];
	v1 =	vmul.f32 v1, v1;
	[tilespmem:s13+$0x12470] =	vst v8;
	v5 =	vsub.f32 v5, v8;
	s13 =	smov.u32 s15  }
0x3d: {  	v8 =	vadd.f32 v11, v12;
	v11 =	vadd.f32 v14, v15;
	v14 =	vmul.f32 v18, v18;
	[tilespmem:s13+$0xE440] =	vst v2;
	v4 =	vld [tilespmem:s13+$0xA460]  }
0x3e: {  	v13 =	vadd.f32 v19, v13;
	v16 =	vld [tilespmem:s13+$0x6400];
	[tilespmem:s13+$0x12440] =	vst v7;
	v1 =	vadd.f32 v1, v10;
	v5 =	vmul.f32 v5, v5  }
0x3f: {  	v12 =	vadd.f32 v6, v8;
	v15 =	vadd.f32 v17, v11;
	v18 =	vld [tilespmem:s13+$0xA400];
	[tilespmem:s13+$0xE450] =	vst v3  }
.Ltmp0:
0x40: {  	v13 =	vadd.f32 v14, v13;
	v19 =	vld [tilespmem:s13+$0x6410];
	[tilespmem:s13+$0x12450] =	vst v9;
	v10 =	vadd.f32 v5, v1;
	(pc) =	sbr.rel @p0 .LBB2_2-.Ltmp0, $4  }
0x41: {  	v21 =	vld [tilespmem:s13+$0xA410];
	[tilespmem:s13+$0xE460] =	vst v0  }
0x42: {  	v22 =	vld [tilespmem:s13+$0x6420];
	[tilespmem:s13+$0x12460] =	vst v4  }
0x43: {  	[tilespmem:s13+$0xE400] =	vst v16;
	v24 =	vld [tilespmem:s13+$0xA420]  }
0x44: {  	s14 =	sadd.s32 $0x200, s14;
	[tilespmem:s13+$0x12400] =	vst v18;
	v23 =	vld [tilespmem:s13+$0x6430]  }
0x45: {  	[tilespmem:s13+$0xE410] =	vst v19;
	v25 =	vld [tilespmem:s13+$0xA430]  }
0x46: {  	v26 =	vld [tilespmem:s13+$0x6470];
	[tilespmem:s13+$0x12410] =	vst v21  }
0x47: {  	v27 =	vld [tilespmem:s13+$0xA470];
	[tilespmem:s13+$0xE420] =	vst v22  }
0x48: {  	[tilespmem:s13+$0x12420] =	vst v24  }
0x49: {  	[tilespmem:s13+$0xE430] =	vst v23  }
0x4a: {  	[tilespmem:s13+$0x12430] =	vst v25  }
0x4b: {  	[tilespmem:s13+$0xE470] =	vst v26  }
0x4c: {  	s15 =	simm.s32 $0x0;
	s14 =	rddreg [dreg:$0x5];
	[tilespmem:s13+$0x12470] =	vst v27  }
0x4d: {  	[hbm4b:s14+s15] =	stream.linear.scatter [tilespmem:s28], [sflag:$0x3], $0x2000, $0x38;
	[tilespmem:$0x16410] =	vst v63  }
0x4e: {  	s16 =	rddreg [dreg:$0x6]  }
0x4f: {  	[hbm4b:s16+s15] =	stream.linear.scatter [tilespmem:s29], [sflag:$0x3], $0x2000, $0x38;
	[tilespmem:$0x16410] =	vst v63  }
0x50: {  	s30 =	simm.s32 $0x100  }
0x51: {  	[tilespmem:s22], [sflag:$0x1] =	stream.indirect.gather [hbm4b:s5+s21], $0x40, s30, s21, $0xb8;
	[tilespmem:$0x16410] =	vst v63  }
0x52: {  	_ = 	snop  }
0x53: {  	[tilespmem:s23], [sflag:$0x1] =	stream.indirect.gather [hbm4b:s6+s21], $0x40, s30, s21, $0xb8;
	[tilespmem:$0x16410] =	vst v63  }
0x54: {  	_ =	swait.ge [sflag:s31], $0x2000  }
0x55: {  	[sflag:s31] =	ssyncset.done $0x0  }
0x56: {  	[sflag:s31] =	ssyncadd.s32 $0xFFFFE000  }
0x57: {  	_ =	swait.ge [sflag:s31], $0x2000  }
0x58: {  	[sflag:s31] =	ssyncset.done $0x0  }
0x59: {  	s13 =	simm.s32 $0x0;
	[sflag:s31] =	ssyncadd.s32 $0xFFFFE000  }
0x5a: {  	v5 =	vld [tilespmem:s13+$0x8440]  }
0x5b: {  	v11 =	vld [tilespmem:s13+$0xC440]  }
0x5c: {  	v8 =	vld [tilespmem:s13+$0x8450]  }
0x5d: {  	v2 =	vsub.f32 v2, v7;
	v14 =	vld [tilespmem:s13+$0xC450]  }
0x5e: {  	v16 =	vsub.f32 v16, v18;
	v18 =	vsub.f32 v19, v21;
	v1 =	vld [tilespmem:s13+$0x8460]  }
0x5f: {  	v3 =	vsub.f32 v3, v9;
	v19 =	vsub.f32 v22, v24;
	v6 =	vld [tilespmem:s13+$0xC460];
	[tilespmem:s13+$0x10440] =	vst v5  }
0x60: {  	v2 =	vmul.f32 v2, v2;
	v18 =	vmul.f32 v18, v18;
	v21 =	vsub.f32 v23, v25;
	v17 =	vld [tilespmem:s13+$0x8400];
	[tilespmem:s13+$0x14440] =	vst v11  }
0x61: {  	v0 =	vsub.f32 v0, v4;
	v22 =	vmul.f32 v16, v16;
	v4 =	vmul.f32 v19, v19;
	v20 =	vld [tilespmem:s13+$0xC400];
	[tilespmem:s13+$0x10450] =	vst v8  }
0x62: {  	v19 =	vsub.f32 v26, v27;
	v15 =	vadd.f32 v18, v15;
	v18 =	vmul.f32 v21, v21;
	v7 =	vld [tilespmem:s13+$0x8410];
	[tilespmem:s13+$0x14450] =	vst v14  }
0x63: {  	v12 =	vadd.f32 v22, v12;
	v13 =	vadd.f32 v4, v13;
	v4 =	vmul.f32 v3, v3;
	v9 =	vld [tilespmem:s13+$0xC410];
	[tilespmem:s13+$0x10460] =	vst v1  }
0x64: {  	v0 =	vmul.f32 v0, v0;
	v19 =	vmul.f32 v19, v19;
	v18 =	vadd.f32 v18, v10;
	v16 =	vld [tilespmem:s13+$0x8420];
	[tilespmem:s13+$0x14460] =	vst v6  }
0x65: {  	v3 =	vadd.f32 v2, v12;
	v4 =	vadd.f32 v4, v15;
	v10 =	vld [tilespmem:s13+$0xC420];
	[tilespmem:s13+$0x10400] =	vst v17  }
0x66: {  	s14 =	simm.s32 $0x200;
	v0 =	vadd.f32 v0, v13;
	v2 =	vadd.f32 v19, v18;
	v12 =	vld [tilespmem:s13+$0x8430];
	[tilespmem:s13+$0x14400] =	vst v20  }
.LBB2_4:
0x67: {  	p0 =	sne.s32 s14, $0x7E00;
	[tilespmem:s13+$0x10410] =	vst v7;
	v13 =	vld [tilespmem:s13+$0xC430]  }
0x68: {  	[tilespmem:s13+$0x14410] =	vst v9;
	v15 =	vld [tilespmem:s13+$0x8470]  }
0x69: {  	s15 =	sshra.s32 s14, $0x2;
	v18 =	vsub.f32 v5, v11;
	[tilespmem:s13+$0x10420] =	vst v16;
	v19 =	vld [tilespmem:s13+$0xC470]  }
0x6a: {  	v17 =	vsub.f32 v17, v20;
	v14 =	vsub.f32 v8, v14;
	v5 =	vld [tilespmem:s15+$0x8440];
	[tilespmem:s13+$0x14420] =	vst v10  }
0x6b: {  	v7 =	vsub.f32 v7, v9;
	v9 =	vsub.f32 v16, v10;
	v11 =	vld [tilespmem:s15+$0xC440];
	[tilespmem:s13+$0x10430] =	vst v12  }
0x6c: {  	v8 =	vld [tilespmem:s15+$0x8450];
	[tilespmem:s13+$0x14430] =	vst v13;
	v10 =	vsub.f32 v12, v13;
	v12 =	vmul.f32 v18, v18;
	v13 =	vmul.f32 v14, v14  }
0x6d: {  	v16 =	vmul.f32 v17, v17;
	v7 =	vmul.f32 v7, v7;
	v17 =	vsub.f32 v1, v6;
	v14 =	vld [tilespmem:s15+$0xC450];
	[tilespmem:s13+$0x10470] =	vst v15  }
0x6e: {  	v9 =	vmul.f32 v9, v9;
	v1 =	vld [tilespmem:s15+$0x8460];
	v10 =	vmul.f32 v10, v10;
	[tilespmem:s13+$0x14470] =	vst v19;
	v15 =	vsub.f32 v15, v19;
	s13 =	smov.u32 s15  }
0x6f: {  	v3 =	vadd.f32 v16, v3;
	v4 =	vadd.f32 v7, v4;
	v16 =	vmul.f32 v17, v17;
	[tilespmem:s13+$0x10440] =	vst v5;
	v6 =	vld [tilespmem:s13+$0xC460]  }
0x70: {  	v0 =	vadd.f32 v9, v0;
	v17 =	vld [tilespmem:s13+$0x8400];
	[tilespmem:s13+$0x14440] =	vst v11;
	v2 =	vadd.f32 v10, v2;
	v9 =	vmul.f32 v15, v15  }
0x71: {  	v3 =	vadd.f32 v12, v3;
	v4 =	vadd.f32 v13, v4;
	v20 =	vld [tilespmem:s13+$0xC400];
	[tilespmem:s13+$0x10450] =	vst v8  }
.Ltmp1:
0x72: {  	v0 =	vadd.f32 v16, v0;
	v7 =	vld [tilespmem:s13+$0x8410];
	[tilespmem:s13+$0x14450] =	vst v14;
	v2 =	vadd.f32 v9, v2;
	(pc) =	sbr.rel @p0 .LBB2_4-.Ltmp1, $4  }
0x73: {  	v9 =	vld [tilespmem:s13+$0xC410];
	[tilespmem:s13+$0x10460] =	vst v1  }
0x74: {  	v16 =	vld [tilespmem:s13+$0x8420];
	[tilespmem:s13+$0x14460] =	vst v6  }
0x75: {  	[tilespmem:s13+$0x10400] =	vst v17;
	v10 =	vld [tilespmem:s13+$0xC420]  }
0x76: {  	s14 =	sadd.s32 $0x200, s14;
	[tilespmem:s13+$0x14400] =	vst v20;
	v12 =	vld [tilespmem:s13+$0x8430]  }
0x77: {  	[tilespmem:s13+$0x10410] =	vst v7;
	v13 =	vld [tilespmem:s13+$0xC430]  }
0x78: {  	v15 =	vld [tilespmem:s13+$0x8470];
	[tilespmem:s13+$0x14410] =	vst v9  }
0x79: {  	v18 =	vld [tilespmem:s13+$0xC470];
	[tilespmem:s13+$0x10420] =	vst v16  }
0x7a: {  	[tilespmem:s13+$0x14420] =	vst v10  }
0x7b: {  	[tilespmem:s13+$0x10430] =	vst v12  }
0x7c: {  	v5 =	vsub.f32 v5, v11;
	[tilespmem:s13+$0x14430] =	vst v13  }
0x7d: {  	v8 =	vsub.f32 v8, v14;
	[tilespmem:s13+$0x10470] =	vst v15  }
0x7e: {  	v55 =	vsub.f32 v17, v20;
	s16 =	rddreg [dreg:$0x7];
	v56 =	vsub.f32 v7, v9;
	v5 =	vmul.f32 v5, v5;
	[tilespmem:s13+$0x14470] =	vst v18  }
0x7f: {  	v8 =	vmul.f32 v8, v8;
	v57 =	vsub.f32 v16, v10;
	v58 =	vsub.f32 v12, v13;
	[hbm4b:s16+s4] =	stream.linear.scatter [tilespmem:s1], [sflag:$0x4], $0x2000, $0x38;
	[tilespmem:$0x16410] =	vst v63  }
0x80: {  	s30 =	rddreg [dreg:$0x8];
	v1 =	vsub.f32 v1, v6;
	v11 =	vmul.f32 v55, v55;
	v7 =	vmul.f32 v56, v56  }
0x81: {  	v59 =	vmul.f32 v57, v57;
	v61 =	vsub.f32 v15, v18;
	v60 =	vmul.f32 v58, v58;
	[hbm4b:s30+s4] =	stream.linear.scatter [tilespmem:s0], [sflag:$0x4], $0x2000, $0x38;
	[tilespmem:$0x16410] =	vst v63  }
0x82: {  	v1 =	vmul.f32 v1, v1;
	v3 =	vadd.f32 v11, v3;
	v4 =	vadd.f32 v7, v4  }
0x83: {  	v0 =	vadd.f32 v59, v0;
	v63 =	vmul.f32 v61, v61;
	v62 =	vadd.f32 v60, v2;
	[tilespmem:s24], [sflag:$0x2] =	stream.indirect.gather [hbm4b:s5+s21], $0x40, s8, s21, $0xb8;
	[tilespmem:$0x16410] =	vst v63  }
0x84: {  	s13 =	simm.s32 $0x1;
	v2 =	vadd.f32 v5, v3;
	v3 =	vadd.f32 v8, v4  }
0x85: {  	v1 =	vadd.f32 v1, v0;
	v0 =	vadd.f32 v63, v62;
	[tilespmem:s25], [sflag:$0x2] =	stream.indirect.gather [hbm4b:s6+s21], $0x40, s8, s21, $0xb8;
	[tilespmem:$0x16410] =	vst v63  }
.LBB2_6:
0x86: {  	_ =	swait.ge [sflag:s26], $0x2000  }
0x87: {  	[sflag:s26] =	ssyncset.done $0x0  }
0x88: {  	[sflag:s26] =	ssyncadd.s32 $0xFFFFE000  }
0x89: {  	_ =	swait.ge [sflag:s26], $0x2000  }
0x8a: {  	[sflag:s26] =	ssyncset.done $0x0  }
0x8b: {  	[sflag:s26] =	ssyncadd.s32 $0xFFFFE000  }
0x8c: {  	_ =	swait.ge [sflag:s9], $0x2000  }
0x8d: {  	[sflag:s9] =	ssyncset.done $0x0  }
0x8e: {  	[sflag:s9] =	ssyncadd.s32 $0xFFFFE000  }
0x8f: {  	_ =	swait.ge [sflag:s9], $0x2000  }
0x90: {  	[sflag:s9] =	ssyncset.done $0x0  }
0x91: {  	s14 =	simm.s32 $0x0;
	[sflag:s9] =	ssyncadd.s32 $0xFFFFE000  }
0x92: {  	v5 =	vld [tilespmem:s14+$0x6440]  }
0x93: {  	v9 =	vld [tilespmem:s14+$0xA440]  }
0x94: {  	v7 =	vld [tilespmem:s14+$0x6450]  }
0x95: {  	v10 =	vld [tilespmem:s14+$0xA450]  }
0x96: {  	v4 =	vld [tilespmem:s14+$0x6460]  }
0x97: {  	v8 =	vld [tilespmem:s14+$0xA460];
	[tilespmem:s14+$0xE440] =	vst v5  }
0x98: {  	v16 =	vld [tilespmem:s14+$0x6400];
	[tilespmem:s14+$0x12440] =	vst v9  }
0x99: {  	v17 =	vld [tilespmem:s14+$0xA400];
	[tilespmem:s14+$0xE450] =	vst v7  }
0x9a: {  	v18 =	vld [tilespmem:s14+$0x6410];
	[tilespmem:s14+$0x12450] =	vst v10  }
0x9b: {  	v20 =	vld [tilespmem:s14+$0xA410];
	[tilespmem:s14+$0xE460] =	vst v4  }
0x9c: {  	v21 =	vld [tilespmem:s14+$0x6420];
	[tilespmem:s14+$0x12460] =	vst v8  }
0x9d: {  	v24 =	vld [tilespmem:s14+$0xA420];
	[tilespmem:s14+$0xE400] =	vst v16  }
0x9e: {  	s30 =	simm.s32 $0x200;
	v23 =	vld [tilespmem:s14+$0x6430];
	[tilespmem:s14+$0x12400] =	vst v17  }
.LBB2_7:
0x9f: {  	p0 =	sne.s32 s30, $0x7E00;
	[tilespmem:s14+$0xE410] =	vst v18;
	v6 =	vld [tilespmem:s14+$0xA430]  }
0xa0: {  	[tilespmem:s14+$0x12410] =	vst v20;
	v11 =	vld [tilespmem:s14+$0x6470]  }
0xa1: {  	s15 =	sshra.s32 s30, $0x2;
	v12 =	vsub.f32 v5, v9;
	[tilespmem:s14+$0xE420] =	vst v21;
	v13 =	vld [tilespmem:s14+$0xA470]  }
0xa2: {  	v14 =	vsub.f32 v16, v17;
	v10 =	vsub.f32 v7, v10;
	v5 =	vld [tilespmem:s15+$0x6440];
	[tilespmem:s14+$0x12420] =	vst v24  }
0xa3: {  	v15 =	vsub.f32 v18, v20;
	v16 =	vsub.f32 v21, v24;
	v9 =	vld [tilespmem:s15+$0xA440];
	[tilespmem:s14+$0xE430] =	vst v23  }
0xa4: {  	v12 =	vmul.f32 v12, v12;
	v18 =	vmul.f32 v10, v10;
	v7 =	vld [tilespmem:s15+$0x6450];
	[tilespmem:s14+$0x12430] =	vst v6;
	v6 =	vsub.f32 v23, v6  }
0xa5: {  	v17 =	vsub.f32 v4, v8;
	v14 =	vmul.f32 v14, v14;
	v15 =	vmul.f32 v15, v15;
	v10 =	vld [tilespmem:s15+$0xA450];
	[tilespmem:s14+$0xE470] =	vst v11  }
0xa6: {  	v19 =	vmul.f32 v16, v16;
	v4 =	vld [tilespmem:s15+$0x6460];
	v6 =	vmul.f32 v6, v6;
	[tilespmem:s14+$0x12470] =	vst v13;
	v11 =	vsub.f32 v11, v13;
	s14 =	smov.u32 s15  }
0xa7: {  	v2 =	vadd.f32 v14, v2;
	v3 =	vadd.f32 v15, v3;
	v13 =	vmul.f32 v17, v17;
	[tilespmem:s14+$0xE440] =	vst v5;
	v8 =	vld [tilespmem:s14+$0xA460]  }
0xa8: {  	v1 =	vadd.f32 v19, v1;
	v16 =	vld [tilespmem:s14+$0x6400];
	[tilespmem:s14+$0x12440] =	vst v9;
	v0 =	vadd.f32 v6, v0;
	v6 =	vmul.f32 v11, v11  }
0xa9: {  	v2 =	vadd.f32 v12, v2;
	v3 =	vadd.f32 v18, v3;
	v17 =	vld [tilespmem:s14+$0xA400];
	[tilespmem:s14+$0xE450] =	vst v7  }
.Ltmp2:
0xaa: {  	v1 =	vadd.f32 v13, v1;
	v18 =	vld [tilespmem:s14+$0x6410];
	[tilespmem:s14+$0x12450] =	vst v10;
	v0 =	vadd.f32 v6, v0;
	(pc) =	sbr.rel @p0 .LBB2_7-.Ltmp2, $4  }
0xab: {  	v20 =	vld [tilespmem:s14+$0xA410];
	[tilespmem:s14+$0xE460] =	vst v4  }
0xac: {  	v21 =	vld [tilespmem:s14+$0x6420];
	[tilespmem:s14+$0x12460] =	vst v8  }
0xad: {  	[tilespmem:s14+$0xE400] =	vst v16;
	v24 =	vld [tilespmem:s14+$0xA420]  }
0xae: {  	s30 =	sadd.s32 $0x200, s30;
	[tilespmem:s14+$0x12400] =	vst v17;
	v23 =	vld [tilespmem:s14+$0x6430]  }
0xaf: {  	[tilespmem:s14+$0xE410] =	vst v18;
	v25 =	vld [tilespmem:s14+$0xA430]  }
0xb0: {  	v26 =	vld [tilespmem:s14+$0x6470];
	[tilespmem:s14+$0x12410] =	vst v20  }
0xb1: {  	v27 =	vld [tilespmem:s14+$0xA470];
	[tilespmem:s14+$0xE420] =	vst v21  }
0xb2: {  	[tilespmem:s14+$0x12420] =	vst v24  }
0xb3: {  	s15 =	sshll.u32 s13, $0xE;
	[tilespmem:s14+$0xE430] =	vst v23  }
0xb4: {  	s15 =	sadd.s32 s7, s15;
	[tilespmem:s14+$0x12430] =	vst v25  }
0xb5: {  	s15 =	sshrl.u32 s15, $0x3;
	[tilespmem:s14+$0xE470] =	vst v26  }
0xb6: {  	s30 =	simm.s32 $0x0;
	s16 =	sadd.s32 s2, s15;
	[tilespmem:s14+$0x12470] =	vst v27  }
0xb7: {  	[hbm4b:s16+s30] =	stream.linear.scatter [tilespmem:s28], [sflag:$0x3], $0x2000, $0x38;
	[tilespmem:$0x16410] =	vst v63  }
0xb8: {  	s15 =	sadd.s32 s3, s15;
	s16 =	sshll.u32 s13, $0x8  }
0xb9: {  	[hbm4b:s15+s30] =	stream.linear.scatter [tilespmem:s29], [sflag:$0x3], $0x2000, $0x38;
	[tilespmem:$0x16410] =	vst v63  }
0xba: {  	s30 =	sand.u32 $0x3FFFFF00, s16  }
0xbb: {  	s14 =	sadd.s32 $0x100, s30  }
0xbc: {  	[tilespmem:s22], [sflag:$0x1] =	stream.indirect.gather [hbm4b:s5+s21], $0x40, s14, s21, $0xb8;
	[tilespmem:$0x16410] =	vst v63  }
0xbd: {  	_ = 	snop  }
0xbe: {  	[tilespmem:s23], [sflag:$0x1] =	stream.indirect.gather [hbm4b:s6+s21], $0x40, s14, s21, $0xb8;
	[tilespmem:$0x16410] =	vst v63  }
0xbf: {  	_ =	swait.ge [sflag:s31], $0x2000  }
0xc0: {  	[sflag:s31] =	ssyncset.done $0x0  }
0xc1: {  	[sflag:s31] =	ssyncadd.s32 $0xFFFFE000  }
0xc2: {  	_ =	swait.ge [sflag:s31], $0x2000  }
0xc3: {  	[sflag:s31] =	ssyncset.done $0x0  }
0xc4: {  	[sflag:s31] =	ssyncadd.s32 $0xFFFFE000  }
0xc5: {  	_ =	swait.ge [sflag:s11], $0x2000  }
0xc6: {  	[sflag:s11] =	ssyncset.done $0x0  }
0xc7: {  	[sflag:s11] =	ssyncadd.s32 $0xFFFFE000  }
0xc8: {  	_ =	swait.ge [sflag:s11], $0x2000  }
0xc9: {  	[sflag:s11] =	ssyncset.done $0x0  }
0xca: {  	s14 =	simm.s32 $0x0;
	[sflag:s11] =	ssyncadd.s32 $0xFFFFE000  }
0xcb: {  	v11 =	vld [tilespmem:s14+$0x8440]  }
0xcc: {  	v14 =	vld [tilespmem:s14+$0xC440]  }
0xcd: {  	v13 =	vld [tilespmem:s14+$0x8450]  }
0xce: {  	v16 =	vsub.f32 v16, v17;
	v15 =	vld [tilespmem:s14+$0xC450]  }
0xcf: {  	v9 =	vsub.f32 v5, v9;
	v10 =	vsub.f32 v7, v10;
	v6 =	vld [tilespmem:s14+$0x8460]  }
0xd0: {  	v8 =	vsub.f32 v4, v8;
	v17 =	vsub.f32 v18, v20;
	v16 =	vmul.f32 v16, v16;
	v12 =	vld [tilespmem:s14+$0xC460];
	[tilespmem:s14+$0x10440] =	vst v11  }
0xd1: {  	v18 =	vsub.f32 v21, v24;
	v20 =	vsub.f32 v23, v25;
	v19 =	vld [tilespmem:s14+$0x8400];
	[tilespmem:s14+$0x14440] =	vst v14  }
0xd2: {  	v9 =	vmul.f32 v9, v9;
	v17 =	vmul.f32 v17, v17;
	v2 =	vadd.f32 v16, v2;
	v22 =	vld [tilespmem:s14+$0xC400];
	[tilespmem:s14+$0x10450] =	vst v13  }
0xd3: {  	v18 =	vmul.f32 v18, v18;
	v21 =	vsub.f32 v26, v27;
	v16 =	vmul.f32 v20, v20;
	v5 =	vld [tilespmem:s14+$0x8410];
	[tilespmem:s14+$0x14450] =	vst v15  }
0xd4: {  	v10 =	vmul.f32 v10, v10;
	v3 =	vadd.f32 v17, v3;
	v17 =	vmul.f32 v8, v8;
	v7 =	vld [tilespmem:s14+$0xC410];
	[tilespmem:s14+$0x10460] =	vst v6  }
0xd5: {  	v1 =	vadd.f32 v18, v1;
	v18 =	vmul.f32 v21, v21;
	v16 =	vadd.f32 v16, v0;
	v4 =	vld [tilespmem:s14+$0x8420];
	[tilespmem:s14+$0x14460] =	vst v12  }
0xd6: {  	v2 =	vadd.f32 v9, v2;
	v3 =	vadd.f32 v10, v3;
	v8 =	vld [tilespmem:s14+$0xC420];
	[tilespmem:s14+$0x10400] =	vst v19  }
0xd7: {  	s15 =	simm.s32 $0x200;
	v0 =	vadd.f32 v17, v1;
	v1 =	vadd.f32 v18, v16;
	v9 =	vld [tilespmem:s14+$0x8430];
	[tilespmem:s14+$0x14400] =	vst v22  }
.LBB2_9:
0xd8: {  	p0 =	sne.s32 s15, $0x7E00;
	[tilespmem:s14+$0x10410] =	vst v5;
	v10 =	vld [tilespmem:s14+$0xC430]  }
0xd9: {  	[tilespmem:s14+$0x14410] =	vst v7;
	v16 =	vld [tilespmem:s14+$0x8470]  }
0xda: {  	s16 =	sshra.s32 s15, $0x2;
	v17 =	vsub.f32 v11, v14;
	[tilespmem:s14+$0x10420] =	vst v4;
	v18 =	vld [tilespmem:s14+$0xC470]  }
0xdb: {  	v19 =	vsub.f32 v19, v22;
	v15 =	vsub.f32 v13, v15;
	v11 =	vld [tilespmem:s16+$0x8440];
	[tilespmem:s14+$0x14420] =	vst v8  }
0xdc: {  	v5 =	vsub.f32 v5, v7;
	v4 =	vsub.f32 v4, v8;
	v14 =	vld [tilespmem:s16+$0xC440];
	[tilespmem:s14+$0x10430] =	vst v9  }
0xdd: {  	v8 =	vmul.f32 v17, v17;
	v13 =	vld [tilespmem:s16+$0x8450];
	[tilespmem:s14+$0x14430] =	vst v10;
	v7 =	vsub.f32 v9, v10;
	v9 =	vmul.f32 v15, v15  }
0xde: {  	v5 =	vmul.f32 v5, v5;
	v17 =	vsub.f32 v6, v12;
	v10 =	vmul.f32 v19, v19;
	v15 =	vld [tilespmem:s16+$0xC450];
	[tilespmem:s14+$0x10470] =	vst v16  }
0xdf: {  	v4 =	vmul.f32 v4, v4;
	v6 =	vld [tilespmem:s16+$0x8460];
	v7 =	vmul.f32 v7, v7;
	[tilespmem:s14+$0x14470] =	vst v18;
	v16 =	vsub.f32 v16, v18;
	s14 =	smov.u32 s16  }
0xe0: {  	v3 =	vadd.f32 v5, v3;
	v2 =	vadd.f32 v10, v2;
	v10 =	vmul.f32 v17, v17;
	[tilespmem:s14+$0x10440] =	vst v11;
	v12 =	vld [tilespmem:s14+$0xC460]  }
0xe1: {  	v0 =	vadd.f32 v4, v0;
	v19 =	vld [tilespmem:s14+$0x8400];
	[tilespmem:s14+$0x14440] =	vst v14;
	v1 =	vadd.f32 v7, v1;
	v4 =	vmul.f32 v16, v16  }
0xe2: {  	v3 =	vadd.f32 v9, v3;
	v2 =	vadd.f32 v8, v2;
	v22 =	vld [tilespmem:s14+$0xC400];
	[tilespmem:s14+$0x10450] =	vst v13  }
.Ltmp3:
0xe3: {  	v0 =	vadd.f32 v10, v0;
	v5 =	vld [tilespmem:s14+$0x8410];
	[tilespmem:s14+$0x14450] =	vst v15;
	v1 =	vadd.f32 v4, v1;
	(pc) =	sbr.rel @p0 .LBB2_9-.Ltmp3, $4  }
0xe4: {  	v7 =	vld [tilespmem:s14+$0xC410];
	[tilespmem:s14+$0x10460] =	vst v6  }
0xe5: {  	v4 =	vld [tilespmem:s14+$0x8420];
	[tilespmem:s14+$0x14460] =	vst v12  }
0xe6: {  	[tilespmem:s14+$0x10400] =	vst v19;
	v8 =	vld [tilespmem:s14+$0xC420]  }
0xe7: {  	s15 =	sadd.s32 $0x200, s15;
	[tilespmem:s14+$0x14400] =	vst v22;
	v9 =	vld [tilespmem:s14+$0x8430]  }
0xe8: {  	[tilespmem:s14+$0x10410] =	vst v5;
	v10 =	vld [tilespmem:s14+$0xC430]  }
0xe9: {  	v16 =	vld [tilespmem:s14+$0x8470];
	[tilespmem:s14+$0x14410] =	vst v7  }
0xea: {  	v17 =	vld [tilespmem:s14+$0xC470];
	[tilespmem:s14+$0x10420] =	vst v4  }
0xeb: {  	[tilespmem:s14+$0x14420] =	vst v8  }
0xec: {  	[tilespmem:s14+$0x10430] =	vst v9  }
0xed: {  	s15 =	sshll.u32 s13, $0xB;
	[tilespmem:s14+$0x14430] =	vst v10  }
0xee: {  	v11 =	vsub.f32 v11, v14;
	s15 =	sadd.s32 s10, s15;
	[tilespmem:s14+$0x10470] =	vst v16  }
0xef: {  	v13 =	vsub.f32 v13, v15;
	s13 =	sadd.s32 $0x1, s13;
	s16 =	sadd.s32 s2, s15;
	[tilespmem:s14+$0x14470] =	vst v17  }
0xf0: {  	v57 =	vsub.f32 v19, v22;
	v5 =	vsub.f32 v5, v7;
	v59 =	vmul.f32 v11, v11;
	[hbm4b:s16+s4] =	stream.linear.scatter [tilespmem:s1], [sflag:$0x4], $0x2000, $0x38;
	[tilespmem:$0x16410] =	vst v63  }
0xf1: {  	p0 =	sne.s32 s13, $0x63;
	v60 =	vmul.f32 v13, v13;
	v4 =	vsub.f32 v4, v8;
	v58 =	vsub.f32 v9, v10;
	s16 =	sadd.s32 s3, s15  }
0xf2: {  	v6 =	vsub.f32 v6, v12;
	v61 =	vmul.f32 v57, v57;
	v5 =	vmul.f32 v5, v5;
	[hbm4b:s16+s4] =	stream.linear.scatter [tilespmem:s0], [sflag:$0x4], $0x2000, $0x38;
	[tilespmem:$0x16410] =	vst v63  }
.Ltmp4:
0xf3: {  	v4 =	vmul.f32 v4, v4;
	v62 =	vsub.f32 v16, v17;
	v7 =	vmul.f32 v58, v58;
	(pc) =	sbr.rel @p0 .LBB2_6-.Ltmp4, $4  }
0xf4: {  	s30 =	sadd.s32 $0x180, s30;
	v2 =	vadd.f32 v61, v2;
	v3 =	vadd.f32 v5, v3;
	v5 =	vmul.f32 v6, v6  }
0xf5: {  	v0 =	vadd.f32 v4, v0;
	v63 =	vmul.f32 v62, v62;
	v4 =	vadd.f32 v7, v1;
	[tilespmem:s24], [sflag:$0x2] =	stream.indirect.gather [hbm4b:s5+s21], $0x40, s30, s21, $0xb8;
	[tilespmem:$0x16410] =	vst v63  }
0xf6: {  	v2 =	vadd.f32 v59, v2;
	v3 =	vadd.f32 v60, v3  }
0xf7: {  	v1 =	vadd.f32 v5, v0;
	v0 =	vadd.f32 v63, v4;
	[tilespmem:s25], [sflag:$0x2] =	stream.indirect.gather [hbm4b:s6+s21], $0x40, s30, s21, $0xb8;
	[tilespmem:$0x16410] =	vst v63  }
0xf8: {  	_ =	swait.ge [sflag:s26], $0x2000  }
0xf9: {  	[sflag:s26] =	ssyncset.done $0x0  }
0xfa: {  	[sflag:s26] =	ssyncadd.s32 $0xFFFFE000  }
0xfb: {  	_ =	swait.ge [sflag:s26], $0x2000  }
0xfc: {  	[sflag:s26] =	ssyncset.done $0x0  }
0xfd: {  	[sflag:s26] =	ssyncadd.s32 $0xFFFFE000  }
0xfe: {  	_ =	swait.ge [sflag:s9], $0x2000  }
0xff: {  	[sflag:s9] =	ssyncset.done $0x0  }
0x100: {  	[sflag:s9] =	ssyncadd.s32 $0xFFFFE000  }
0x101: {  	_ =	swait.ge [sflag:s9], $0x2000  }
0x102: {  	[sflag:s9] =	ssyncset.done $0x0  }
0x103: {  	s13 =	simm.s32 $0x0;
	[sflag:s9] =	ssyncadd.s32 $0xFFFFE000  }
0x104: {  	v6 =	vld [tilespmem:s13+$0x6440]  }
0x105: {  	v11 =	vld [tilespmem:s13+$0xA440]  }
0x106: {  	v7 =	vld [tilespmem:s13+$0x6450]  }
0x107: {  	v13 =	vld [tilespmem:s13+$0xA450]  }
0x108: {  	v4 =	vld [tilespmem:s13+$0x6460]  }
0x109: {  	v8 =	vld [tilespmem:s13+$0xA460];
	[tilespmem:s13+$0xE440] =	vst v6  }
0x10a: {  	v16 =	vld [tilespmem:s13+$0x6400];
	[tilespmem:s13+$0x12440] =	vst v11  }
0x10b: {  	v18 =	vld [tilespmem:s13+$0xA400];
	[tilespmem:s13+$0xE450] =	vst v7  }
0x10c: {  	v19 =	vld [tilespmem:s13+$0x6410];
	[tilespmem:s13+$0x12450] =	vst v13  }
0x10d: {  	v21 =	vld [tilespmem:s13+$0xA410];
	[tilespmem:s13+$0xE460] =	vst v4  }
0x10e: {  	v22 =	vld [tilespmem:s13+$0x6420];
	[tilespmem:s13+$0x12460] =	vst v8  }
0x10f: {  	v24 =	vld [tilespmem:s13+$0xA420];
	[tilespmem:s13+$0xE400] =	vst v16  }
0x110: {  	s14 =	simm.s32 $0x200;
	v23 =	vld [tilespmem:s13+$0x6430];
	[tilespmem:s13+$0x12400] =	vst v18  }
.LBB2_12:
0x111: {  	p0 =	sne.s32 s14, $0x7E00;
	[tilespmem:s13+$0xE410] =	vst v19;
	v5 =	vld [tilespmem:s13+$0xA430]  }
0x112: {  	[tilespmem:s13+$0x12410] =	vst v21;
	v9 =	vld [tilespmem:s13+$0x6470]  }
0x113: {  	s15 =	sshra.s32 s14, $0x2;
	v10 =	vsub.f32 v6, v11;
	[tilespmem:s13+$0xE420] =	vst v22;
	v12 =	vld [tilespmem:s13+$0xA470]  }
0x114: {  	v14 =	vsub.f32 v16, v18;
	v13 =	vsub.f32 v7, v13;
	v6 =	vld [tilespmem:s15+$0x6440];
	[tilespmem:s13+$0x12420] =	vst v24  }
0x115: {  	v15 =	vsub.f32 v19, v21;
	v16 =	vsub.f32 v22, v24;
	v11 =	vld [tilespmem:s15+$0xA440];
	[tilespmem:s13+$0xE430] =	vst v23  }
0x116: {  	v10 =	vmul.f32 v10, v10;
	v17 =	vmul.f32 v13, v13;
	v7 =	vld [tilespmem:s15+$0x6450];
	[tilespmem:s13+$0x12430] =	vst v5;
	v5 =	vsub.f32 v23, v5  }
0x117: {  	v18 =	vsub.f32 v4, v8;
	v14 =	vmul.f32 v14, v14;
	v15 =	vmul.f32 v15, v15;
	v13 =	vld [tilespmem:s15+$0xA450];
	[tilespmem:s13+$0xE470] =	vst v9  }
0x118: {  	v19 =	vmul.f32 v16, v16;
	v4 =	vld [tilespmem:s15+$0x6460];
	v5 =	vmul.f32 v5, v5;
	[tilespmem:s13+$0x12470] =	vst v12;
	v9 =	vsub.f32 v9, v12;
	s13 =	smov.u32 s15  }
0x119: {  	v2 =	vadd.f32 v14, v2;
	v3 =	vadd.f32 v15, v3;
	v12 =	vmul.f32 v18, v18;
	[tilespmem:s13+$0xE440] =	vst v6;
	v8 =	vld [tilespmem:s13+$0xA460]  }
0x11a: {  	v1 =	vadd.f32 v19, v1;
	v16 =	vld [tilespmem:s13+$0x6400];
	[tilespmem:s13+$0x12440] =	vst v11;
	v0 =	vadd.f32 v5, v0;
	v5 =	vmul.f32 v9, v9  }
0x11b: {  	v2 =	vadd.f32 v10, v2;
	v3 =	vadd.f32 v17, v3;
	v18 =	vld [tilespmem:s13+$0xA400];
	[tilespmem:s13+$0xE450] =	vst v7  }
.Ltmp5:
0x11c: {  	v1 =	vadd.f32 v12, v1;
	v19 =	vld [tilespmem:s13+$0x6410];
	[tilespmem:s13+$0x12450] =	vst v13;
	v0 =	vadd.f32 v5, v0;
	(pc) =	sbr.rel @p0 .LBB2_12-.Ltmp5, $4  }
0x11d: {  	v21 =	vld [tilespmem:s13+$0xA410];
	[tilespmem:s13+$0xE460] =	vst v4  }
0x11e: {  	v22 =	vld [tilespmem:s13+$0x6420];
	[tilespmem:s13+$0x12460] =	vst v8  }
0x11f: {  	[tilespmem:s13+$0xE400] =	vst v16;
	v24 =	vld [tilespmem:s13+$0xA420]  }
0x120: {  	s14 =	sadd.s32 $0x200, s14;
	[tilespmem:s13+$0x12400] =	vst v18;
	v23 =	vld [tilespmem:s13+$0x6430]  }
0x121: {  	[tilespmem:s13+$0xE410] =	vst v19;
	v25 =	vld [tilespmem:s13+$0xA430]  }
0x122: {  	v26 =	vld [tilespmem:s13+$0x6470];
	[tilespmem:s13+$0x12410] =	vst v21  }
0x123: {  	v27 =	vld [tilespmem:s13+$0xA470];
	[tilespmem:s13+$0xE420] =	vst v22  }
0x124: {  	[tilespmem:s13+$0x12420] =	vst v24  }
0x125: {  	[tilespmem:s13+$0xE430] =	vst v23  }
0x126: {  	[tilespmem:s13+$0x12430] =	vst v25  }
0x127: {  	[tilespmem:s13+$0xE470] =	vst v26  }
0x128: {  	s16 =	simm.s32 $0x0;
	s14 =	rddreg [dreg:$0x9];
	[tilespmem:s13+$0x12470] =	vst v27  }
0x129: {  	[hbm4b:s14+s16] =	stream.linear.scatter [tilespmem:s28], [sflag:$0x3], $0x2000, $0x38;
	[tilespmem:$0x16410] =	vst v63  }
0x12a: {  	s30 =	rddreg [dreg:$0xa]  }
0x12b: {  	[hbm4b:s30+s16] =	stream.linear.scatter [tilespmem:s29], [sflag:$0x3], $0x2000, $0x38;
	[tilespmem:$0x16410] =	vst v63  }
0x12c: {  	_ =	swait.ge [sflag:s31], $0x2000  }
0x12d: {  	[sflag:s31] =	ssyncset.done $0x0  }
0x12e: {  	[sflag:s31] =	ssyncadd.s32 $0xFFFFE000  }
0x12f: {  	_ =	swait.ge [sflag:s31], $0x2000  }
0x130: {  	[sflag:s31] =	ssyncset.done $0x0  }
0x131: {  	[sflag:s31] =	ssyncadd.s32 $0xFFFFE000  }
0x132: {  	_ =	swait.ge [sflag:s11], $0x2000  }
0x133: {  	[sflag:s11] =	ssyncset.done $0x0  }
0x134: {  	[sflag:s11] =	ssyncadd.s32 $0xFFFFE000  }
0x135: {  	_ =	swait.ge [sflag:s11], $0x2000  }
0x136: {  	[sflag:s11] =	ssyncset.done $0x0  }
0x137: {  	s13 =	simm.s32 $0x0;
	[sflag:s11] =	ssyncadd.s32 $0xFFFFE000  }
0x138: {  	v9 =	vld [tilespmem:s13+$0x8440]  }
0x139: {  	v14 =	vld [tilespmem:s13+$0xC440]  }
0x13a: {  	v12 =	vld [tilespmem:s13+$0x8450]  }
0x13b: {  	v16 =	vsub.f32 v16, v18;
	v15 =	vld [tilespmem:s13+$0xC450]  }
0x13c: {  	v11 =	vsub.f32 v6, v11;
	v13 =	vsub.f32 v7, v13;
	v5 =	vld [tilespmem:s13+$0x8460]  }
0x13d: {  	v8 =	vsub.f32 v4, v8;
	v18 =	vsub.f32 v19, v21;
	v16 =	vmul.f32 v16, v16;
	v10 =	vld [tilespmem:s13+$0xC460];
	[tilespmem:s13+$0x10440] =	vst v9  }
0x13e: {  	v19 =	vsub.f32 v22, v24;
	v21 =	vsub.f32 v23, v25;
	v17 =	vld [tilespmem:s13+$0x8400];
	[tilespmem:s13+$0x14440] =	vst v14  }
0x13f: {  	v11 =	vmul.f32 v11, v11;
	v18 =	vmul.f32 v18, v18;
	v2 =	vadd.f32 v16, v2;
	v20 =	vld [tilespmem:s13+$0xC400];
	[tilespmem:s13+$0x10450] =	vst v12  }
0x140: {  	v19 =	vmul.f32 v19, v19;
	v22 =	vsub.f32 v26, v27;
	v16 =	vmul.f32 v21, v21;
	v6 =	vld [tilespmem:s13+$0x8410];
	[tilespmem:s13+$0x14450] =	vst v15  }
0x141: {  	v13 =	vmul.f32 v13, v13;
	v3 =	vadd.f32 v18, v3;
	v18 =	vmul.f32 v8, v8;
	v7 =	vld [tilespmem:s13+$0xC410];
	[tilespmem:s13+$0x10460] =	vst v5  }
0x142: {  	v1 =	vadd.f32 v19, v1;
	v19 =	vmul.f32 v22, v22;
	v16 =	vadd.f32 v16, v0;
	v4 =	vld [tilespmem:s13+$0x8420];
	[tilespmem:s13+$0x14460] =	vst v10  }
0x143: {  	v2 =	vadd.f32 v11, v2;
	v3 =	vadd.f32 v13, v3;
	v8 =	vld [tilespmem:s13+$0xC420];
	[tilespmem:s13+$0x10400] =	vst v17  }
0x144: {  	s14 =	simm.s32 $0x200;
	v0 =	vadd.f32 v18, v1;
	v1 =	vadd.f32 v19, v16;
	v11 =	vld [tilespmem:s13+$0x8430];
	[tilespmem:s13+$0x14400] =	vst v20  }
.LBB2_14:
0x145: {  	p0 =	sne.s32 s14, $0x7E00;
	[tilespmem:s13+$0x10410] =	vst v6;
	v13 =	vld [tilespmem:s13+$0xC430]  }
0x146: {  	[tilespmem:s13+$0x14410] =	vst v7;
	v16 =	vld [tilespmem:s13+$0x8470]  }
0x147: {  	s15 =	sshra.s32 s14, $0x2;
	v18 =	vsub.f32 v9, v14;
	[tilespmem:s13+$0x10420] =	vst v4;
	v19 =	vld [tilespmem:s13+$0xC470]  }
0x148: {  	v17 =	vsub.f32 v17, v20;
	v15 =	vsub.f32 v12, v15;
	v9 =	vld [tilespmem:s15+$0x8440];
	[tilespmem:s13+$0x14420] =	vst v8  }
0x149: {  	v6 =	vsub.f32 v6, v7;
	v4 =	vsub.f32 v4, v8;
	v14 =	vld [tilespmem:s15+$0xC440];
	[tilespmem:s13+$0x10430] =	vst v11  }
0x14a: {  	v8 =	vmul.f32 v18, v18;
	v12 =	vld [tilespmem:s15+$0x8450];
	[tilespmem:s13+$0x14430] =	vst v13;
	v7 =	vsub.f32 v11, v13;
	v11 =	vmul.f32 v15, v15  }
0x14b: {  	v6 =	vmul.f32 v6, v6;
	v13 =	vmul.f32 v17, v17;
	v17 =	vsub.f32 v5, v10;
	v15 =	vld [tilespmem:s15+$0xC450];
	[tilespmem:s13+$0x10470] =	vst v16  }
0x14c: {  	v4 =	vmul.f32 v4, v4;
	v5 =	vld [tilespmem:s15+$0x8460];
	v7 =	vmul.f32 v7, v7;
	[tilespmem:s13+$0x14470] =	vst v19;
	v16 =	vsub.f32 v16, v19;
	s13 =	smov.u32 s15  }
0x14d: {  	v3 =	vadd.f32 v6, v3;
	v2 =	vadd.f32 v13, v2;
	v13 =	vmul.f32 v17, v17;
	[tilespmem:s13+$0x10440] =	vst v9;
	v10 =	vld [tilespmem:s13+$0xC460]  }
0x14e: {  	v0 =	vadd.f32 v4, v0;
	v17 =	vld [tilespmem:s13+$0x8400];
	[tilespmem:s13+$0x14440] =	vst v14;
	v1 =	vadd.f32 v7, v1;
	v4 =	vmul.f32 v16, v16  }
0x14f: {  	v3 =	vadd.f32 v11, v3;
	v2 =	vadd.f32 v8, v2;
	v20 =	vld [tilespmem:s13+$0xC400];
	[tilespmem:s13+$0x10450] =	vst v12  }
.Ltmp6:
0x150: {  	v0 =	vadd.f32 v13, v0;
	v6 =	vld [tilespmem:s13+$0x8410];
	[tilespmem:s13+$0x14450] =	vst v15;
	v1 =	vadd.f32 v4, v1;
	(pc) =	sbr.rel @p0 .LBB2_14-.Ltmp6, $4  }
0x151: {  	v7 =	vld [tilespmem:s13+$0xC410];
	[tilespmem:s13+$0x10460] =	vst v5  }
0x152: {  	v4 =	vld [tilespmem:s13+$0x8420];
	[tilespmem:s13+$0x14460] =	vst v10  }
0x153: {  	[tilespmem:s13+$0x10400] =	vst v17;
	v8 =	vld [tilespmem:s13+$0xC420]  }
0x154: {  	s14 =	sadd.s32 $0x200, s14;
	[tilespmem:s13+$0x14400] =	vst v20;
	v11 =	vld [tilespmem:s13+$0x8430]  }
0x155: {  	[tilespmem:s13+$0x10410] =	vst v6;
	v13 =	vld [tilespmem:s13+$0xC430]  }
0x156: {  	v16 =	vld [tilespmem:s13+$0x8470];
	[tilespmem:s13+$0x14410] =	vst v7  }
0x157: {  	v18 =	vld [tilespmem:s13+$0xC470];
	[tilespmem:s13+$0x10420] =	vst v4  }
0x158: {  	[tilespmem:s13+$0x14420] =	vst v8  }
0x159: {  	[tilespmem:s13+$0x10430] =	vst v11  }
0x15a: {  	[tilespmem:s13+$0x14430] =	vst v13  }
0x15b: {  	[tilespmem:s13+$0x10470] =	vst v16  }
0x15c: {  	s16 =	rddreg [dreg:$0xb];
	[tilespmem:s13+$0x14470] =	vst v18  }
0x15d: {  	v9 =	vsub.f32 v9, v14;
	[hbm4b:s16+s4] =	stream.linear.scatter [tilespmem:s1], [sflag:$0x4], $0x2000, $0x38;
	[tilespmem:$0x16410] =	vst v63  }
0x15e: {  	v12 =	vsub.f32 v12, v15  }
0x15f: {  	v55 =	vsub.f32 v17, v20;
	v56 =	vsub.f32 v6, v7;
	v59 =	vmul.f32 v9, v9;
	[hbm4b:s17+s4] =	stream.linear.scatter [tilespmem:s0], [sflag:$0x4], $0x2000, $0x38;
	[tilespmem:$0x16410] =	vst v63  }
0x160: {  	v60 =	vmul.f32 v12, v12;
	v57 =	vsub.f32 v4, v8;
	v58 =	vsub.f32 v11, v13;
	_ =	swait.ge [sflag:s9], $0x2000  }
0x161: {  	v5 =	vsub.f32 v5, v10;
	v61 =	vmul.f32 v55, v55;
	v6 =	vmul.f32 v56, v56;
	[sflag:s9] =	ssyncset.done $0x0  }
0x162: {  	v4 =	vmul.f32 v57, v57;
	v62 =	vsub.f32 v16, v18;
	v7 =	vmul.f32 v58, v58;
	[sflag:s9] =	ssyncadd.s32 $0xFFFFE000  }
0x163: {  	v5 =	vmul.f32 v5, v5;
	v2 =	vadd.f32 v61, v2;
	v3 =	vadd.f32 v6, v3;
	_ =	swait.ge [sflag:s9], $0x2000  }
0x164: {  	v0 =	vadd.f32 v4, v0;
	v63 =	vmul.f32 v62, v62;
	v1 =	vadd.f32 v7, v1;
	[sflag:s9] =	ssyncset.done $0x0  }
0x165: {  	v2 =	vadd.f32 v59, v2;
	v3 =	vadd.f32 v60, v3;
	[sflag:s9] =	ssyncadd.s32 $0xFFFFE000  }
0x166: {  	v0 =	vadd.f32 v5, v0;
	v1 =	vadd.f32 v63, v1;
	_ =	swait.ge [sflag:s11], $0x2000  }
0x167: {  	[sflag:s11] =	ssyncset.done $0x0  }
0x168: {  	v2 =	vadd.f32 v3, v2;
	v0 =	vadd.f32 v1, v0;
	[sflag:s11] =	ssyncadd.s32 $0xFFFFE000  }
0x169: {  	_ =	swait.ge [sflag:s11], $0x2000  }
0x16a: {  	s12 =	sadd.s32 $0x1, s12;
	v0 =	vadd.f32 v0, v2;
	[sflag:s11] =	ssyncset.done $0x0  }
0x16b: {  	p0 =	sne.s32 s12, s19;
	[sflag:s11] =	ssyncadd.s32 $0xFFFFE000  }
.Ltmp7:
0x16c: {  	s30 =	simm.s32 $0x16400;
	[tilespmem:$0x16400] =	vst v0;
	(pc) =	sbr.rel @p0 .LBB2_1-.Ltmp7, $4  }
0x16d: {  	[hbm4b:s18+s4] =	stream.linear.scatter [tilespmem:s30], [sflag:$0x5], $0x10, $0x38;
	[tilespmem:$0x16410] =	vst v63  }
0x16e: {  	_ =	swait.ge [sflag:s20], $0x10  }
0x16f: {  	[sflag:s20] =	ssyncset.done $0x0  }
0x170: {  	[sflag:s20] =	ssyncadd.s32 $0xFFFFFFF0  }
0x171: {  	_ =	sfence.sel $0x180000  }
0x172: {  	[bflag:$0x0] =	sbarrier.arrive $0xFFFF  }
0x173: {  	_ =	strace $0x90000047  }
0x174: {  	s0 =	stileid.u32;
	[bflag:$0x2] =	sbarrier.arrive $0xFFFF  }
0x175: {  	p0 =	sne.s32 s0, $0x0;
	s0 =	rddreg [dreg:$0x3]  }
0x176: {  	s0 =	sadd.s32 @!p0 $0x100000, s0  }
0x177: {  	[sflag:s0] =	ssyncadd.tile.s32 @!p0 $0x1;
	_ =	shalt  }
.Lfunc_end2:
_tile_overlayer_lowered:
.L_overlay_start_2:
0x178: {  	(tag) =	ssettag $0x2  }
0x179: {  	s0 =	rddreg [dreg:$0x0];
	s2 =	stileid.u32  }
0x17a: {  	s1 =	rddreg [dreg:$0x1];
	p0 =	sne.s32 s2, $0x0  }
0x17b: {  	s3 =	rddreg [dreg:$0x2];
	[bflag:$0x3] =	sbarrier.arrive $0xFFFF;
	s2 =	simm.s32 @!p0 $0x1C05  }
0x17c: {  	[timem:s3], [sflag:s2] =	dma.local @!p0 [hbm:s0], s1  }
0x17d: {  	s0 =	simm.s32 @!p0 $0x5  }
0x17e: {  	_ =	swait.ge @!p0 [sflag:s0], s1  }
0x17f: {  	s1 =	ssub.s32 @!p0 $0x0, s1;
	[sflag:s0] =	ssyncset.done @!p0 $0x0  }
0x180: {  	[sflag:s0] =	ssyncadd.s32 @!p0 s1  }
0x181: {  	[bflag:$0x3] =	sbarrier.arrive $0xFFFF  }
0x182: {  	_ =	shalt  }

// kernel: sparse-core-data-format-call.1.cloned.1.call-start
scs
called_computation.1_lowered:
.L_overlay_start_0:
0x0: {  	s2 =	sld [smem:$0x3FD9]  }
0x1: {  	s3 =	sld [smem:$0x3FFE];
	_ =	sdelay $0x1  }
0x2: {  	s1 =	srdreg.scid  }
0x3: {  	s0 =	sand.u32 $0x1, s1  }
0x4: {  	s16 =	sshll.u32 s0, $0xA;
	s2 =	sadd.s32 s3, s2  }
0x5: {  	s2 =	sadd.s32 s2, s16  }
0x6: {  	[smem:$0x3FC5] =	sst s2  }
0x7: {  	_ = 	snop  }
0x8: {  	s2 =	sld [smem:$0x3FD0];
	_ =	sdelay $0x2  }
0x9: {  	s17 =	simm.s32 $0xB;
	s4 =	simm.s32 $0x10  }
0xa: {  	[smem:s4], [sflag:s17] =	dma.local [hbm:s2], $0x1  }
0xb: {  	_ =	swait.eq [sflag:s17], $0x1  }
0xc: {  	[sflag:s17] =	ssyncset.done $0x0  }
0xd: {  	[sflag:s17] =	ssyncadd.s32 $0xFFFFFFFF  }
0xe: {  	s18 =	sld [smem:$0x10];
	(tm) =	ssettm $0x1  }
0xf: {  	s19 =	sld [smem:$0x3FFB];
	_ =	sdelay $0x3  }
0x10: {  	_ =	strace s19  }
0x11: {  	s2 =	sld [smem:$0x3FFC];
	_ =	sdelay $0x3  }
0x12: {  	_ =	strace s2  }
0x13: {  	s2 =	sld [smem:$0x3FFD];
	_ =	sdelay $0x3  }
0x14: {  	_ =	strace s2  }
0x15: {  	_ =	strace $0x8FFFFFFF  }
0x16: {  	s20 =	sld [smem:$0x3FDB];
	_ =	sdelay $0x1  }
0x17: {  	s21 =	simm.s32 $_scs_section_size  }
0x18: {  	s5 =	simm.s32 $_size__tile_overlayer_lowered;
	s6 =	simm.s32 $_tile_overlayer_lowered  }
0x19: {  	s7 =	simm.s32 $0x1BFF;
	s22 =	sshll.u32 s6, $0x1;
	s4 =	sadd.s32 s21, s20  }
0x1a: {  	s23 =	simm.s32 $0x0;
	s5 =	sshll.u32 s5, $0x1;
	s6 =	sadd.s32 s22, s4  }
0x1b: {  	[timem:s23], [sflag:s7] =	dma.local [hbm:s6], s5  }
0x1c: {  	_ =	swait.ge [sflag:s7], s5  }
0x1d: {  	s5 =	ssub.s32 $0x0, s5;
	[sflag:s7] =	ssyncset.done $0x0  }
0x1e: {  	[sflag:s7] =	ssyncadd.s32 s5;
	_ =	sdelay $0x1  }
0x1f: {  	s24 =	simm.s32 $0x1B8B  }
0x20: {  	_ =	swait.ge [sflag:s24], $0x1  }
0x21: {  	[sflag:s24] =	ssyncset.done $0x0  }
0x22: {  	[sflag:s24] =	ssyncadd.s32 $0xFFFFFFFF  }
0x23: {  	s5 =	sld [smem:$0x0]  }
0x24: {  	s6 =	sand.u32 $0xFFFFFFFE, s1  }
0x25: {  	p0 =	sne.s32 s1, s6  }
0x26: {  	s6 =	sshll.u32 @p0 s6, $0xE  }
0x27: {  	s6 =	sadd.s32 @p0 $0x11B8D, s6;
	s7 =	sshll.u32 @p0 s5, $0x11  }
0x28: {  	s6 =	sor.u32 @p0 s7, s6  }
0x29: {  	[sflag:s6] =	ssyncadd.remote.s32 @p0 $0x1;
	_ =	sdelay $0x1  }
0x2a: {  	s6 =	simm.s32 @p0 $0x1B8D  }
0x2b: {  	_ =	swait.eq @p0 [sflag:s6], $0x1  }
0x2c: {  	[sflag:s6] =	ssyncadd.s32 @p0 $0xFFFFFFFF  }
0x2d: {  	s7 =	sshll.u32 @!p0 s1, $0xE  }
0x2e: {  	s7 =	sor.u32 @!p0 $0x4000, s7;
	s6 =	simm.s32 @!p0 $0x1B8D  }
0x2f: {  	s5 =	sshll.u32 @!p0 s5, $0x11;
	s7 =	sadd.s32 @!p0 $0x11B8D, s7;
	_ =	swait.eq @!p0 [sflag:s6], $0x1  }
0x30: {  	s5 =	sor.u32 @!p0 s5, s7;
	[sflag:s6] =	ssyncadd.s32 @!p0 $0xFFFFFFFF  }
0x31: {  	s26 =	simm.s32 $0x1B8E;
	s25 =	sld [smem:$0x3FFE];
	[sflag:s5] =	ssyncadd.remote.s32 @!p0 $0x1  }
0x32: {  	s27 =	simm.s32 $execute0_lowered;
	[smem:$0x3FD2] =	sst s26  }
0x33: {  	s6 =	sshll.u32 s27, $0x1;
	_ =	strace $0x8000004C;
	[dreg:$0x1] =	wrdreg $0xFFFFFFFF  }
0x34: {  	s28 =	simm.s32 $_size_execute0_lowered;
	s4 =	sadd.s32 s4, s6;
	[dreg:$0x0] =	wrdreg $0x0  }
0x35: {  	s6 =	sshll.u32 s28, $0x1;
	[dreg:$0x2] =	wrdreg s4  }
0x36: {  	[dreg:$0x3] =	wrdreg s6  }
0x37: {  	[dreg:$0x4] =	wrdreg $0xC0  }
0x38: {  	_ =	task [dreg:s23], $0x5FFFF  }
0x39: {  	[dreg:$0x1] =	wrdreg $0xFFFFFFFF  }
0x3a: {  	[dreg:$0x0] =	wrdreg $0x60  }
0x3b: {  	[dreg:$0x2] =	wrdreg s25  }
0x3c: {  	[dreg:$0x3] =	wrdreg s18  }
0x3d: {  	[dreg:$0x4] =	wrdreg $0xA  }
0x3e: {  	_ =	task.clear_ibuf [dreg:s23], $0x5FFFF;
	_ =	strace $0x9000004C  }
0x3f: {  	s29 =	simm.s32 $0xA;
	_ =	strace $0x8000004E  }
0x40: {  	_ =	swait.ge [sflag:s29], $0x1  }
0x41: {  	[sflag:s29] =	ssyncadd.s32 $0xFFFFFFFF  }
0x42: {  	_ =	strace $0x9000004E  }
0x43: {  	_ =	sfence  }
0x44: {  	s30 =	sld [smem:$0x0];
	_ =	sdelay $0x2  }
0x45: {  	s31 =	sshll.u32 s1, $0xD;
	s1 =	sshrl.u32 s1, $0x2  }
0x46: {  	s4 =	sand.u32 $0x4000, s31;
	s1 =	sadd.s32 s1, s30  }
0x47: {  	s0 =	sor.u32 s4, s0;
	s1 =	sshll.u32 s1, $0x11  }
0x48: {  	s0 =	sor.u32 s1, s0  }
0x49: {  	s0 =	sadd.s32 $0x8F2B, s0  }
0x4a: {  	[sflag:s0] =	ssyncadd.remote.s32 $0x1  }
0x4b: {  	_ =	sfence.sel $0xFFFF  }
0x4c: {  	[dreg:$0x0] =	wrdreg $0xFFFFFFFF;
	(pc) =	sbr.abs _section_cstart, $3  }
0x4d: {  	[dreg:$0x1] =	wrdreg $0xFFFFFFFF  }
0x4e: {  	_ =	task.clear_ibuf [dreg:s23], $0x2FFFF;
	_ =	strace $0x9FFFFFFF  }
0x4f: {  	(tm) =	ssettm $0x7FFFFFFF  }
tec
execute0_lowered:
.L_overlay_start_1:
0x0: {  	(tag) =	ssettag $0x1  }
0x1: {  	s0 =	srdreg.scid  }
0x2: {  	s1 =	sshll.u32 s0, $0x4  }
0x3: {  	s0 =	stileid.u32;
	s1 =	sand.u32 $0x10, s1  }
0x4: {  	s1 =	sor.u32 s0, s1  }
0x5: {  	s6 =	rddreg [dreg:$0x0];
	s4 =	simm.s32 $0x1;
	s2 =	sshll.u32 s1, $0x7  }
0x6: {  	s7 =	simm.s32 $0x2;
	s12 =	simm.s32 $0x0;
	s1 =	ssub.s32 $0x4000, s2  }
0x7: {  	s8 =	simm.s32 $0x20000;
	s13 =	simm.s32 $0x0;
	s3 =	sand.u32 $0xF80, s1  }
0x8: {  	s9 =	simm.s32 $0x0;
	s5 =	sshrl.u32 s1, $0xC;
	p0 =	sne.s32 s3, $0x0  }
.Ltmp0:
0x9: {  	s1 =	rddreg [dreg:$0x2];
	s4 =	simm.s32 @!p0 $0x0;
	(pc) =	sbr.rel .LBB1_1-.Ltmp0, $4  }
0xa: {  	s11 =	simm.s32 $0x0;
	s3 =	rddreg [dreg:$0x1];
	s5 =	sadd.s32 s4, s5  }
0xb: {  	_ =	strace $0x8000004D;
	s4 =	simm.s32 $0x1;
	s5 =	smul.u32 $0x32, s5  }
0xc: {  	s6 =	sadd.s32 $0xFA2C00, s6;
	s10 =	smov.u32 s2;
	[sflag:s4] =	ssyncpa.u1 $0x0  }
0xd: {  	p0 =	por $0x0, $0x0;
	[sflag:s7] =	ssyncpa.u1 $0x0;
	s7 =	sor.u32 $0x1, s5  }
.LBB1_4:
0xe: {  	s16 =	sshll.u32 s13, $0x3;
	s17 =	sand.u32 $0x78, s13  }
0xf: {  	s30 =	sand.u32 $0x1F800, s13;
	s12 =	sshll.u32 s12, $0x11;
	s16 =	sand.u32 $0x3C00, s16  }
0x10: {  	[tilespmem:s15+$0x810 ss:$0x81] =	vst.msk $0xffff, v2;
	s31 =	sand.u32 $0x7, s13;
	s16 =	sor.u32 s17, s16;
	s17 =	sadd.s32 s3, s30  }
0x11: {  	[tilespmem:s15+$0x1020 ss:$0x81] =	vst.msk $0xffff, v0;
	s13 =	sshll.u32 s31, $0x12;
	s12 =	sadd.s32 s12, s17;
	s16 =	sshrl.u32 s16, $0x3  }
0x12: {  	[tilespmem:s15+$0x0 ss:$0x81] =	vst.msk $0xffff, v1;
	s13 =	sor.u32 $0x400, s13;
	s12 =	sadd.s32 s16, s12  }
0x13: {  	[hbm4b:s12+s13] =	stream.strided.scatter [tilespmem:s14], [sflag:$0x2], $0x2000, s8, s13, $0x20;
	[tilespmem:$0x8080] =	vst v63  }
.LBB1_5:
0x14: {  	s14 =	sadd.s32 $0x1, s9  }
0x15: {  	s12 =	sadd.s32 $0x1000, s10;
	s16 =	smov.u32 s10;
	p2 =	sgt.s32 s14, $0x31  }
0x16: {  	s16 =	smov.u32 @p2 s12  }
0x17: {  	s14 =	simm.s32 @p2 $0x0;
	p2 =	sgt.s32 s16, $0x3FFF  }
0x18: {  	s16 =	smov.u32 @p2 s2;
	p2 =	sne.s32 s11, s7  }
.Ltmp1:
0x19: {  	p1 =	slt.u32 s11, $0x2;
	(pc) =	sbr.rel @!p2 .LBB1_6-.Ltmp1, $4  }
0x1a: {  	s15 =	simm.s32 @!p1 $0x2  }
0x1b: {  	s13 =	smov.u32 s10;
	p0 =	por !p0, !p0;
	_ =	swait.ge @!p1 [sflag:s15], $0x2000  }
0x1c: {  	s12 =	smov.u32 s9;
	[sflag:s15] =	ssyncset.done @!p1 $0x0;
	s9 =	smov.u32 s14  }
0x1d: {  	s11 =	sadd.s32 $0x1, s11;
	[sflag:s15] =	ssyncadd.s32 @!p1 $0xFFFFE000;
	s10 =	smov.u32 s16  }
.LBB1_1:
0x1e: {  	p1 =	sge.u32 s11, s5  }
0x1f: {  	s14 =	sand.u32 @!p1 $0x1FFFFFF, s9  }
0x20: {  	s15 =	smulhi.u32 @!p1 $0x4924925, s14;
	_ =	sdelay $0x1  }
0x21: {  	s15 =	smul.u32 @!p1 $0x38, s15  }
0x22: {  	s16 =	sxor.u32 @!p1 $0xFFFFFFFF, s11;
	s17 =	smul.u32 @!p1 $0x380, s10  }
0x23: {  	s31 =	sadd.s32 $0xFFFFFFFF, s11;
	s16 =	sshll.u32 @!p1 s16, $0xD;
	s14 =	ssub.s32 @!p1 s14, s15  }
0x24: {  	s15 =	sand.u32 @!p1 $0x2000, s16;
	s16 =	sadd.s32 @!p1 s6, s17;
	s14 =	sshll.u32 @!p1 s14, $0x4  }
0x25: {  	s17 =	simm.s32 @!p1 $0x1C00;
	s14 =	sadd.s32 @!p1 s14, s16;
	s16 =	simm.s32 @!p1 $0x40  }
0x26: {  	[tilespmem:s15], [sflag:$0x1] =	stream.strided.gather @!p1 [hbm4b:s14+s16], $0x2000, s17, s16, $0x38;
	[tilespmem:$0x8080] =	vst v63  }
0x27: {  	p1 =	sge.u32 s31, s5  }
.Ltmp2:
0x28: {  	_ = 	snop;
	(pc) =	sbr.rel @p1 .LBB1_5-.Ltmp2, $1  }
0x29: {  	_ =	sdelay $0x3  }
0x2a: {  	s14 =	simm.s32 $0x1  }
0x2b: {  	_ =	swait.ge [sflag:s4], $0x2000;
	s14 =	simm.s32 @!p0 $0x0  }
0x2c: {  	[sflag:s4] =	ssyncset.done $0x0;
	s15 =	sshll.u32 s14, $0xD  }
0x2d: {  	[sflag:s4] =	ssyncadd.s32 $0xFFFFE000;
	s18 =	sor.u32 $0x20, s15  }
0x2e: {  	s14 =	smul.u32 $0x8100, s14;
	v3 =	vld [tilespmem:s18+$0x10]  }
0x2f: {  	s30 =	sand.u32 $0x1, s11;
	v2 =	vld [tilespmem:s18+$0xFFFFFFF0]  }
0x30: {  	s15 =	smul.u32 $0x8100, s30;
	s14 =	sshrl.u32 s14, $0x2;
	v0 =	vld [tilespmem:s18+$0x0]  }
0x31: {  	v1 =	vld [tilespmem:s18+$0xFFFFFFE0];
	s16 =	sor.u32 $0x4000, s14  }
0x32: {  	s31 =	sshrl.u32 s15, $0x2;
	s15 =	sadd.s32 $0x0, s16  }
0x33: {  	s17 =	simm.s32 $0x4;
	s18 =	sadd.s32 $0x40, s18;
	s14 =	sor.u32 $0x4000, s31;
	[tilespmem:s15+$0x1830 ss:$0x81] =	vst.msk $0xffff, v3  }
.LBB1_3:
0x34: {  	v3 =	vld [tilespmem:s18+$0x10];
	p1 =	sne.s32 s17, $0x1FC;
	[tilespmem:s15+$0x810 ss:$0x81] =	vst.msk $0xffff, v2;
	s19 =	smov.u32 s17;
	s17 =	sadd.s32 $0x4, s17  }
.Ltmp3:
0x35: {  	v2 =	vld [tilespmem:s18+$0xFFFFFFF0];
	[tilespmem:s15+$0x1020 ss:$0x81] =	vst.msk $0xffff, v0;
	(pc) =	sbr.rel @p1 .LBB1_3-.Ltmp3, $4  }
0x36: {  	v0 =	vld [tilespmem:s18+$0x0];
	[tilespmem:s15+$0x0 ss:$0x81] =	vst.msk $0xffff, v1  }
0x37: {  	s15 =	sshra.s32 s19, $0x2;
	v1 =	vld [tilespmem:s18+$0xFFFFFFE0]  }
0x38: {  	s15 =	sadd.s32 s15, s16  }
0x39: {  	s18 =	sadd.s32 $0x40, s18;
	[tilespmem:s15+$0x1830 ss:$0x81] =	vst.msk $0xffff, v3  }
.Ltmp4:
0x3a: {  	_ = 	snop;
	(pc) =	sbr.rel .LBB1_4-.Ltmp4, $1  }
0x3b: {  	_ =	sdelay $0x3  }
.LBB1_6:
0x3c: {  	_ =	sfence.sel $0x180000  }
0x3d: {  	s2 =	simm.s32 $0x1;
	[bflag:$0x0] =	sbarrier.arrive $0xFFFF  }
0x3e: {  	s31 =	simm.s32 $0x2;
	[sflag:s2] =	ssyncpa.u1 $0x1  }
0x3f: {  	[sflag:s31] =	ssyncpa.u1 $0x1  }
0x40: {  	p0 =	sne.s32 s0, $0x0;
	_ =	strace $0x9000004D  }
0x41: {  	s0 =	sadd.s32 @!p0 $0x100000, s1;
	[bflag:$0x2] =	sbarrier.arrive $0xFFFF  }
0x42: {  	[sflag:s0] =	ssyncadd.tile.s32 @!p0 $0x1;
	_ =	shalt  }
.Lfunc_end1:
_tile_overlayer_lowered:
.L_overlay_start_2:
0x43: {  	(tag) =	ssettag $0x2  }
0x44: {  	s0 =	rddreg [dreg:$0x0];
	s2 =	stileid.u32  }
0x45: {  	s1 =	rddreg [dreg:$0x1];
	p0 =	sne.s32 s2, $0x0  }
0x46: {  	s3 =	rddreg [dreg:$0x2];
	[bflag:$0x3] =	sbarrier.arrive $0xFFFF;
	s2 =	simm.s32 @!p0 $0x1C01  }
0x47: {  	[timem:s3], [sflag:s2] =	dma.local @!p0 [hbm:s0], s1  }
0x48: {  	s0 =	simm.s32 @!p0 $0x1  }
0x49: {  	_ =	swait.ge @!p0 [sflag:s0], s1  }
0x4a: {  	s1 =	ssub.s32 @!p0 $0x0, s1;
	[sflag:s0] =	ssyncset.done @!p0 $0x0  }
0x4b: {  	[sflag:s0] =	ssyncadd.s32 @!p0 s1  }
0x4c: {  	[bflag:$0x3] =	sbarrier.arrive $0xFFFF  }
0x4d: {  	_ =	shalt  }

// kernel: sparse-core-data-format-call.cloned.1.call-start
scs
called_computation_lowered:
.L_overlay_start_0:
0x0: {  	s2 =	sld [smem:$0x3FD9]  }
0x1: {  	s3 =	sld [smem:$0x3FFE];
	_ =	sdelay $0x1  }
0x2: {  	s1 =	srdreg.scid  }
0x3: {  	s0 =	sand.u32 $0x1, s1  }
0x4: {  	s15 =	sshll.u32 s0, $0xA;
	s2 =	sadd.s32 s3, s2  }
0x5: {  	s2 =	sadd.s32 s2, s15  }
0x6: {  	[smem:$0x3FC5] =	sst s2  }
0x7: {  	_ = 	snop  }
0x8: {  	s2 =	sld [smem:$0x3FD0];
	_ =	sdelay $0x2  }
0x9: {  	s16 =	simm.s32 $0xB;
	s4 =	simm.s32 $0x10  }
0xa: {  	[smem:s4], [sflag:s16] =	dma.local [hbm:s2], $0x1  }
0xb: {  	_ =	swait.eq [sflag:s16], $0x1  }
0xc: {  	[sflag:s16] =	ssyncset.done $0x0  }
0xd: {  	[sflag:s16] =	ssyncadd.s32 $0xFFFFFFFF  }
0xe: {  	s17 =	sld [smem:$0x11];
	(tm) =	ssettm $0x1  }
0xf: {  	s18 =	sld [smem:$0x3FFB];
	_ =	sdelay $0x3  }
0x10: {  	_ =	strace s18  }
0x11: {  	s3 =	sld [smem:$0x3FFC];
	_ =	sdelay $0x3  }
0x12: {  	_ =	strace s3  }
0x13: {  	s3 =	sld [smem:$0x3FFD];
	_ =	sdelay $0x3  }
0x14: {  	_ =	strace s3  }
0x15: {  	_ =	strace $0x8FFFFFFF  }
0x16: {  	s19 =	sld [smem:$0x3FDB];
	_ =	sdelay $0x1  }
0x17: {  	s20 =	simm.s32 $_scs_section_size  }
0x18: {  	s5 =	simm.s32 $_size__tile_overlayer_lowered;
	s6 =	simm.s32 $_tile_overlayer_lowered  }
0x19: {  	s23 =	simm.s32 $0x1BFF;
	s22 =	sshll.u32 s6, $0x1;
	s3 =	sadd.s32 s20, s19  }
0x1a: {  	s7 =	simm.s32 $0x0;
	s21 =	sshll.u32 s5, $0x1;
	s5 =	sadd.s32 s22, s3  }
0x1b: {  	[timem:s7], [sflag:s23] =	dma.local [hbm:s5], s21  }
0x1c: {  	_ =	swait.ge [sflag:s23], s21  }
0x1d: {  	s4 =	ssub.s32 $0x0, s21;
	[sflag:s23] =	ssyncset.done $0x0  }
0x1e: {  	[sflag:s23] =	ssyncadd.s32 s4;
	_ =	sdelay $0x1  }
0x1f: {  	s24 =	simm.s32 $0x1B8B  }
0x20: {  	_ =	swait.ge [sflag:s24], $0x1  }
0x21: {  	[sflag:s24] =	ssyncset.done $0x0  }
0x22: {  	s26 =	simm.s32 $0x1B8E;
	s25 =	sld [smem:$0x3FFE];
	[sflag:s24] =	ssyncadd.s32 $0xFFFFFFFF  }
0x23: {  	s27 =	simm.s32 $execute0_lowered;
	[smem:$0x3FD2] =	sst s26  }
0x24: {  	s5 =	sshll.u32 s27, $0x1;
	_ =	strace $0x80000049;
	[dreg:$0x1] =	wrdreg $0xFFFFFFFF  }
0x25: {  	s28 =	simm.s32 $_size_execute0_lowered;
	s3 =	sadd.s32 s3, s5;
	[dreg:$0x0] =	wrdreg $0x0  }
0x26: {  	s5 =	sshll.u32 s28, $0x1;
	[dreg:$0x2] =	wrdreg s3  }
0x27: {  	[dreg:$0x3] =	wrdreg s5  }
0x28: {  	[dreg:$0x4] =	wrdreg $0xC0  }
0x29: {  	_ =	task [dreg:s7], $0x5FFFF  }
0x2a: {  	[dreg:$0x1] =	wrdreg $0xFFFFFFFF  }
0x2b: {  	[dreg:$0x0] =	wrdreg $0x60  }
0x2c: {  	[dreg:$0x2] =	wrdreg s25  }
0x2d: {  	[dreg:$0x3] =	wrdreg s17  }
0x2e: {  	[dreg:$0x4] =	wrdreg $0x9  }
0x2f: {  	_ =	task.clear_ibuf [dreg:s7], $0x5FFFF;
	_ =	strace $0x90000049  }
0x30: {  	s29 =	simm.s32 $0x9;
	_ =	strace $0x8000004B  }
0x31: {  	_ =	swait.ge [sflag:s29], $0x1  }
0x32: {  	[sflag:s29] =	ssyncadd.s32 $0xFFFFFFFF  }
0x33: {  	_ =	strace $0x9000004B  }
0x34: {  	_ =	sfence  }
0x35: {  	s30 =	sld [smem:$0x0];
	_ =	sdelay $0x2  }
0x36: {  	s31 =	sshll.u32 s1, $0xD;
	s1 =	sshrl.u32 s1, $0x2  }
0x37: {  	s3 =	sand.u32 $0x4000, s31;
	s1 =	sadd.s32 s1, s30  }
0x38: {  	s0 =	sor.u32 s3, s0;
	s1 =	sshll.u32 s1, $0x11  }
0x39: {  	s0 =	sor.u32 s1, s0  }
0x3a: {  	s0 =	sadd.s32 $0x8F2B, s0  }
0x3b: {  	[sflag:s0] =	ssyncadd.remote.s32 $0x1  }
0x3c: {  	_ =	sfence.sel $0xFFFF  }
0x3d: {  	[dreg:$0x0] =	wrdreg $0xFFFFFFFF;
	(pc) =	sbr.abs _section_cstart, $3  }
0x3e: {  	[dreg:$0x1] =	wrdreg $0xFFFFFFFF  }
0x3f: {  	_ =	task.clear_ibuf [dreg:s7], $0x2FFFF;
	_ =	strace $0x9FFFFFFF  }
0x40: {  	(tm) =	ssettm $0x7FFFFFFF  }
0x41: {  	_ =	shalt  }
tec
execute0_lowered:
.L_overlay_start_1:
0x0: {  	(tag) =	ssettag $0x1  }
0x1: {  	s0 =	srdreg.scid  }
0x2: {  	s1 =	sshll.u32 s0, $0x4  }
0x3: {  	s0 =	stileid.u32;
	s1 =	sand.u32 $0x10, s1  }
0x4: {  	s1 =	sor.u32 s0, s1  }
0x5: {  	s6 =	rddreg [dreg:$0x0];
	s4 =	simm.s32 $0x1;
	s2 =	sshll.u32 s1, $0x7  }
0x6: {  	s7 =	simm.s32 $0x2;
	s12 =	simm.s32 $0x0;
	s1 =	ssub.s32 $0x4000, s2  }
0x7: {  	s8 =	simm.s32 $0x20000;
	s13 =	simm.s32 $0x0;
	s3 =	sand.u32 $0xF80, s1  }
0x8: {  	s9 =	simm.s32 $0x0;
	s5 =	sshrl.u32 s1, $0xC;
	p0 =	sne.s32 s3, $0x0  }
.Ltmp0:
0x9: {  	s1 =	rddreg [dreg:$0x2];
	s4 =	simm.s32 @!p0 $0x0;
	(pc) =	sbr.rel .LBB1_1-.Ltmp0, $4  }
0xa: {  	s11 =	simm.s32 $0x0;
	s3 =	rddreg [dreg:$0x1];
	s5 =	sadd.s32 s4, s5  }
0xb: {  	_ =	strace $0x8000004A;
	s4 =	simm.s32 $0x1;
	s5 =	smul.u32 $0x32, s5  }
0xc: {  	s6 =	sadd.s32 $0x1A2C00, s6;
	s10 =	smov.u32 s2;
	[sflag:s4] =	ssyncpa.u1 $0x0  }
0xd: {  	p0 =	por $0x0, $0x0;
	[sflag:s7] =	ssyncpa.u1 $0x0;
	s7 =	sor.u32 $0x1, s5  }
.LBB1_4:
0xe: {  	s16 =	sshll.u32 s13, $0x3;
	s17 =	sand.u32 $0x78, s13  }
0xf: {  	s30 =	sand.u32 $0x1F800, s13;
	s12 =	sshll.u32 s12, $0x11;
	s16 =	sand.u32 $0x3C00, s16  }
0x10: {  	[tilespmem:s15+$0x810 ss:$0x81] =	vst.msk $0xffff, v2;
	s31 =	sand.u32 $0x7, s13;
	s16 =	sor.u32 s17, s16;
	s17 =	sadd.s32 s3, s30  }
0x11: {  	[tilespmem:s15+$0x1020 ss:$0x81] =	vst.msk $0xffff, v0;
	s13 =	sshll.u32 s31, $0x12;
	s12 =	sadd.s32 s12, s17;
	s16 =	sshrl.u32 s16, $0x3  }
0x12: {  	[tilespmem:s15+$0x0 ss:$0x81] =	vst.msk $0xffff, v1;
	s13 =	sor.u32 $0x400, s13;
	s12 =	sadd.s32 s16, s12  }
0x13: {  	[hbm4b:s12+s13] =	stream.strided.scatter [tilespmem:s14], [sflag:$0x2], $0x2000, s8, s13, $0x20;
	[tilespmem:$0x8080] =	vst v63  }
.LBB1_5:
0x14: {  	s14 =	sadd.s32 $0x1, s9  }
0x15: {  	s12 =	sadd.s32 $0x1000, s10;
	s16 =	smov.u32 s10;
	p2 =	sgt.s32 s14, $0x31  }
0x16: {  	s16 =	smov.u32 @p2 s12  }
0x17: {  	s14 =	simm.s32 @p2 $0x0;
	p2 =	sgt.s32 s16, $0x3FFF  }
0x18: {  	s16 =	smov.u32 @p2 s2;
	p2 =	sne.s32 s11, s7  }
.Ltmp1:
0x19: {  	p1 =	slt.u32 s11, $0x2;
	(pc) =	sbr.rel @!p2 .LBB1_6-.Ltmp1, $4  }
0x1a: {  	s15 =	simm.s32 @!p1 $0x2  }
0x1b: {  	s13 =	smov.u32 s10;
	p0 =	por !p0, !p0;
	_ =	swait.ge @!p1 [sflag:s15], $0x2000  }
0x1c: {  	s12 =	smov.u32 s9;
	[sflag:s15] =	ssyncset.done @!p1 $0x0;
	s9 =	smov.u32 s14  }
0x1d: {  	s11 =	sadd.s32 $0x1, s11;
	[sflag:s15] =	ssyncadd.s32 @!p1 $0xFFFFE000;
	s10 =	smov.u32 s16  }
.LBB1_1:
0x1e: {  	p1 =	sge.u32 s11, s5  }
0x1f: {  	s14 =	sand.u32 @!p1 $0x1FFFFFF, s9  }
0x20: {  	s15 =	smulhi.u32 @!p1 $0x4924925, s14;
	_ =	sdelay $0x1  }
0x21: {  	s15 =	smul.u32 @!p1 $0x38, s15  }
0x22: {  	s16 =	sxor.u32 @!p1 $0xFFFFFFFF, s11;
	s17 =	smul.u32 @!p1 $0x380, s10  }
0x23: {  	s31 =	sadd.s32 $0xFFFFFFFF, s11;
	s16 =	sshll.u32 @!p1 s16, $0xD;
	s14 =	ssub.s32 @!p1 s14, s15  }
0x24: {  	s15 =	sand.u32 @!p1 $0x2000, s16;
	s16 =	sadd.s32 @!p1 s6, s17;
	s14 =	sshll.u32 @!p1 s14, $0x4  }
0x25: {  	s17 =	simm.s32 @!p1 $0x1C00;
	s14 =	sadd.s32 @!p1 s14, s16;
	s16 =	simm.s32 @!p1 $0x40  }
0x26: {  	[tilespmem:s15], [sflag:$0x1] =	stream.strided.gather @!p1 [hbm4b:s14+s16], $0x2000, s17, s16, $0x38;
	[tilespmem:$0x8080] =	vst v63  }
0x27: {  	p1 =	sge.u32 s31, s5  }
.Ltmp2:
0x28: {  	_ = 	snop;
	(pc) =	sbr.rel @p1 .LBB1_5-.Ltmp2, $1  }
0x29: {  	_ =	sdelay $0x3  }
0x2a: {  	s14 =	simm.s32 $0x1  }
0x2b: {  	_ =	swait.ge [sflag:s4], $0x2000;
	s14 =	simm.s32 @!p0 $0x0  }
0x2c: {  	[sflag:s4] =	ssyncset.done $0x0;
	s15 =	sshll.u32 s14, $0xD  }
0x2d: {  	[sflag:s4] =	ssyncadd.s32 $0xFFFFE000;
	s18 =	sor.u32 $0x20, s15  }
0x2e: {  	s14 =	smul.u32 $0x8100, s14;
	v3 =	vld [tilespmem:s18+$0x10]  }
0x2f: {  	s30 =	sand.u32 $0x1, s11;
	v2 =	vld [tilespmem:s18+$0xFFFFFFF0]  }
0x30: {  	s15 =	smul.u32 $0x8100, s30;
	s14 =	sshrl.u32 s14, $0x2;
	v0 =	vld [tilespmem:s18+$0x0]  }
0x31: {  	v1 =	vld [tilespmem:s18+$0xFFFFFFE0];
	s16 =	sor.u32 $0x4000, s14  }
0x32: {  	s31 =	sshrl.u32 s15, $0x2;
	s15 =	sadd.s32 $0x0, s16  }
0x33: {  	s17 =	simm.s32 $0x4;
	s18 =	sadd.s32 $0x40, s18;
	s14 =	sor.u32 $0x4000, s31;
	[tilespmem:s15+$0x1830 ss:$0x81] =	vst.msk $0xffff, v3  }
.LBB1_3:
0x34: {  	v3 =	vld [tilespmem:s18+$0x10];
	p1 =	sne.s32 s17, $0x1FC;
	[tilespmem:s15+$0x810 ss:$0x81] =	vst.msk $0xffff, v2;
	s19 =	smov.u32 s17;
	s17 =	sadd.s32 $0x4, s17  }
.Ltmp3:
0x35: {  	v2 =	vld [tilespmem:s18+$0xFFFFFFF0];
	[tilespmem:s15+$0x1020 ss:$0x81] =	vst.msk $0xffff, v0;
	(pc) =	sbr.rel @p1 .LBB1_3-.Ltmp3, $4  }
0x36: {  	v0 =	vld [tilespmem:s18+$0x0];
	[tilespmem:s15+$0x0 ss:$0x81] =	vst.msk $0xffff, v1  }
0x37: {  	s15 =	sshra.s32 s19, $0x2;
	v1 =	vld [tilespmem:s18+$0xFFFFFFE0]  }
0x38: {  	s15 =	sadd.s32 s15, s16  }
0x39: {  	s18 =	sadd.s32 $0x40, s18;
	[tilespmem:s15+$0x1830 ss:$0x81] =	vst.msk $0xffff, v3  }
.Ltmp4:
0x3a: {  	_ = 	snop;
	(pc) =	sbr.rel .LBB1_4-.Ltmp4, $1  }
0x3b: {  	_ =	sdelay $0x3  }
.LBB1_6:
0x3c: {  	_ =	sfence.sel $0x180000  }
0x3d: {  	s2 =	simm.s32 $0x1;
	[bflag:$0x0] =	sbarrier.arrive $0xFFFF  }
0x3e: {  	s31 =	simm.s32 $0x2;
	[sflag:s2] =	ssyncpa.u1 $0x1  }
0x3f: {  	[sflag:s31] =	ssyncpa.u1 $0x1  }
0x40: {  	p0 =	sne.s32 s0, $0x0;
	_ =	strace $0x9000004A  }
0x41: {  	s0 =	sadd.s32 @!p0 $0x100000, s1;
	[bflag:$0x2] =	sbarrier.arrive $0xFFFF  }
0x42: {  	[sflag:s0] =	ssyncadd.tile.s32 @!p0 $0x1;
	_ =	shalt  }
.Lfunc_end1:
_tile_overlayer_lowered:
.L_overlay_start_2:
0x43: {  	(tag) =	ssettag $0x2  }
0x44: {  	s0 =	rddreg [dreg:$0x0];
	s2 =	stileid.u32  }
0x45: {  	s1 =	rddreg [dreg:$0x1];
	p0 =	sne.s32 s2, $0x0  }
0x46: {  	s3 =	rddreg [dreg:$0x2];
	[bflag:$0x3] =	sbarrier.arrive $0xFFFF;
	s2 =	simm.s32 @!p0 $0x1C01  }
0x47: {  	[timem:s3], [sflag:s2] =	dma.local @!p0 [hbm:s0], s1  }
0x48: {  	s0 =	simm.s32 @!p0 $0x1  }
0x49: {  	_ =	swait.ge @!p0 [sflag:s0], s1  }
0x4a: {  	s1 =	ssub.s32 @!p0 $0x0, s1;
	[sflag:s0] =	ssyncset.done @!p0 $0x0  }
0x4b: {  	[sflag:s0] =	ssyncadd.s32 @!p0 s1  }
0x4c: {  	[bflag:$0x3] =	sbarrier.arrive $0xFFFF  }
0x4d: {  	_ =	shalt  }

</sc_bundles>
